<compile_context>
chip_gen: v7x
topology: tpu7x:2x2x1
jax: 0.10.2.dev20260603
libtpu: 0.0.44.dev20260713+nightly
codegen_flags: <defaults>
</compile_context>

<pallas_src>
import functools

import jax
import jax.numpy as jnp
from jax import lax
from jax.experimental import pallas as pl
from jax.experimental.pallas import tpu as pltpu
from jax.experimental.pallas import tpu_sc as plsc

_NC = 2
_NS = 16
_G = 64
_EPS = 1e-5


def _chunk(ept: int, cap: int = 128) -> int:
    for k in range(cap, 0, -8):
        if ept % k == 0:
            return k
    raise ValueError(ept)



@functools.lru_cache(maxsize=None)
def _make_deg(n: int, e: int):
    nw = _NC * _NS
    k = 128
    ept = e // nw
    nch = ept // k
    rpt = (n // (8 * _NS)) * 8
    tail = n - rpt * _NS
    mesh = plsc.VectorSubcoreMesh(
        core_axis_name="c", subcore_axis_name="s", num_cores=_NC)
    out_type = [jax.ShapeDtypeStruct((n, 128), jnp.float32)] * 2
    scratch = [
        pltpu.VMEM((nch, k), jnp.int32),
        pltpu.VMEM((k, 128), jnp.float32),
        pltpu.VMEM_SHARED((n + 8, 128), jnp.float32),
    ]

    @functools.partial(pl.kernel, mesh=mesh, out_type=out_type,
                       scratch_types=scratch)
    def deg(dsts, z128, o128, d0, d1, idst, ones_v, dacc):
        c = lax.axis_index("c")
        s = lax.axis_index("s")
        row0 = s * rpt
        pltpu.sync_copy(z128, dacc.at[pl.ds(row0, rpt)])
        if tail:
            @pl.when(s == _NS - 1)
            def _zt():
                pltpu.sync_copy(z128.at[pl.ds(0, tail)],
                                dacc.at[pl.ds(rpt * _NS, tail)])
        pltpu.sync_copy(o128, ones_v)
        pltpu.sync_copy(dsts.at[c * _NS + s], idst)
        plsc.subcore_barrier()

        def body(t, carry):
            pltpu.sync_copy(ones_v, dacc.at[idst.at[t]], add=True)
            return carry
        lax.fori_loop(0, nch, body, 0)
        plsc.subcore_barrier()

        sl = pl.ds(row0, rpt)
        tl = pl.ds(rpt * _NS, tail) if tail else None

        @pl.when(c == 0)
        def _o0():
            pltpu.sync_copy(dacc.at[sl], d0.at[sl])
            if tail:
                @pl.when(s == _NS - 1)
                def _o0t():
                    pltpu.sync_copy(dacc.at[tl], d0.at[tl])

        @pl.when(c == 1)
        def _o1():
            pltpu.sync_copy(dacc.at[sl], d1.at[sl])
            if tail:
                @pl.when(s == _NS - 1)
                def _o1t():
                    pltpu.sync_copy(dacc.at[tl], d1.at[tl])

    return deg


def _deg_call(dstd, n):
    e = dstd.shape[0] * dstd.shape[1] * dstd.shape[2]
    rpt = (n // (8 * _NS)) * 8
    k = dstd.shape[2]
    z128 = jnp.zeros((rpt, 128), jnp.float32)
    o128 = jnp.ones((k, 128), jnp.float32)
    return _make_deg(n, e)(dstd, z128, o128)


def _deg_plan(e):
    ept = -(-e // (_NC * _NS * 128)) * 128
    return ept, ept * _NC * _NS - e


@functools.lru_cache(maxsize=None)
def _make_aggr(n: int, e: int, cap: int):
    ept = e // _NS
    k = _chunk(ept, cap)
    nch = ept // k
    rpt = (n // (8 * _NS)) * 8
    tail = n - rpt * _NS
    mesh = plsc.VectorSubcoreMesh(
        core_axis_name="c", subcore_axis_name="s", num_cores=_NC)

    out_type = [
        jax.ShapeDtypeStruct((n, 128), jnp.float32),
        jax.ShapeDtypeStruct((n, 128), jnp.float32),
    ]
    scratch = [
        pltpu.VMEM((nch, k), jnp.int32),
        pltpu.VMEM((nch, k), jnp.int32),
        pltpu.VMEM((k, 128), jnp.float32),
        pltpu.VMEM_SHARED((n, 128), jnp.float32),
        pltpu.SemaphoreType.DMA,
    ]

    @functools.partial(pl.kernel, mesh=mesh, out_type=out_type,
                       scratch_types=scratch)
    def aggr(ya, yb, srcs, dsts, z128, aa, ab, isrc, idst, rows, acc, sem):
        c = lax.axis_index("c")
        s = lax.axis_index("s")
        row0 = s * rpt

        pltpu.sync_copy(z128, acc.at[pl.ds(row0, rpt)])
        if tail:
            @pl.when(s == _NS - 1)
            def _zero_tail():
                pltpu.sync_copy(z128.at[pl.ds(0, tail)],
                                acc.at[pl.ds(rpt * _NS, tail)])

        pltpu.sync_copy(srcs.at[s], isrc)
        pltpu.sync_copy(dsts.at[s], idst)
        plsc.subcore_barrier()

        def run(yref):
            def body(t, carry):
                pltpu.async_copy(yref.at[isrc.at[t]], rows, sem).wait()
                pltpu.sync_copy(rows, acc.at[idst.at[t]], add=True)
                return carry
            lax.fori_loop(0, nch, body, 0)

        @pl.when(c == 0)
        def _run_a():
            run(ya)

        @pl.when(c == 1)
        def _run_b():
            run(yb)

        plsc.subcore_barrier()

        sl = pl.ds(row0, rpt)
        tl = pl.ds(rpt * _NS, tail) if tail else None

        @pl.when(c == 0)
        def _out_a():
            pltpu.sync_copy(acc.at[sl], aa.at[sl])
            if tail:
                @pl.when(s == _NS - 1)
                def _out_a_tail():
                    pltpu.sync_copy(acc.at[tl], aa.at[tl])

        @pl.when(c == 1)
        def _out_b():
            pltpu.sync_copy(acc.at[sl], ab.at[sl])
            if tail:
                @pl.when(s == _NS - 1)
                def _out_b_tail():
                    pltpu.sync_copy(acc.at[tl], ab.at[tl])

    return aggr


_AGGR_CAP = 80


def _aggr_call(ya, yb, srcs, dsts):
    n = ya.shape[0]
    e = srcs.shape[0] * srcs.shape[1] * srcs.shape[2]
    rpt = (n // (8 * _NS)) * 8
    z128 = jnp.zeros((rpt, 128), jnp.float32)
    return _make_aggr(n, e, _AGGR_CAP)(ya, yb, srcs, dsts, z128)



@functools.lru_cache(maxsize=None)
def _make_layer(n: int, affine: bool, pool: bool, bn: int):
    grid = n // bn
    nf = float(n)

    def body(*refs):
        i = pl.program_id(0)
        it = iter(refs)
        ya, yb, aa, ab = next(it), next(it), next(it), next(it)
        if affine:
            d0, d1, s_in, q_in, g_in, be_in = (next(it), next(it), next(it),
                                               next(it), next(it), next(it))
        wa, ba, wb, bb = next(it), next(it), next(it), next(it)
        if pool:
            bat = next(it)
        oa, ob, s_o, q_o = next(it), next(it), next(it), next(it)
        if pool:
            p_o, cnt_o = next(it), next(it)

        y = jnp.concatenate([ya[...], yb[...]], axis=1)
        agg = jnp.concatenate([aa[...], ab[...]], axis=1)
        if affine:
            mu = s_in[...] * (1.0 / nf)
            var = q_in[...] * (1.0 / nf) - mu * mu
            a = g_in[...] * lax.rsqrt(var + _EPS)
            cbias = be_in[...] - mu * a
            m = a * (y + agg) + cbias * (
                1.0 + (d0[...] + d1[...])[:, 0:1])
        else:
            m = y + agg
        t = jnp.maximum(
            jnp.dot(m, wa[...], preferred_element_type=jnp.float32) + ba[...],
            0.0)
        y2 = jnp.maximum(
            jnp.dot(t, wb[...], preferred_element_type=jnp.float32) + bb[...],
            0.0)
        oa[...] = y2[:, :128]
        ob[...] = y2[:, 128:]
        s_p = jnp.sum(y2, axis=0, keepdims=True)
        q_p = jnp.sum(y2 * y2, axis=0, keepdims=True)
        if pool:
            iota_g = lax.broadcasted_iota(jnp.int32, (_G, bn), 0)
            onehot = (jnp.reshape(bat[...], (1, bn)) == iota_g
                      ).astype(jnp.float32)
            p_p = jnp.dot(onehot, y2, preferred_element_type=jnp.float32)
            c_p = jnp.sum(onehot, axis=1, keepdims=True) + jnp.zeros(
                (_G, 128), jnp.float32)

        @pl.when(i == 0)
        def _init():
            s_o[...] = s_p
            q_o[...] = q_p
            if pool:
                p_o[...] = p_p
                cnt_o[...] = c_p

        @pl.when(i > 0)
        def _accum():
            s_o[...] += s_p
            q_o[...] += q_p
            if pool:
                p_o[...] += p_p
                cnt_o[...] += c_p

    half = pl.BlockSpec((bn, 128), lambda i: (i, 0))
    full = pl.BlockSpec((256, 256), lambda i: (0, 0))
    vec = pl.BlockSpec((1, 256), lambda i: (0, 0))
    in_specs = [half, half, half, half]
    if affine:
        in_specs += [pl.BlockSpec((bn, 128), lambda i: (i, 0)),
                     pl.BlockSpec((bn, 128), lambda i: (i, 0)),
                     vec, vec, vec, vec]
    in_specs += [full, vec, full, vec]
    if pool:
        in_specs += [pl.BlockSpec((1, 1, bn), lambda i: (i, 0, 0))]
    out_specs = [half, half, vec, vec]
    out_shape = [jax.ShapeDtypeStruct((n, 128), jnp.float32),
                 jax.ShapeDtypeStruct((n, 128), jnp.float32),
                 jax.ShapeDtypeStruct((1, 256), jnp.float32),
                 jax.ShapeDtypeStruct((1, 256), jnp.float32)]
    if pool:
        out_specs += [pl.BlockSpec((_G, 256), lambda i: (0, 0)),
                      pl.BlockSpec((_G, 128), lambda i: (0, 0))]
        out_shape += [jax.ShapeDtypeStruct((_G, 256), jnp.float32),
                      jax.ShapeDtypeStruct((_G, 128), jnp.float32)]

    return pl.pallas_call(
        body, grid=(grid,), in_specs=in_specs, out_specs=out_specs,
        out_shape=out_shape)



@functools.lru_cache(maxsize=None)
def _make_head(n: int, out_dim: int):
    nf = float(n)

    def body(p, cnt, s_in, q_in, g_in, be_in, wf1, bf1, wf2, bf2, out):
        mu = s_in[...] * (1.0 / nf)
        var = q_in[...] * (1.0 / nf) - mu * mu
        a = g_in[...] * lax.rsqrt(var + _EPS)
        cbias = be_in[...] - mu * a
        pooled = a * p[...] + cbias * cnt[...][:, 0:1]
        t = jnp.maximum(
            jnp.dot(pooled, wf1[...], preferred_element_type=jnp.float32)
            + bf1[...], 0.0)
        logits = jnp.dot(t, wf2[...], preferred_element_type=jnp.float32) \
            + bf2[...]
        mx = jnp.max(logits, axis=-1, keepdims=True)
        z = logits - mx
        out[...] = z - jnp.log(jnp.sum(jnp.exp(z), axis=-1, keepdims=True))

    return pl.pallas_call(
        body, out_shape=jax.ShapeDtypeStruct((_G, out_dim), jnp.float32))



def kernel(x, edge_index, batch, W1a, b1a, W1b, b1b, g1, be1, W2a, b2a, W2b,
           b2b, g2, be2, W3a, b3a, W3b, b3b, g3, be3, Wf1, bf1, Wf2, bf2):
    n, d = x.shape
    e = edge_index.shape[1]
    out_dim = Wf2.shape[1]
    bn = 1000
    ept = e // _NS
    k = _chunk(ept, _AGGR_CAP)

    eptd, padd = _deg_plan(e)
    xa, xb = x[:, :128], x[:, 128:]
    srcs = edge_index[0].reshape(_NS, ept // k, k)
    dsts = edge_index[1].reshape(_NS, ept // k, k)
    dstd = jnp.concatenate(
        [edge_index[1], jnp.full((padd,), n, jnp.int32)]
    ).reshape(_NC * _NS, eptd // 128, 128)
    bat3 = batch.reshape(n // bn, 1, bn)

    def r(v):
        return v.reshape(1, -1)

    deg0, deg1 = _deg_call(dstd, n)
    a1a, a1b = _aggr_call(xa, xb, srcs, dsts)
    y1a, y1b, s1, q1 = _make_layer(n, False, False, bn)(
        xa, xb, a1a, a1b, W1a, r(b1a), W1b, r(b1b))

    a2a, a2b = _aggr_call(y1a, y1b, srcs, dsts)
    y2a, y2b, s2, q2 = _make_layer(n, True, False, bn)(
        y1a, y1b, a2a, a2b, deg0, deg1, s1, q1, r(g1), r(be1),
        W2a, r(b2a), W2b, r(b2b))

    a3a, a3b = _aggr_call(y2a, y2b, srcs, dsts)
    _, _, s3, q3, p, cnt = _make_layer(n, True, True, bn)(
        y2a, y2b, a3a, a3b, deg0, deg1, s2, q2, r(g2), r(be2),
        W3a, r(b3a), W3b, r(b3b), bat3)

    return _make_head(n, out_dim)(
        p, cnt, s3, q3, r(g3), r(be3), Wf1, r(bf1), Wf2, r(bf2))

# --- scband reference (transcript-rebuilt; emitter-appended) ---
"""Pipeline reference for scband-ginnet-41120016892601 (READ-ONLY COPY).

The authoritative reference and input builder live on the scoring server;
editing this copy changes nothing except your own understanding.
"""

import jax, jax.numpy as jnp
import numpy as np

N, E, D, G = 10000, 160000, 256, 64
OUT_DIM = 2

def setup_inputs(seed: int = 0) -> dict:
    key = jax.random.key(seed)
    ks = jax.random.split(key, 32)
    x = jax.random.normal(ks[0], (N, D), dtype=jnp.float32)
    edge_index = jax.random.randint(ks[1], (2, E), 0, N, dtype=jnp.int32)
    batch = jnp.sort(jax.random.randint(ks[2], (N,), 0, G, dtype=jnp.int32))
    def w(k, shape):
        return jax.random.normal(k, shape, dtype=jnp.float32) * 0.05
    inp = {
        'x': x, 'edge_index': edge_index, 'batch': batch,
        'W1a': w(ks[3], (D, D)), 'b1a': jnp.zeros((D,), jnp.float32),
        'W1b': w(ks[4], (D, D)), 'b1b': jnp.zeros((D,), jnp.float32),
        'g1': jnp.ones((D,), jnp.float32), 'be1': jnp.zeros((D,), jnp.float32),
        'W2a': w(ks[5], (D, D)), 'b2a': jnp.zeros((D,), jnp.float32),
        'W2b': w(ks[6], (D, D)), 'b2b': jnp.zeros((D,), jnp.float32),
        'g2': jnp.ones((D,), jnp.float32), 'be2': jnp.zeros((D,), jnp.float32),
        'W3a': w(ks[7], (D, D)), 'b3a': jnp.zeros((D,), jnp.float32),
        'W3b': w(ks[8], (D, D)), 'b3b': jnp.zeros((D,), jnp.float32),
        'g3': jnp.ones((D,), jnp.float32), 'be3': jnp.zeros((D,), jnp.float32),
        'Wf1': w(ks[9], (D, D)), 'bf1': jnp.zeros((D,), jnp.float32),
        'Wf2': w(ks[10], (D, OUT_DIM)), 'bf2': jnp.zeros((OUT_DIM,), jnp.float32),
    }
    return inp

def _gin_conv(h, src, dst, Wa, ba, Wb, bb):
    # GINConv with eps=0: nn((1+eps)*x + sum_{j in N(i)} x_j)
    aggr = jax.ops.segment_sum(h[src], dst, num_segments=h.shape[0])
    m = h + aggr
    m = jnp.maximum(m @ Wa + ba, 0.0)
    return m @ Wb + bb

def _bn(h, g, b):
    # BatchNorm1d, training-mode batch statistics (deterministic)
    mu = jnp.mean(h, axis=0)
    var = jnp.var(h, axis=0)
    return g * (h - mu) * jax.lax.rsqrt(var + 1e-5) + b

def reference(x, edge_index, batch, W1a, b1a, W1b, b1b, g1, be1, W2a, b2a, W2b, b2b, g2, be2, W3a, b3a, W3b, b3b, g3, be3, Wf1, bf1, Wf2, bf2):
    src, dst = edge_index[0], edge_index[1]
    h = jnp.maximum(_gin_conv(x, src, dst, W1a, b1a, W1b, b1b), 0.0)
    h = _bn(h, g1, be1)
    h = jnp.maximum(_gin_conv(h, src, dst, W2a, b2a, W2b, b2b), 0.0)
    h = _bn(h, g2, be2)
    h = jnp.maximum(_gin_conv(h, src, dst, W3a, b3a, W3b, b3b), 0.0)
    h = _bn(h, g3, be3)
    pooled = jax.ops.segment_sum(h, batch, num_segments=G)  # global_add_pool
    h = jnp.maximum(pooled @ Wf1 + bf1, 0.0)
    # dropout is identity in eval mode
    logits = h @ Wf2 + bf2
    return jax.nn.log_softmax(logits, axis=-1)

if __name__ == "__main__":
    import jax
    _d = setup_inputs()
    print(jax.jit(kernel)(*tuple(_d.values())))

</pallas_src>

<mosaic_0001>
#map = affine_map<(d0, d1) -> (0, 0, 0)>
#map1 = affine_map<(d0, d1) -> (0, 0)>
module attributes {stable_mosaic.version = 14 : i64} {
  func.func @deg(%arg0: i32, %arg1: i32, %arg2: memref<32x40x128xi32, #tpu.memory_space<hbm>>, %arg3: memref<624x128xf32, #tpu.memory_space<hbm>>, %arg4: memref<128x128xf32, #tpu.memory_space<hbm>>, %arg5: memref<10000x128xf32, #tpu.memory_space<hbm>>, %arg6: memref<10000x128xf32, #tpu.memory_space<hbm>>, %arg7: memref<40x128xi32, #tpu.memory_space<vmem>>, %arg8: memref<128x128xf32, #tpu.memory_space<vmem>>, %arg9: memref<10008x128xf32, #tpu.memory_space<vmem_shared>>) attributes {dimension_semantics = [#tpu.dimension_semantics<core_parallel>, #tpu.dimension_semantics<subcore_parallel>], iteration_bounds = array<i64: 2, 16>, scalar_prefetch = 0 : i64, scratch_operands = 3 : i64, tpu.core_type = #tpu.core_type<sc_vector_subcore>, window_params = [{transform_indices = #map}, {transform_indices = #map1}, {transform_indices = #map1}, {transform_indices = #map1}, {transform_indices = #map1}]} {
    %mul3A = arith.constant 624 : i32
    %mul3A_0 = arith.muli %arg1, %mul3A : i32
    "tpu.region"() ({
      %run_scoped3A = tpu.sem_alloc : memref<!tpu.dma_semaphore, #tpu.memory_space<semaphore_mem>>
      %dma_start3A = arith.constant 0 : i32
      %dma_start3A_21 = tpu.memref_slice %arg9[%mul3A_0, %dma_start3A] : memref<10008x128xf32, #tpu.memory_space<vmem_shared>> -> memref<624x128xf32, #tpu.memory_space<vmem_shared>>
      tpu.enqueue_dma source(%arg3 : memref<624x128xf32, #tpu.memory_space<hbm>>) target(%dma_start3A_21 : memref<624x128xf32, #tpu.memory_space<vmem_shared>>) target_semaphore(%run_scoped3A : memref<!tpu.dma_semaphore, #tpu.memory_space<semaphore_mem>>)
      %dma_wait3A = arith.constant 0 : i32
      %dma_wait3A_22 = tpu.memref_slice %arg9[%mul3A_0, %dma_wait3A] : memref<10008x128xf32, #tpu.memory_space<vmem_shared>> -> memref<624x128xf32, #tpu.memory_space<vmem_shared>>
      tpu.wait_dma2 semaphore(%run_scoped3A : memref<!tpu.dma_semaphore, #tpu.memory_space<semaphore_mem>>) src(%arg3 : memref<624x128xf32, #tpu.memory_space<hbm>>) dst(%dma_wait3A_22 : memref<624x128xf32, #tpu.memory_space<vmem_shared>>)
      tpu.yield
    }) : () -> ()
    %eq3A = arith.constant 15 : i32
    %eq3A_1 = arith.cmpi eq, %arg1, %eq3A : i32
    %convert_element_type3A = arith.extui %eq3A_1 : i1 to i32
    %cond3A = arith.constant 0 : i32
    %cond3A_2 = arith.cmpi ne, %convert_element_type3A, %cond3A : i32
    scf.if %cond3A_2 {
      "tpu.region"() ({
        %run_scoped3A = tpu.sem_alloc : memref<!tpu.dma_semaphore, #tpu.memory_space<semaphore_mem>>
        %dma_start3A = arith.constant 9984 : i32
        %dma_start3A_21 = arith.constant 0 : i32
        %dma_start3A_22 = tpu.memref_slice %arg9[%dma_start3A, %dma_start3A_21] : memref<10008x128xf32, #tpu.memory_space<vmem_shared>> -> memref<16x128xf32, #tpu.memory_space<vmem_shared>>
        %dma_start3A_23 = arith.constant 0 : i32
        %dma_start3A_24 = arith.constant 0 : i32
        %dma_start3A_25 = tpu.memref_slice %arg3[%dma_start3A_23, %dma_start3A_24] : memref<624x128xf32, #tpu.memory_space<hbm>> -> memref<16x128xf32, #tpu.memory_space<hbm>>
        tpu.enqueue_dma source(%dma_start3A_25 : memref<16x128xf32, #tpu.memory_space<hbm>>) target(%dma_start3A_22 : memref<16x128xf32, #tpu.memory_space<vmem_shared>>) target_semaphore(%run_scoped3A : memref<!tpu.dma_semaphore, #tpu.memory_space<semaphore_mem>>)
        %dma_wait3A = arith.constant 9984 : i32
        %dma_wait3A_26 = arith.constant 0 : i32
        %dma_wait3A_27 = tpu.memref_slice %arg9[%dma_wait3A, %dma_wait3A_26] : memref<10008x128xf32, #tpu.memory_space<vmem_shared>> -> memref<16x128xf32, #tpu.memory_space<vmem_shared>>
        %dma_wait3A_28 = arith.constant 0 : i32
        %dma_wait3A_29 = arith.constant 0 : i32
        %dma_wait3A_30 = tpu.memref_slice %arg3[%dma_wait3A_28, %dma_wait3A_29] : memref<624x128xf32, #tpu.memory_space<hbm>> -> memref<16x128xf32, #tpu.memory_space<hbm>>
        tpu.wait_dma2 semaphore(%run_scoped3A : memref<!tpu.dma_semaphore, #tpu.memory_space<semaphore_mem>>) src(%dma_wait3A_30 : memref<16x128xf32, #tpu.memory_space<hbm>>) dst(%dma_wait3A_27 : memref<16x128xf32, #tpu.memory_space<vmem_shared>>)
        tpu.yield
      }) : () -> ()
    } else {
    }
    "tpu.region"() ({
      %run_scoped3A = tpu.sem_alloc : memref<!tpu.dma_semaphore, #tpu.memory_space<semaphore_mem>>
      tpu.enqueue_dma source(%arg4 : memref<128x128xf32, #tpu.memory_space<hbm>>) target(%arg8 : memref<128x128xf32, #tpu.memory_space<vmem>>) target_semaphore(%run_scoped3A : memref<!tpu.dma_semaphore, #tpu.memory_space<semaphore_mem>>)
      tpu.wait_dma2 semaphore(%run_scoped3A : memref<!tpu.dma_semaphore, #tpu.memory_space<semaphore_mem>>) src(%arg4 : memref<128x128xf32, #tpu.memory_space<hbm>>) dst(%arg8 : memref<128x128xf32, #tpu.memory_space<vmem>>)
      tpu.yield
    }) : () -> ()
    %mul3A_3 = arith.constant 16 : i32
    %mul3A_4 = arith.muli %arg0, %mul3A_3 : i32
    %add3A = arith.addi %mul3A_4, %arg1 : i32
    "tpu.region"() ({
      %run_scoped3A = tpu.sem_alloc : memref<!tpu.dma_semaphore, #tpu.memory_space<semaphore_mem>>
      %dma_start3A = arith.constant 0 : i32
      %dma_start3A_21 = arith.constant 0 : i32
      %dma_start3A_22 = tpu.memref_slice %arg2[%add3A, %dma_start3A, %dma_start3A_21] : memref<32x40x128xi32, #tpu.memory_space<hbm>> -> memref<1x40x128xi32, #tpu.memory_space<hbm>>
      %dma_start3A_23 = tpu.memref_squeeze %dma_start3A_22 : memref<1x40x128xi32, #tpu.memory_space<hbm>> -> memref<40x128xi32, #tpu.memory_space<hbm>>
      %dma_start3A_24 = arith.constant 0 : i32
      %dma_start3A_25 = arith.constant 0 : i32
      %dma_start3A_26 = tpu.memref_slice %arg2[%add3A, %dma_start3A_24, %dma_start3A_25] : memref<32x40x128xi32, #tpu.memory_space<hbm>> -> memref<1x40x128xi32, #tpu.memory_space<hbm>>
      %dma_start3A_27 = tpu.memref_squeeze %dma_start3A_26 : memref<1x40x128xi32, #tpu.memory_space<hbm>> -> memref<40x128xi32, #tpu.memory_space<hbm>>
      tpu.enqueue_dma source(%dma_start3A_27 : memref<40x128xi32, #tpu.memory_space<hbm>>) target(%arg7 : memref<40x128xi32, #tpu.memory_space<vmem>>) target_semaphore(%run_scoped3A : memref<!tpu.dma_semaphore, #tpu.memory_space<semaphore_mem>>)
      %dma_wait3A = arith.constant 0 : i32
      %dma_wait3A_28 = arith.constant 0 : i32
      %dma_wait3A_29 = tpu.memref_slice %arg2[%add3A, %dma_wait3A, %dma_wait3A_28] : memref<32x40x128xi32, #tpu.memory_space<hbm>> -> memref<1x40x128xi32, #tpu.memory_space<hbm>>
      %dma_wait3A_30 = tpu.memref_squeeze %dma_wait3A_29 : memref<1x40x128xi32, #tpu.memory_space<hbm>> -> memref<40x128xi32, #tpu.memory_space<hbm>>
      %dma_wait3A_31 = arith.constant 0 : i32
      %dma_wait3A_32 = arith.constant 0 : i32
      %dma_wait3A_33 = tpu.memref_slice %arg2[%add3A, %dma_wait3A_31, %dma_wait3A_32] : memref<32x40x128xi32, #tpu.memory_space<hbm>> -> memref<1x40x128xi32, #tpu.memory_space<hbm>>
      %dma_wait3A_34 = tpu.memref_squeeze %dma_wait3A_33 : memref<1x40x128xi32, #tpu.memory_space<hbm>> -> memref<40x128xi32, #tpu.memory_space<hbm>>
      tpu.wait_dma2 semaphore(%run_scoped3A : memref<!tpu.dma_semaphore, #tpu.memory_space<semaphore_mem>>) src(%dma_wait3A_34 : memref<40x128xi32, #tpu.memory_space<hbm>>) dst(%arg7 : memref<40x128xi32, #tpu.memory_space<vmem>>)
      tpu.yield
    }) : () -> ()
    %barrier3A = arith.constant 0 : index
    tpu.barrier barrier_id(%barrier3A)
    %scan3A = arith.constant 0 : i32
    %scan3A_5 = arith.constant 0 : i32
    %scan3A_6 = arith.constant 40 : i32
    %scan3A_7 = arith.addi %scan3A_5, %scan3A_6 : i32
    %scan3A_8 = arith.constant 1 : i32
    scf.for %scan3A_21 = %scan3A_5 to %scan3A_7 step %scan3A_8  : i32 {
      "tpu.region"() ({
        %run_scoped3A = tpu.sem_alloc : memref<!tpu.dma_semaphore, #tpu.memory_space<semaphore_mem>>
        %dma_start3A = arith.constant 0 : i32
        %dma_start3A_22 = tpu.memref_slice %arg7[%scan3A_21, %dma_start3A] : memref<40x128xi32, #tpu.memory_space<vmem>> -> memref<1x128xi32, #tpu.memory_space<vmem>>
        %dma_start3A_23 = tpu.memref_squeeze %dma_start3A_22 : memref<1x128xi32, #tpu.memory_space<vmem>> -> memref<128xi32, #tpu.memory_space<vmem>>
        %dma_start3A_24 = arith.constant 0 : i32
        %dma_start3A_25 = arith.constant 0 : i32
        %dma_start3A_26 = tpu.memref_slice %arg9[%dma_start3A_24, %dma_start3A_25] : memref<10008x128xf32, #tpu.memory_space<vmem_shared>> -> memref<10008x128xf32, #tpu.memory_space<vmem_shared>>
        tpu.enqueue_indirect_dma source(%arg8 : memref<128x128xf32, #tpu.memory_space<vmem>>) target(%dma_start3A_26 : memref<10008x128xf32, #tpu.memory_space<vmem_shared>>) offsets(%dma_start3A_23 : memref<128xi32, #tpu.memory_space<vmem>>) semaphore(%run_scoped3A : memref<!tpu.dma_semaphore, #tpu.memory_space<semaphore_mem>>) {add = true}
        %dma_wait3A = arith.constant 0 : i32
        %dma_wait3A_27 = tpu.memref_slice %arg7[%scan3A_21, %dma_wait3A] : memref<40x128xi32, #tpu.memory_space<vmem>> -> memref<1x128xi32, #tpu.memory_space<vmem>>
        %dma_wait3A_28 = tpu.memref_squeeze %dma_wait3A_27 : memref<1x128xi32, #tpu.memory_space<vmem>> -> memref<128xi32, #tpu.memory_space<vmem>>
        %dma_wait3A_29 = arith.constant 0 : i32
        %dma_wait3A_30 = arith.constant 0 : i32
        %dma_wait3A_31 = tpu.memref_slice %arg9[%dma_wait3A_29, %dma_wait3A_30] : memref<10008x128xf32, #tpu.memory_space<vmem_shared>> -> memref<10008x128xf32, #tpu.memory_space<vmem_shared>>
        tpu.wait_indirect_dma semaphore(%run_scoped3A : memref<!tpu.dma_semaphore, #tpu.memory_space<semaphore_mem>>) src(%arg8 : memref<128x128xf32, #tpu.memory_space<vmem>>) dst(%dma_wait3A_31 : memref<10008x128xf32, #tpu.memory_space<vmem_shared>>)
        tpu.yield
      }) : () -> ()
    }
    %scan3A_9 = arith.constant 40 : i32
    %barrier3A_10 = arith.constant 0 : index
    tpu.barrier barrier_id(%barrier3A_10)
    %eq3A_11 = arith.constant 0 : i32
    %eq3A_12 = arith.cmpi eq, %arg0, %eq3A_11 : i32
    %convert_element_type3A_13 = arith.extui %eq3A_12 : i1 to i32
    %cond3A_14 = arith.constant 0 : i32
    %cond3A_15 = arith.cmpi ne, %convert_element_type3A_13, %cond3A_14 : i32
    scf.if %cond3A_15 {
      "tpu.region"() ({
        %run_scoped3A = tpu.sem_alloc : memref<!tpu.dma_semaphore, #tpu.memory_space<semaphore_mem>>
        %dma_start3A = arith.constant 0 : i32
        %dma_start3A_26 = tpu.memref_slice %arg5[%mul3A_0, %dma_start3A] : memref<10000x128xf32, #tpu.memory_space<hbm>> -> memref<624x128xf32, #tpu.memory_space<hbm>>
        %dma_start3A_27 = arith.constant 0 : i32
        %dma_start3A_28 = tpu.memref_slice %arg9[%mul3A_0, %dma_start3A_27] : memref<10008x128xf32, #tpu.memory_space<vmem_shared>> -> memref<624x128xf32, #tpu.memory_space<vmem_shared>>
        tpu.enqueue_dma source(%dma_start3A_28 : memref<624x128xf32, #tpu.memory_space<vmem_shared>>) target(%dma_start3A_26 : memref<624x128xf32, #tpu.memory_space<hbm>>) target_semaphore(%run_scoped3A : memref<!tpu.dma_semaphore, #tpu.memory_space<semaphore_mem>>)
        %dma_wait3A = arith.constant 0 : i32
        %dma_wait3A_29 = tpu.memref_slice %arg5[%mul3A_0, %dma_wait3A] : memref<10000x128xf32, #tpu.memory_space<hbm>> -> memref<624x128xf32, #tpu.memory_space<hbm>>
        %dma_wait3A_30 = arith.constant 0 : i32
        %dma_wait3A_31 = tpu.memref_slice %arg9[%mul3A_0, %dma_wait3A_30] : memref<10008x128xf32, #tpu.memory_space<vmem_shared>> -> memref<624x128xf32, #tpu.memory_space<vmem_shared>>
        tpu.wait_dma2 semaphore(%run_scoped3A : memref<!tpu.dma_semaphore, #tpu.memory_space<semaphore_mem>>) src(%dma_wait3A_31 : memref<624x128xf32, #tpu.memory_space<vmem_shared>>) dst(%dma_wait3A_29 : memref<624x128xf32, #tpu.memory_space<hbm>>)
        tpu.yield
      }) : () -> ()
      %eq3A_21 = arith.constant 15 : i32
      %eq3A_22 = arith.cmpi eq, %arg1, %eq3A_21 : i32
      %convert_element_type3A_23 = arith.extui %eq3A_22 : i1 to i32
      %cond3A_24 = arith.constant 0 : i32
      %cond3A_25 = arith.cmpi ne, %convert_element_type3A_23, %cond3A_24 : i32
      scf.if %cond3A_25 {
        "tpu.region"() ({
          %run_scoped3A = tpu.sem_alloc : memref<!tpu.dma_semaphore, #tpu.memory_space<semaphore_mem>>
          %dma_start3A = arith.constant 9984 : i32
          %dma_start3A_26 = arith.constant 0 : i32
          %dma_start3A_27 = tpu.memref_slice %arg5[%dma_start3A, %dma_start3A_26] : memref<10000x128xf32, #tpu.memory_space<hbm>> -> memref<16x128xf32, #tpu.memory_space<hbm>>
          %dma_start3A_28 = arith.constant 9984 : i32
          %dma_start3A_29 = arith.constant 0 : i32
          %dma_start3A_30 = tpu.memref_slice %arg9[%dma_start3A_28, %dma_start3A_29] : memref<10008x128xf32, #tpu.memory_space<vmem_shared>> -> memref<16x128xf32, #tpu.memory_space<vmem_shared>>
          tpu.enqueue_dma source(%dma_start3A_30 : memref<16x128xf32, #tpu.memory_space<vmem_shared>>) target(%dma_start3A_27 : memref<16x128xf32, #tpu.memory_space<hbm>>) target_semaphore(%run_scoped3A : memref<!tpu.dma_semaphore, #tpu.memory_space<semaphore_mem>>)
          %dma_wait3A = arith.constant 9984 : i32
          %dma_wait3A_31 = arith.constant 0 : i32
          %dma_wait3A_32 = tpu.memref_slice %arg5[%dma_wait3A, %dma_wait3A_31] : memref<10000x128xf32, #tpu.memory_space<hbm>> -> memref<16x128xf32, #tpu.memory_space<hbm>>
          %dma_wait3A_33 = arith.constant 9984 : i32
          %dma_wait3A_34 = arith.constant 0 : i32
          %dma_wait3A_35 = tpu.memref_slice %arg9[%dma_wait3A_33, %dma_wait3A_34] : memref<10008x128xf32, #tpu.memory_space<vmem_shared>> -> memref<16x128xf32, #tpu.memory_space<vmem_shared>>
          tpu.wait_dma2 semaphore(%run_scoped3A : memref<!tpu.dma_semaphore, #tpu.memory_space<semaphore_mem>>) src(%dma_wait3A_35 : memref<16x128xf32, #tpu.memory_space<vmem_shared>>) dst(%dma_wait3A_32 : memref<16x128xf32, #tpu.memory_space<hbm>>)
          tpu.yield
        }) : () -> ()
      } else {
      }
    } else {
    }
    %eq3A_16 = arith.constant 1 : i32
    %eq3A_17 = arith.cmpi eq, %arg0, %eq3A_16 : i32
    %convert_element_type3A_18 = arith.extui %eq3A_17 : i1 to i32
    %cond3A_19 = arith.constant 0 : i32
    %cond3A_20 = arith.cmpi ne, %convert_element_type3A_18, %cond3A_19 : i32
    scf.if %cond3A_20 {
      "tpu.region"() ({
        %run_scoped3A = tpu.sem_alloc : memref<!tpu.dma_semaphore, #tpu.memory_space<semaphore_mem>>
        %dma_start3A = arith.constant 0 : i32
        %dma_start3A_26 = tpu.memref_slice %arg6[%mul3A_0, %dma_start3A] : memref<10000x128xf32, #tpu.memory_space<hbm>> -> memref<624x128xf32, #tpu.memory_space<hbm>>
        %dma_start3A_27 = arith.constant 0 : i32
        %dma_start3A_28 = tpu.memref_slice %arg9[%mul3A_0, %dma_start3A_27] : memref<10008x128xf32, #tpu.memory_space<vmem_shared>> -> memref<624x128xf32, #tpu.memory_space<vmem_shared>>
        tpu.enqueue_dma source(%dma_start3A_28 : memref<624x128xf32, #tpu.memory_space<vmem_shared>>) target(%dma_start3A_26 : memref<624x128xf32, #tpu.memory_space<hbm>>) target_semaphore(%run_scoped3A : memref<!tpu.dma_semaphore, #tpu.memory_space<semaphore_mem>>)
        %dma_wait3A = arith.constant 0 : i32
        %dma_wait3A_29 = tpu.memref_slice %arg6[%mul3A_0, %dma_wait3A] : memref<10000x128xf32, #tpu.memory_space<hbm>> -> memref<624x128xf32, #tpu.memory_space<hbm>>
        %dma_wait3A_30 = arith.constant 0 : i32
        %dma_wait3A_31 = tpu.memref_slice %arg9[%mul3A_0, %dma_wait3A_30] : memref<10008x128xf32, #tpu.memory_space<vmem_shared>> -> memref<624x128xf32, #tpu.memory_space<vmem_shared>>
        tpu.wait_dma2 semaphore(%run_scoped3A : memref<!tpu.dma_semaphore, #tpu.memory_space<semaphore_mem>>) src(%dma_wait3A_31 : memref<624x128xf32, #tpu.memory_space<vmem_shared>>) dst(%dma_wait3A_29 : memref<624x128xf32, #tpu.memory_space<hbm>>)
        tpu.yield
      }) : () -> ()
      %eq3A_21 = arith.constant 15 : i32
      %eq3A_22 = arith.cmpi eq, %arg1, %eq3A_21 : i32
      %convert_element_type3A_23 = arith.extui %eq3A_22 : i1 to i32
      %cond3A_24 = arith.constant 0 : i32
      %cond3A_25 = arith.cmpi ne, %convert_element_type3A_23, %cond3A_24 : i32
      scf.if %cond3A_25 {
        "tpu.region"() ({
          %run_scoped3A = tpu.sem_alloc : memref<!tpu.dma_semaphore, #tpu.memory_space<semaphore_mem>>
          %dma_start3A = arith.constant 9984 : i32
          %dma_start3A_26 = arith.constant 0 : i32
          %dma_start3A_27 = tpu.memref_slice %arg6[%dma_start3A, %dma_start3A_26] : memref<10000x128xf32, #tpu.memory_space<hbm>> -> memref<16x128xf32, #tpu.memory_space<hbm>>
          %dma_start3A_28 = arith.constant 9984 : i32
          %dma_start3A_29 = arith.constant 0 : i32
          %dma_start3A_30 = tpu.memref_slice %arg9[%dma_start3A_28, %dma_start3A_29] : memref<10008x128xf32, #tpu.memory_space<vmem_shared>> -> memref<16x128xf32, #tpu.memory_space<vmem_shared>>
          tpu.enqueue_dma source(%dma_start3A_30 : memref<16x128xf32, #tpu.memory_space<vmem_shared>>) target(%dma_start3A_27 : memref<16x128xf32, #tpu.memory_space<hbm>>) target_semaphore(%run_scoped3A : memref<!tpu.dma_semaphore, #tpu.memory_space<semaphore_mem>>)
          %dma_wait3A = arith.constant 9984 : i32
          %dma_wait3A_31 = arith.constant 0 : i32
          %dma_wait3A_32 = tpu.memref_slice %arg6[%dma_wait3A, %dma_wait3A_31] : memref<10000x128xf32, #tpu.memory_space<hbm>> -> memref<16x128xf32, #tpu.memory_space<hbm>>
          %dma_wait3A_33 = arith.constant 9984 : i32
          %dma_wait3A_34 = arith.constant 0 : i32
          %dma_wait3A_35 = tpu.memref_slice %arg9[%dma_wait3A_33, %dma_wait3A_34] : memref<10008x128xf32, #tpu.memory_space<vmem_shared>> -> memref<16x128xf32, #tpu.memory_space<vmem_shared>>
          tpu.wait_dma2 semaphore(%run_scoped3A : memref<!tpu.dma_semaphore, #tpu.memory_space<semaphore_mem>>) src(%dma_wait3A_35 : memref<16x128xf32, #tpu.memory_space<vmem_shared>>) dst(%dma_wait3A_32 : memref<16x128xf32, #tpu.memory_space<hbm>>)
          tpu.yield
        }) : () -> ()
      } else {
      }
    } else {
    }
    return
  }
}

#map = affine_map<(d0, d1) -> (0, 0)>
#map1 = affine_map<(d0, d1) -> (0, 0, 0)>
module attributes {stable_mosaic.version = 14 : i64} {
  func.func @aggr(%arg0: i32, %arg1: i32, %arg2: memref<10000x128xf32, #tpu.memory_space<hbm>>, %arg3: memref<10000x128xf32, #tpu.memory_space<hbm>>, %arg4: memref<16x125x80xi32, #tpu.memory_space<hbm>>, %arg5: memref<16x125x80xi32, #tpu.memory_space<hbm>>, %arg6: memref<624x128xf32, #tpu.memory_space<hbm>>, %arg7: memref<10000x128xf32, #tpu.memory_space<hbm>>, %arg8: memref<10000x128xf32, #tpu.memory_space<hbm>>, %arg9: memref<125x80xi32, #tpu.memory_space<vmem>>, %arg10: memref<125x80xi32, #tpu.memory_space<vmem>>, %arg11: memref<80x128xf32, #tpu.memory_space<vmem>>, %arg12: memref<10000x128xf32, #tpu.memory_space<vmem_shared>>, %arg13: memref<!tpu.dma_semaphore, #tpu.memory_space<semaphore_mem>>) attributes {dimension_semantics = [#tpu.dimension_semantics<core_parallel>, #tpu.dimension_semantics<subcore_parallel>], iteration_bounds = array<i64: 2, 16>, scalar_prefetch = 0 : i64, scratch_operands = 5 : i64, tpu.core_type = #tpu.core_type<sc_vector_subcore>, window_params = [{transform_indices = #map}, {transform_indices = #map}, {transform_indices = #map1}, {transform_indices = #map1}, {transform_indices = #map}, {transform_indices = #map}, {transform_indices = #map}]} {
    %mul3A = arith.constant 624 : i32
    %mul3A_0 = arith.muli %arg1, %mul3A : i32
    "tpu.region"() ({
      %run_scoped3A = tpu.sem_alloc : memref<!tpu.dma_semaphore, #tpu.memory_space<semaphore_mem>>
      %dma_start3A = arith.constant 0 : i32
      %dma_start3A_24 = tpu.memref_slice %arg12[%mul3A_0, %dma_start3A] : memref<10000x128xf32, #tpu.memory_space<vmem_shared>> -> memref<624x128xf32, #tpu.memory_space<vmem_shared>>
      tpu.enqueue_dma source(%arg6 : memref<624x128xf32, #tpu.memory_space<hbm>>) target(%dma_start3A_24 : memref<624x128xf32, #tpu.memory_space<vmem_shared>>) target_semaphore(%run_scoped3A : memref<!tpu.dma_semaphore, #tpu.memory_space<semaphore_mem>>)
      %dma_wait3A = arith.constant 0 : i32
      %dma_wait3A_25 = tpu.memref_slice %arg12[%mul3A_0, %dma_wait3A] : memref<10000x128xf32, #tpu.memory_space<vmem_shared>> -> memref<624x128xf32, #tpu.memory_space<vmem_shared>>
      tpu.wait_dma2 semaphore(%run_scoped3A : memref<!tpu.dma_semaphore, #tpu.memory_space<semaphore_mem>>) src(%arg6 : memref<624x128xf32, #tpu.memory_space<hbm>>) dst(%dma_wait3A_25 : memref<624x128xf32, #tpu.memory_space<vmem_shared>>)
      tpu.yield
    }) : () -> ()
    %eq3A = arith.constant 15 : i32
    %eq3A_1 = arith.cmpi eq, %arg1, %eq3A : i32
    %convert_element_type3A = arith.extui %eq3A_1 : i1 to i32
    %cond3A = arith.constant 0 : i32
    %cond3A_2 = arith.cmpi ne, %convert_element_type3A, %cond3A : i32
    scf.if %cond3A_2 {
      "tpu.region"() ({
        %run_scoped3A = tpu.sem_alloc : memref<!tpu.dma_semaphore, #tpu.memory_space<semaphore_mem>>
        %dma_start3A = arith.constant 9984 : i32
        %dma_start3A_24 = arith.constant 0 : i32
        %dma_start3A_25 = tpu.memref_slice %arg12[%dma_start3A, %dma_start3A_24] : memref<10000x128xf32, #tpu.memory_space<vmem_shared>> -> memref<16x128xf32, #tpu.memory_space<vmem_shared>>
        %dma_start3A_26 = arith.constant 0 : i32
        %dma_start3A_27 = arith.constant 0 : i32
        %dma_start3A_28 = tpu.memref_slice %arg6[%dma_start3A_26, %dma_start3A_27] : memref<624x128xf32, #tpu.memory_space<hbm>> -> memref<16x128xf32, #tpu.memory_space<hbm>>
        tpu.enqueue_dma source(%dma_start3A_28 : memref<16x128xf32, #tpu.memory_space<hbm>>) target(%dma_start3A_25 : memref<16x128xf32, #tpu.memory_space<vmem_shared>>) target_semaphore(%run_scoped3A : memref<!tpu.dma_semaphore, #tpu.memory_space<semaphore_mem>>)
        %dma_wait3A = arith.constant 9984 : i32
        %dma_wait3A_29 = arith.constant 0 : i32
        %dma_wait3A_30 = tpu.memref_slice %arg12[%dma_wait3A, %dma_wait3A_29] : memref<10000x128xf32, #tpu.memory_space<vmem_shared>> -> memref<16x128xf32, #tpu.memory_space<vmem_shared>>
        %dma_wait3A_31 = arith.constant 0 : i32
        %dma_wait3A_32 = arith.constant 0 : i32
        %dma_wait3A_33 = tpu.memref_slice %arg6[%dma_wait3A_31, %dma_wait3A_32] : memref<624x128xf32, #tpu.memory_space<hbm>> -> memref<16x128xf32, #tpu.memory_space<hbm>>
        tpu.wait_dma2 semaphore(%run_scoped3A : memref<!tpu.dma_semaphore, #tpu.memory_space<semaphore_mem>>) src(%dma_wait3A_33 : memref<16x128xf32, #tpu.memory_space<hbm>>) dst(%dma_wait3A_30 : memref<16x128xf32, #tpu.memory_space<vmem_shared>>)
        tpu.yield
      }) : () -> ()
    } else {
    }
    "tpu.region"() ({
      %run_scoped3A = tpu.sem_alloc : memref<!tpu.dma_semaphore, #tpu.memory_space<semaphore_mem>>
      %dma_start3A = arith.constant 0 : i32
      %dma_start3A_24 = arith.constant 0 : i32
      %dma_start3A_25 = tpu.memref_slice %arg4[%arg1, %dma_start3A, %dma_start3A_24] : memref<16x125x80xi32, #tpu.memory_space<hbm>> -> memref<1x125x80xi32, #tpu.memory_space<hbm>>
      %dma_start3A_26 = tpu.memref_squeeze %dma_start3A_25 : memref<1x125x80xi32, #tpu.memory_space<hbm>> -> memref<125x80xi32, #tpu.memory_space<hbm>>
      %dma_start3A_27 = arith.constant 0 : i32
      %dma_start3A_28 = arith.constant 0 : i32
      %dma_start3A_29 = tpu.memref_slice %arg4[%arg1, %dma_start3A_27, %dma_start3A_28] : memref<16x125x80xi32, #tpu.memory_space<hbm>> -> memref<1x125x80xi32, #tpu.memory_space<hbm>>
      %dma_start3A_30 = tpu.memref_squeeze %dma_start3A_29 : memref<1x125x80xi32, #tpu.memory_space<hbm>> -> memref<125x80xi32, #tpu.memory_space<hbm>>
      tpu.enqueue_dma source(%dma_start3A_30 : memref<125x80xi32, #tpu.memory_space<hbm>>) target(%arg9 : memref<125x80xi32, #tpu.memory_space<vmem>>) target_semaphore(%run_scoped3A : memref<!tpu.dma_semaphore, #tpu.memory_space<semaphore_mem>>)
      %dma_wait3A = arith.constant 0 : i32
      %dma_wait3A_31 = arith.constant 0 : i32
      %dma_wait3A_32 = tpu.memref_slice %arg4[%arg1, %dma_wait3A, %dma_wait3A_31] : memref<16x125x80xi32, #tpu.memory_space<hbm>> -> memref<1x125x80xi32, #tpu.memory_space<hbm>>
      %dma_wait3A_33 = tpu.memref_squeeze %dma_wait3A_32 : memref<1x125x80xi32, #tpu.memory_space<hbm>> -> memref<125x80xi32, #tpu.memory_space<hbm>>
      %dma_wait3A_34 = arith.constant 0 : i32
      %dma_wait3A_35 = arith.constant 0 : i32
      %dma_wait3A_36 = tpu.memref_slice %arg4[%arg1, %dma_wait3A_34, %dma_wait3A_35] : memref<16x125x80xi32, #tpu.memory_space<hbm>> -> memref<1x125x80xi32, #tpu.memory_space<hbm>>
      %dma_wait3A_37 = tpu.memref_squeeze %dma_wait3A_36 : memref<1x125x80xi32, #tpu.memory_space<hbm>> -> memref<125x80xi32, #tpu.memory_space<hbm>>
      tpu.wait_dma2 semaphore(%run_scoped3A : memref<!tpu.dma_semaphore, #tpu.memory_space<semaphore_mem>>) src(%dma_wait3A_37 : memref<125x80xi32, #tpu.memory_space<hbm>>) dst(%arg9 : memref<125x80xi32, #tpu.memory_space<vmem>>)
      tpu.yield
    }) : () -> ()
    "tpu.region"() ({
      %run_scoped3A = tpu.sem_alloc : memref<!tpu.dma_semaphore, #tpu.memory_space<semaphore_mem>>
      %dma_start3A = arith.constant 0 : i32
      %dma_start3A_24 = arith.constant 0 : i32
      %dma_start3A_25 = tpu.memref_slice %arg5[%arg1, %dma_start3A, %dma_start3A_24] : memref<16x125x80xi32, #tpu.memory_space<hbm>> -> memref<1x125x80xi32, #tpu.memory_space<hbm>>
      %dma_start3A_26 = tpu.memref_squeeze %dma_start3A_25 : memref<1x125x80xi32, #tpu.memory_space<hbm>> -> memref<125x80xi32, #tpu.memory_space<hbm>>
      %dma_start3A_27 = arith.constant 0 : i32
      %dma_start3A_28 = arith.constant 0 : i32
      %dma_start3A_29 = tpu.memref_slice %arg5[%arg1, %dma_start3A_27, %dma_start3A_28] : memref<16x125x80xi32, #tpu.memory_space<hbm>> -> memref<1x125x80xi32, #tpu.memory_space<hbm>>
      %dma_start3A_30 = tpu.memref_squeeze %dma_start3A_29 : memref<1x125x80xi32, #tpu.memory_space<hbm>> -> memref<125x80xi32, #tpu.memory_space<hbm>>
      tpu.enqueue_dma source(%dma_start3A_30 : memref<125x80xi32, #tpu.memory_space<hbm>>) target(%arg10 : memref<125x80xi32, #tpu.memory_space<vmem>>) target_semaphore(%run_scoped3A : memref<!tpu.dma_semaphore, #tpu.memory_space<semaphore_mem>>)
      %dma_wait3A = arith.constant 0 : i32
      %dma_wait3A_31 = arith.constant 0 : i32
      %dma_wait3A_32 = tpu.memref_slice %arg5[%arg1, %dma_wait3A, %dma_wait3A_31] : memref<16x125x80xi32, #tpu.memory_space<hbm>> -> memref<1x125x80xi32, #tpu.memory_space<hbm>>
      %dma_wait3A_33 = tpu.memref_squeeze %dma_wait3A_32 : memref<1x125x80xi32, #tpu.memory_space<hbm>> -> memref<125x80xi32, #tpu.memory_space<hbm>>
      %dma_wait3A_34 = arith.constant 0 : i32
      %dma_wait3A_35 = arith.constant 0 : i32
      %dma_wait3A_36 = tpu.memref_slice %arg5[%arg1, %dma_wait3A_34, %dma_wait3A_35] : memref<16x125x80xi32, #tpu.memory_space<hbm>> -> memref<1x125x80xi32, #tpu.memory_space<hbm>>
      %dma_wait3A_37 = tpu.memref_squeeze %dma_wait3A_36 : memref<1x125x80xi32, #tpu.memory_space<hbm>> -> memref<125x80xi32, #tpu.memory_space<hbm>>
      tpu.wait_dma2 semaphore(%run_scoped3A : memref<!tpu.dma_semaphore, #tpu.memory_space<semaphore_mem>>) src(%dma_wait3A_37 : memref<125x80xi32, #tpu.memory_space<hbm>>) dst(%arg10 : memref<125x80xi32, #tpu.memory_space<vmem>>)
      tpu.yield
    }) : () -> ()
    %barrier3A = arith.constant 0 : index
    tpu.barrier barrier_id(%barrier3A)
    %eq3A_3 = arith.constant 0 : i32
    %eq3A_4 = arith.cmpi eq, %arg0, %eq3A_3 : i32
    %convert_element_type3A_5 = arith.extui %eq3A_4 : i1 to i32
    %cond3A_6 = arith.constant 0 : i32
    %cond3A_7 = arith.cmpi ne, %convert_element_type3A_5, %cond3A_6 : i32
    scf.if %cond3A_7 {
      %scan3A = arith.constant 0 : i32
      %scan3A_24 = arith.constant 0 : i32
      %scan3A_25 = arith.constant 125 : i32
      %scan3A_26 = arith.addi %scan3A_24, %scan3A_25 : i32
      %scan3A_27 = arith.constant 1 : i32
      scf.for %scan3A_29 = %scan3A_24 to %scan3A_26 step %scan3A_27  : i32 {
        %dma_start3A = arith.constant 0 : i32
        %dma_start3A_30 = tpu.memref_slice %arg9[%scan3A_29, %dma_start3A] : memref<125x80xi32, #tpu.memory_space<vmem>> -> memref<1x80xi32, #tpu.memory_space<vmem>>
        %dma_start3A_31 = tpu.memref_squeeze %dma_start3A_30 : memref<1x80xi32, #tpu.memory_space<vmem>> -> memref<80xi32, #tpu.memory_space<vmem>>
        %dma_start3A_32 = arith.constant 0 : i32
        %dma_start3A_33 = arith.constant 0 : i32
        %dma_start3A_34 = tpu.memref_slice %arg2[%dma_start3A_32, %dma_start3A_33] : memref<10000x128xf32, #tpu.memory_space<hbm>> -> memref<10000x128xf32, #tpu.memory_space<hbm>>
        tpu.enqueue_indirect_dma source(%dma_start3A_34 : memref<10000x128xf32, #tpu.memory_space<hbm>>) target(%arg11 : memref<80x128xf32, #tpu.memory_space<vmem>>) offsets(%dma_start3A_31 : memref<80xi32, #tpu.memory_space<vmem>>) semaphore(%arg13 : memref<!tpu.dma_semaphore, #tpu.memory_space<semaphore_mem>>)
        %dma_wait3A = arith.constant 0 : i32
        %dma_wait3A_35 = tpu.memref_slice %arg9[%scan3A_29, %dma_wait3A] : memref<125x80xi32, #tpu.memory_space<vmem>> -> memref<1x80xi32, #tpu.memory_space<vmem>>
        %dma_wait3A_36 = tpu.memref_squeeze %dma_wait3A_35 : memref<1x80xi32, #tpu.memory_space<vmem>> -> memref<80xi32, #tpu.memory_space<vmem>>
        %dma_wait3A_37 = arith.constant 0 : i32
        %dma_wait3A_38 = arith.constant 0 : i32
        %dma_wait3A_39 = tpu.memref_slice %arg2[%dma_wait3A_37, %dma_wait3A_38] : memref<10000x128xf32, #tpu.memory_space<hbm>> -> memref<10000x128xf32, #tpu.memory_space<hbm>>
        tpu.wait_indirect_dma semaphore(%arg13 : memref<!tpu.dma_semaphore, #tpu.memory_space<semaphore_mem>>) src(%dma_wait3A_39 : memref<10000x128xf32, #tpu.memory_space<hbm>>) dst(%arg11 : memref<80x128xf32, #tpu.memory_space<vmem>>)
        "tpu.region"() ({
          %run_scoped3A = tpu.sem_alloc : memref<!tpu.dma_semaphore, #tpu.memory_space<semaphore_mem>>
          %dma_start3A_40 = arith.constant 0 : i32
          %dma_start3A_41 = tpu.memref_slice %arg10[%scan3A_29, %dma_start3A_40] : memref<125x80xi32, #tpu.memory_space<vmem>> -> memref<1x80xi32, #tpu.memory_space<vmem>>
          %dma_start3A_42 = tpu.memref_squeeze %dma_start3A_41 : memref<1x80xi32, #tpu.memory_space<vmem>> -> memref<80xi32, #tpu.memory_space<vmem>>
          %dma_start3A_43 = arith.constant 0 : i32
          %dma_start3A_44 = arith.constant 0 : i32
          %dma_start3A_45 = tpu.memref_slice %arg12[%dma_start3A_43, %dma_start3A_44] : memref<10000x128xf32, #tpu.memory_space<vmem_shared>> -> memref<10000x128xf32, #tpu.memory_space<vmem_shared>>
          tpu.enqueue_indirect_dma source(%arg11 : memref<80x128xf32, #tpu.memory_space<vmem>>) target(%dma_start3A_45 : memref<10000x128xf32, #tpu.memory_space<vmem_shared>>) offsets(%dma_start3A_42 : memref<80xi32, #tpu.memory_space<vmem>>) semaphore(%run_scoped3A : memref<!tpu.dma_semaphore, #tpu.memory_space<semaphore_mem>>) {add = true}
          %dma_wait3A_46 = arith.constant 0 : i32
          %dma_wait3A_47 = tpu.memref_slice %arg10[%scan3A_29, %dma_wait3A_46] : memref<125x80xi32, #tpu.memory_space<vmem>> -> memref<1x80xi32, #tpu.memory_space<vmem>>
          %dma_wait3A_48 = tpu.memref_squeeze %dma_wait3A_47 : memref<1x80xi32, #tpu.memory_space<vmem>> -> memref<80xi32, #tpu.memory_space<vmem>>
          %dma_wait3A_49 = arith.constant 0 : i32
          %dma_wait3A_50 = arith.constant 0 : i32
          %dma_wait3A_51 = tpu.memref_slice %arg12[%dma_wait3A_49, %dma_wait3A_50] : memref<10000x128xf32, #tpu.memory_space<vmem_shared>> -> memref<10000x128xf32, #tpu.memory_space<vmem_shared>>
          tpu.wait_indirect_dma semaphore(%run_scoped3A : memref<!tpu.dma_semaphore, #tpu.memory_space<semaphore_mem>>) src(%arg11 : memref<80x128xf32, #tpu.memory_space<vmem>>) dst(%dma_wait3A_51 : memref<10000x128xf32, #tpu.memory_space<vmem_shared>>)
          tpu.yield
        }) : () -> ()
      }
      %scan3A_28 = arith.constant 125 : i32
    } else {
    }
    %eq3A_8 = arith.constant 1 : i32
    %eq3A_9 = arith.cmpi eq, %arg0, %eq3A_8 : i32
    %convert_element_type3A_10 = arith.extui %eq3A_9 : i1 to i32
    %cond3A_11 = arith.constant 0 : i32
    %cond3A_12 = arith.cmpi ne, %convert_element_type3A_10, %cond3A_11 : i32
    scf.if %cond3A_12 {
      %scan3A = arith.constant 0 : i32
      %scan3A_24 = arith.constant 0 : i32
      %scan3A_25 = arith.constant 125 : i32
      %scan3A_26 = arith.addi %scan3A_24, %scan3A_25 : i32
      %scan3A_27 = arith.constant 1 : i32
      scf.for %scan3A_29 = %scan3A_24 to %scan3A_26 step %scan3A_27  : i32 {
        %dma_start3A = arith.constant 0 : i32
        %dma_start3A_30 = tpu.memref_slice %arg9[%scan3A_29, %dma_start3A] : memref<125x80xi32, #tpu.memory_space<vmem>> -> memref<1x80xi32, #tpu.memory_space<vmem>>
        %dma_start3A_31 = tpu.memref_squeeze %dma_start3A_30 : memref<1x80xi32, #tpu.memory_space<vmem>> -> memref<80xi32, #tpu.memory_space<vmem>>
        %dma_start3A_32 = arith.constant 0 : i32
        %dma_start3A_33 = arith.constant 0 : i32
        %dma_start3A_34 = tpu.memref_slice %arg3[%dma_start3A_32, %dma_start3A_33] : memref<10000x128xf32, #tpu.memory_space<hbm>> -> memref<10000x128xf32, #tpu.memory_space<hbm>>
        tpu.enqueue_indirect_dma source(%dma_start3A_34 : memref<10000x128xf32, #tpu.memory_space<hbm>>) target(%arg11 : memref<80x128xf32, #tpu.memory_space<vmem>>) offsets(%dma_start3A_31 : memref<80xi32, #tpu.memory_space<vmem>>) semaphore(%arg13 : memref<!tpu.dma_semaphore, #tpu.memory_space<semaphore_mem>>)
        %dma_wait3A = arith.constant 0 : i32
        %dma_wait3A_35 = tpu.memref_slice %arg9[%scan3A_29, %dma_wait3A] : memref<125x80xi32, #tpu.memory_space<vmem>> -> memref<1x80xi32, #tpu.memory_space<vmem>>
        %dma_wait3A_36 = tpu.memref_squeeze %dma_wait3A_35 : memref<1x80xi32, #tpu.memory_space<vmem>> -> memref<80xi32, #tpu.memory_space<vmem>>
        %dma_wait3A_37 = arith.constant 0 : i32
        %dma_wait3A_38 = arith.constant 0 : i32
        %dma_wait3A_39 = tpu.memref_slice %arg3[%dma_wait3A_37, %dma_wait3A_38] : memref<10000x128xf32, #tpu.memory_space<hbm>> -> memref<10000x128xf32, #tpu.memory_space<hbm>>
        tpu.wait_indirect_dma semaphore(%arg13 : memref<!tpu.dma_semaphore, #tpu.memory_space<semaphore_mem>>) src(%dma_wait3A_39 : memref<10000x128xf32, #tpu.memory_space<hbm>>) dst(%arg11 : memref<80x128xf32, #tpu.memory_space<vmem>>)
        "tpu.region"() ({
          %run_scoped3A = tpu.sem_alloc : memref<!tpu.dma_semaphore, #tpu.memory_space<semaphore_mem>>
          %dma_start3A_40 = arith.constant 0 : i32
          %dma_start3A_41 = tpu.memref_slice %arg10[%scan3A_29, %dma_start3A_40] : memref<125x80xi32, #tpu.memory_space<vmem>> -> memref<1x80xi32, #tpu.memory_space<vmem>>
          %dma_start3A_42 = tpu.memref_squeeze %dma_start3A_41 : memref<1x80xi32, #tpu.memory_space<vmem>> -> memref<80xi32, #tpu.memory_space<vmem>>
          %dma_start3A_43 = arith.constant 0 : i32
          %dma_start3A_44 = arith.constant 0 : i32
          %dma_start3A_45 = tpu.memref_slice %arg12[%dma_start3A_43, %dma_start3A_44] : memref<10000x128xf32, #tpu.memory_space<vmem_shared>> -> memref<10000x128xf32, #tpu.memory_space<vmem_shared>>
          tpu.enqueue_indirect_dma source(%arg11 : memref<80x128xf32, #tpu.memory_space<vmem>>) target(%dma_start3A_45 : memref<10000x128xf32, #tpu.memory_space<vmem_shared>>) offsets(%dma_start3A_42 : memref<80xi32, #tpu.memory_space<vmem>>) semaphore(%run_scoped3A : memref<!tpu.dma_semaphore, #tpu.memory_space<semaphore_mem>>) {add = true}
          %dma_wait3A_46 = arith.constant 0 : i32
          %dma_wait3A_47 = tpu.memref_slice %arg10[%scan3A_29, %dma_wait3A_46] : memref<125x80xi32, #tpu.memory_space<vmem>> -> memref<1x80xi32, #tpu.memory_space<vmem>>
          %dma_wait3A_48 = tpu.memref_squeeze %dma_wait3A_47 : memref<1x80xi32, #tpu.memory_space<vmem>> -> memref<80xi32, #tpu.memory_space<vmem>>
          %dma_wait3A_49 = arith.constant 0 : i32
          %dma_wait3A_50 = arith.constant 0 : i32
          %dma_wait3A_51 = tpu.memref_slice %arg12[%dma_wait3A_49, %dma_wait3A_50] : memref<10000x128xf32, #tpu.memory_space<vmem_shared>> -> memref<10000x128xf32, #tpu.memory_space<vmem_shared>>
          tpu.wait_indirect_dma semaphore(%run_scoped3A : memref<!tpu.dma_semaphore, #tpu.memory_space<semaphore_mem>>) src(%arg11 : memref<80x128xf32, #tpu.memory_space<vmem>>) dst(%dma_wait3A_51 : memref<10000x128xf32, #tpu.memory_space<vmem_shared>>)
          tpu.yield
        }) : () -> ()
      }
      %scan3A_28 = arith.constant 125 : i32
    } else {
    }
    %barrier3A_13 = arith.constant 0 : index
    tpu.barrier barrier_id(%barrier3A_13)
    %eq3A_14 = arith.constant 0 : i32
    %eq3A_15 = arith.cmpi eq, %arg0, %eq3A_14 : i32
    %convert_element_type3A_16 = arith.extui %eq3A_15 : i1 to i32
    %cond3A_17 = arith.constant 0 : i32
    %cond3A_18 = arith.cmpi ne, %convert_element_type3A_16, %cond3A_17 : i32
    scf.if %cond3A_18 {
      "tpu.region"() ({
        %run_scoped3A = tpu.sem_alloc : memref<!tpu.dma_semaphore, #tpu.memory_space<semaphore_mem>>
        %dma_start3A = arith.constant 0 : i32
        %dma_start3A_29 = tpu.memref_slice %arg7[%mul3A_0, %dma_start3A] : memref<10000x128xf32, #tpu.memory_space<hbm>> -> memref<624x128xf32, #tpu.memory_space<hbm>>
        %dma_start3A_30 = arith.constant 0 : i32
        %dma_start3A_31 = tpu.memref_slice %arg12[%mul3A_0, %dma_start3A_30] : memref<10000x128xf32, #tpu.memory_space<vmem_shared>> -> memref<624x128xf32, #tpu.memory_space<vmem_shared>>
        tpu.enqueue_dma source(%dma_start3A_31 : memref<624x128xf32, #tpu.memory_space<vmem_shared>>) target(%dma_start3A_29 : memref<624x128xf32, #tpu.memory_space<hbm>>) target_semaphore(%run_scoped3A : memref<!tpu.dma_semaphore, #tpu.memory_space<semaphore_mem>>)
        %dma_wait3A = arith.constant 0 : i32
        %dma_wait3A_32 = tpu.memref_slice %arg7[%mul3A_0, %dma_wait3A] : memref<10000x128xf32, #tpu.memory_space<hbm>> -> memref<624x128xf32, #tpu.memory_space<hbm>>
        %dma_wait3A_33 = arith.constant 0 : i32
        %dma_wait3A_34 = tpu.memref_slice %arg12[%mul3A_0, %dma_wait3A_33] : memref<10000x128xf32, #tpu.memory_space<vmem_shared>> -> memref<624x128xf32, #tpu.memory_space<vmem_shared>>
        tpu.wait_dma2 semaphore(%run_scoped3A : memref<!tpu.dma_semaphore, #tpu.memory_space<semaphore_mem>>) src(%dma_wait3A_34 : memref<624x128xf32, #tpu.memory_space<vmem_shared>>) dst(%dma_wait3A_32 : memref<624x128xf32, #tpu.memory_space<hbm>>)
        tpu.yield
      }) : () -> ()
      %eq3A_24 = arith.constant 15 : i32
      %eq3A_25 = arith.cmpi eq, %arg1, %eq3A_24 : i32
      %convert_element_type3A_26 = arith.extui %eq3A_25 : i1 to i32
      %cond3A_27 = arith.constant 0 : i32
      %cond3A_28 = arith.cmpi ne, %convert_element_type3A_26, %cond3A_27 : i32
      scf.if %cond3A_28 {
        "tpu.region"() ({
          %run_scoped3A = tpu.sem_alloc : memref<!tpu.dma_semaphore, #tpu.memory_space<semaphore_mem>>
          %dma_start3A = arith.constant 9984 : i32
          %dma_start3A_29 = arith.constant 0 : i32
          %dma_start3A_30 = tpu.memref_slice %arg7[%dma_start3A, %dma_start3A_29] : memref<10000x128xf32, #tpu.memory_space<hbm>> -> memref<16x128xf32, #tpu.memory_space<hbm>>
          %dma_start3A_31 = arith.constant 9984 : i32
          %dma_start3A_32 = arith.constant 0 : i32
          %dma_start3A_33 = tpu.memref_slice %arg12[%dma_start3A_31, %dma_start3A_32] : memref<10000x128xf32, #tpu.memory_space<vmem_shared>> -> memref<16x128xf32, #tpu.memory_space<vmem_shared>>
          tpu.enqueue_dma source(%dma_start3A_33 : memref<16x128xf32, #tpu.memory_space<vmem_shared>>) target(%dma_start3A_30 : memref<16x128xf32, #tpu.memory_space<hbm>>) target_semaphore(%run_scoped3A : memref<!tpu.dma_semaphore, #tpu.memory_space<semaphore_mem>>)
          %dma_wait3A = arith.constant 9984 : i32
          %dma_wait3A_34 = arith.constant 0 : i32
          %dma_wait3A_35 = tpu.memref_slice %arg7[%dma_wait3A, %dma_wait3A_34] : memref<10000x128xf32, #tpu.memory_space<hbm>> -> memref<16x128xf32, #tpu.memory_space<hbm>>
          %dma_wait3A_36 = arith.constant 9984 : i32
          %dma_wait3A_37 = arith.constant 0 : i32
          %dma_wait3A_38 = tpu.memref_slice %arg12[%dma_wait3A_36, %dma_wait3A_37] : memref<10000x128xf32, #tpu.memory_space<vmem_shared>> -> memref<16x128xf32, #tpu.memory_space<vmem_shared>>
          tpu.wait_dma2 semaphore(%run_scoped3A : memref<!tpu.dma_semaphore, #tpu.memory_space<semaphore_mem>>) src(%dma_wait3A_38 : memref<16x128xf32, #tpu.memory_space<vmem_shared>>) dst(%dma_wait3A_35 : memref<16x128xf32, #tpu.memory_space<hbm>>)
          tpu.yield
        }) : () -> ()
      } else {
      }
    } else {
    }
    %eq3A_19 = arith.constant 1 : i32
    %eq3A_20 = arith.cmpi eq, %arg0, %eq3A_19 : i32
    %convert_element_type3A_21 = arith.extui %eq3A_20 : i1 to i32
    %cond3A_22 = arith.constant 0 : i32
    %cond3A_23 = arith.cmpi ne, %convert_element_type3A_21, %cond3A_22 : i32
    scf.if %cond3A_23 {
      "tpu.region"() ({
        %run_scoped3A = tpu.sem_alloc : memref<!tpu.dma_semaphore, #tpu.memory_space<semaphore_mem>>
        %dma_start3A = arith.constant 0 : i32
        %dma_start3A_29 = tpu.memref_slice %arg8[%mul3A_0, %dma_start3A] : memref<10000x128xf32, #tpu.memory_space<hbm>> -> memref<624x128xf32, #tpu.memory_space<hbm>>
        %dma_start3A_30 = arith.constant 0 : i32
        %dma_start3A_31 = tpu.memref_slice %arg12[%mul3A_0, %dma_start3A_30] : memref<10000x128xf32, #tpu.memory_space<vmem_shared>> -> memref<624x128xf32, #tpu.memory_space<vmem_shared>>
        tpu.enqueue_dma source(%dma_start3A_31 : memref<624x128xf32, #tpu.memory_space<vmem_shared>>) target(%dma_start3A_29 : memref<624x128xf32, #tpu.memory_space<hbm>>) target_semaphore(%run_scoped3A : memref<!tpu.dma_semaphore, #tpu.memory_space<semaphore_mem>>)
        %dma_wait3A = arith.constant 0 : i32
        %dma_wait3A_32 = tpu.memref_slice %arg8[%mul3A_0, %dma_wait3A] : memref<10000x128xf32, #tpu.memory_space<hbm>> -> memref<624x128xf32, #tpu.memory_space<hbm>>
        %dma_wait3A_33 = arith.constant 0 : i32
        %dma_wait3A_34 = tpu.memref_slice %arg12[%mul3A_0, %dma_wait3A_33] : memref<10000x128xf32, #tpu.memory_space<vmem_shared>> -> memref<624x128xf32, #tpu.memory_space<vmem_shared>>
        tpu.wait_dma2 semaphore(%run_scoped3A : memref<!tpu.dma_semaphore, #tpu.memory_space<semaphore_mem>>) src(%dma_wait3A_34 : memref<624x128xf32, #tpu.memory_space<vmem_shared>>) dst(%dma_wait3A_32 : memref<624x128xf32, #tpu.memory_space<hbm>>)
        tpu.yield
      }) : () -> ()
      %eq3A_24 = arith.constant 15 : i32
      %eq3A_25 = arith.cmpi eq, %arg1, %eq3A_24 : i32
      %convert_element_type3A_26 = arith.extui %eq3A_25 : i1 to i32
      %cond3A_27 = arith.constant 0 : i32
      %cond3A_28 = arith.cmpi ne, %convert_element_type3A_26, %cond3A_27 : i32
      scf.if %cond3A_28 {
        "tpu.region"() ({
          %run_scoped3A = tpu.sem_alloc : memref<!tpu.dma_semaphore, #tpu.memory_space<semaphore_mem>>
          %dma_start3A = arith.constant 9984 : i32
          %dma_start3A_29 = arith.constant 0 : i32
          %dma_start3A_30 = tpu.memref_slice %arg8[%dma_start3A, %dma_start3A_29] : memref<10000x128xf32, #tpu.memory_space<hbm>> -> memref<16x128xf32, #tpu.memory_space<hbm>>
          %dma_start3A_31 = arith.constant 9984 : i32
          %dma_start3A_32 = arith.constant 0 : i32
          %dma_start3A_33 = tpu.memref_slice %arg12[%dma_start3A_31, %dma_start3A_32] : memref<10000x128xf32, #tpu.memory_space<vmem_shared>> -> memref<16x128xf32, #tpu.memory_space<vmem_shared>>
          tpu.enqueue_dma source(%dma_start3A_33 : memref<16x128xf32, #tpu.memory_space<vmem_shared>>) target(%dma_start3A_30 : memref<16x128xf32, #tpu.memory_space<hbm>>) target_semaphore(%run_scoped3A : memref<!tpu.dma_semaphore, #tpu.memory_space<semaphore_mem>>)
          %dma_wait3A = arith.constant 9984 : i32
          %dma_wait3A_34 = arith.constant 0 : i32
          %dma_wait3A_35 = tpu.memref_slice %arg8[%dma_wait3A, %dma_wait3A_34] : memref<10000x128xf32, #tpu.memory_space<hbm>> -> memref<16x128xf32, #tpu.memory_space<hbm>>
          %dma_wait3A_36 = arith.constant 9984 : i32
          %dma_wait3A_37 = arith.constant 0 : i32
          %dma_wait3A_38 = tpu.memref_slice %arg12[%dma_wait3A_36, %dma_wait3A_37] : memref<10000x128xf32, #tpu.memory_space<vmem_shared>> -> memref<16x128xf32, #tpu.memory_space<vmem_shared>>
          tpu.wait_dma2 semaphore(%run_scoped3A : memref<!tpu.dma_semaphore, #tpu.memory_space<semaphore_mem>>) src(%dma_wait3A_38 : memref<16x128xf32, #tpu.memory_space<vmem_shared>>) dst(%dma_wait3A_35 : memref<16x128xf32, #tpu.memory_space<hbm>>)
          tpu.yield
        }) : () -> ()
      } else {
      }
    } else {
    }
    return
  }
}

#map = affine_map<(d0, d1) -> (0, 0)>
#map1 = affine_map<(d0, d1) -> (0, 0, 0)>
module attributes {stable_mosaic.version = 14 : i64} {
  func.func @aggr(%arg0: i32, %arg1: i32, %arg2: memref<10000x128xf32, #tpu.memory_space<hbm>>, %arg3: memref<10000x128xf32, #tpu.memory_space<hbm>>, %arg4: memref<16x125x80xi32, #tpu.memory_space<hbm>>, %arg5: memref<16x125x80xi32, #tpu.memory_space<hbm>>, %arg6: memref<624x128xf32, #tpu.memory_space<hbm>>, %arg7: memref<10000x128xf32, #tpu.memory_space<hbm>>, %arg8: memref<10000x128xf32, #tpu.memory_space<hbm>>, %arg9: memref<125x80xi32, #tpu.memory_space<vmem>>, %arg10: memref<125x80xi32, #tpu.memory_space<vmem>>, %arg11: memref<80x128xf32, #tpu.memory_space<vmem>>, %arg12: memref<10000x128xf32, #tpu.memory_space<vmem_shared>>, %arg13: memref<!tpu.dma_semaphore, #tpu.memory_space<semaphore_mem>>) attributes {dimension_semantics = [#tpu.dimension_semantics<core_parallel>, #tpu.dimension_semantics<subcore_parallel>], iteration_bounds = array<i64: 2, 16>, scalar_prefetch = 0 : i64, scratch_operands = 5 : i64, tpu.core_type = #tpu.core_type<sc_vector_subcore>, window_params = [{transform_indices = #map}, {transform_indices = #map}, {transform_indices = #map1}, {transform_indices = #map1}, {transform_indices = #map}, {transform_indices = #map}, {transform_indices = #map}]} {
    %mul3A = arith.constant 624 : i32
    %mul3A_0 = arith.muli %arg1, %mul3A : i32
    "tpu.region"() ({
      %run_scoped3A = tpu.sem_alloc : memref<!tpu.dma_semaphore, #tpu.memory_space<semaphore_mem>>
      %dma_start3A = arith.constant 0 : i32
      %dma_start3A_24 = tpu.memref_slice %arg12[%mul3A_0, %dma_start3A] : memref<10000x128xf32, #tpu.memory_space<vmem_shared>> -> memref<624x128xf32, #tpu.memory_space<vmem_shared>>
      tpu.enqueue_dma source(%arg6 : memref<624x128xf32, #tpu.memory_space<hbm>>) target(%dma_start3A_24 : memref<624x128xf32, #tpu.memory_space<vmem_shared>>) target_semaphore(%run_scoped3A : memref<!tpu.dma_semaphore, #tpu.memory_space<semaphore_mem>>)
      %dma_wait3A = arith.constant 0 : i32
      %dma_wait3A_25 = tpu.memref_slice %arg12[%mul3A_0, %dma_wait3A] : memref<10000x128xf32, #tpu.memory_space<vmem_shared>> -> memref<624x128xf32, #tpu.memory_space<vmem_shared>>
      tpu.wait_dma2 semaphore(%run_scoped3A : memref<!tpu.dma_semaphore, #tpu.memory_space<semaphore_mem>>) src(%arg6 : memref<624x128xf32, #tpu.memory_space<hbm>>) dst(%dma_wait3A_25 : memref<624x128xf32, #tpu.memory_space<vmem_shared>>)
      tpu.yield
    }) : () -> ()
    %eq3A = arith.constant 15 : i32
    %eq3A_1 = arith.cmpi eq, %arg1, %eq3A : i32
    %convert_element_type3A = arith.extui %eq3A_1 : i1 to i32
    %cond3A = arith.constant 0 : i32
    %cond3A_2 = arith.cmpi ne, %convert_element_type3A, %cond3A : i32
    scf.if %cond3A_2 {
      "tpu.region"() ({
        %run_scoped3A = tpu.sem_alloc : memref<!tpu.dma_semaphore, #tpu.memory_space<semaphore_mem>>
        %dma_start3A = arith.constant 9984 : i32
        %dma_start3A_24 = arith.constant 0 : i32
        %dma_start3A_25 = tpu.memref_slice %arg12[%dma_start3A, %dma_start3A_24] : memref<10000x128xf32, #tpu.memory_space<vmem_shared>> -> memref<16x128xf32, #tpu.memory_space<vmem_shared>>
        %dma_start3A_26 = arith.constant 0 : i32
        %dma_start3A_27 = arith.constant 0 : i32
        %dma_start3A_28 = tpu.memref_slice %arg6[%dma_start3A_26, %dma_start3A_27] : memref<624x128xf32, #tpu.memory_space<hbm>> -> memref<16x128xf32, #tpu.memory_space<hbm>>
        tpu.enqueue_dma source(%dma_start3A_28 : memref<16x128xf32, #tpu.memory_space<hbm>>) target(%dma_start3A_25 : memref<16x128xf32, #tpu.memory_space<vmem_shared>>) target_semaphore(%run_scoped3A : memref<!tpu.dma_semaphore, #tpu.memory_space<semaphore_mem>>)
        %dma_wait3A = arith.constant 9984 : i32
        %dma_wait3A_29 = arith.constant 0 : i32
        %dma_wait3A_30 = tpu.memref_slice %arg12[%dma_wait3A, %dma_wait3A_29] : memref<10000x128xf32, #tpu.memory_space<vmem_shared>> -> memref<16x128xf32, #tpu.memory_space<vmem_shared>>
        %dma_wait3A_31 = arith.constant 0 : i32
        %dma_wait3A_32 = arith.constant 0 : i32
        %dma_wait3A_33 = tpu.memref_slice %arg6[%dma_wait3A_31, %dma_wait3A_32] : memref<624x128xf32, #tpu.memory_space<hbm>> -> memref<16x128xf32, #tpu.memory_space<hbm>>
        tpu.wait_dma2 semaphore(%run_scoped3A : memref<!tpu.dma_semaphore, #tpu.memory_space<semaphore_mem>>) src(%dma_wait3A_33 : memref<16x128xf32, #tpu.memory_space<hbm>>) dst(%dma_wait3A_30 : memref<16x128xf32, #tpu.memory_space<vmem_shared>>)
        tpu.yield
      }) : () -> ()
    } else {
    }
    "tpu.region"() ({
      %run_scoped3A = tpu.sem_alloc : memref<!tpu.dma_semaphore, #tpu.memory_space<semaphore_mem>>
      %dma_start3A = arith.constant 0 : i32
      %dma_start3A_24 = arith.constant 0 : i32
      %dma_start3A_25 = tpu.memref_slice %arg4[%arg1, %dma_start3A, %dma_start3A_24] : memref<16x125x80xi32, #tpu.memory_space<hbm>> -> memref<1x125x80xi32, #tpu.memory_space<hbm>>
      %dma_start3A_26 = tpu.memref_squeeze %dma_start3A_25 : memref<1x125x80xi32, #tpu.memory_space<hbm>> -> memref<125x80xi32, #tpu.memory_space<hbm>>
      %dma_start3A_27 = arith.constant 0 : i32
      %dma_start3A_28 = arith.constant 0 : i32
      %dma_start3A_29 = tpu.memref_slice %arg4[%arg1, %dma_start3A_27, %dma_start3A_28] : memref<16x125x80xi32, #tpu.memory_space<hbm>> -> memref<1x125x80xi32, #tpu.memory_space<hbm>>
      %dma_start3A_30 = tpu.memref_squeeze %dma_start3A_29 : memref<1x125x80xi32, #tpu.memory_space<hbm>> -> memref<125x80xi32, #tpu.memory_space<hbm>>
      tpu.enqueue_dma source(%dma_start3A_30 : memref<125x80xi32, #tpu.memory_space<hbm>>) target(%arg9 : memref<125x80xi32, #tpu.memory_space<vmem>>) target_semaphore(%run_scoped3A : memref<!tpu.dma_semaphore, #tpu.memory_space<semaphore_mem>>)
      %dma_wait3A = arith.constant 0 : i32
      %dma_wait3A_31 = arith.constant 0 : i32
      %dma_wait3A_32 = tpu.memref_slice %arg4[%arg1, %dma_wait3A, %dma_wait3A_31] : memref<16x125x80xi32, #tpu.memory_space<hbm>> -> memref<1x125x80xi32, #tpu.memory_space<hbm>>
      %dma_wait3A_33 = tpu.memref_squeeze %dma_wait3A_32 : memref<1x125x80xi32, #tpu.memory_space<hbm>> -> memref<125x80xi32, #tpu.memory_space<hbm>>
      %dma_wait3A_34 = arith.constant 0 : i32
      %dma_wait3A_35 = arith.constant 0 : i32
      %dma_wait3A_36 = tpu.memref_slice %arg4[%arg1, %dma_wait3A_34, %dma_wait3A_35] : memref<16x125x80xi32, #tpu.memory_space<hbm>> -> memref<1x125x80xi32, #tpu.memory_space<hbm>>
      %dma_wait3A_37 = tpu.memref_squeeze %dma_wait3A_36 : memref<1x125x80xi32, #tpu.memory_space<hbm>> -> memref<125x80xi32, #tpu.memory_space<hbm>>
      tpu.wait_dma2 semaphore(%run_scoped3A : memref<!tpu.dma_semaphore, #tpu.memory_space<semaphore_mem>>) src(%dma_wait3A_37 : memref<125x80xi32, #tpu.memory_space<hbm>>) dst(%arg9 : memref<125x80xi32, #tpu.memory_space<vmem>>)
      tpu.yield
    }) : () -> ()
    "tpu.region"() ({
      %run_scoped3A = tpu.sem_alloc : memref<!tpu.dma_semaphore, #tpu.memory_space<semaphore_mem>>
      %dma_start3A = arith.constant 0 : i32
      %dma_start3A_24 = arith.constant 0 : i32
      %dma_start3A_25 = tpu.memref_slice %arg5[%arg1, %dma_start3A, %dma_start3A_24] : memref<16x125x80xi32, #tpu.memory_space<hbm>> -> memref<1x125x80xi32, #tpu.memory_space<hbm>>
      %dma_start3A_26 = tpu.memref_squeeze %dma_start3A_25 : memref<1x125x80xi32, #tpu.memory_space<hbm>> -> memref<125x80xi32, #tpu.memory_space<hbm>>
      %dma_start3A_27 = arith.constant 0 : i32
      %dma_start3A_28 = arith.constant 0 : i32
      %dma_start3A_29 = tpu.memref_slice %arg5[%arg1, %dma_start3A_27, %dma_start3A_28] : memref<16x125x80xi32, #tpu.memory_space<hbm>> -> memref<1x125x80xi32, #tpu.memory_space<hbm>>
      %dma_start3A_30 = tpu.memref_squeeze %dma_start3A_29 : memref<1x125x80xi32, #tpu.memory_space<hbm>> -> memref<125x80xi32, #tpu.memory_space<hbm>>
      tpu.enqueue_dma source(%dma_start3A_30 : memref<125x80xi32, #tpu.memory_space<hbm>>) target(%arg10 : memref<125x80xi32, #tpu.memory_space<vmem>>) target_semaphore(%run_scoped3A : memref<!tpu.dma_semaphore, #tpu.memory_space<semaphore_mem>>)
      %dma_wait3A = arith.constant 0 : i32
      %dma_wait3A_31 = arith.constant 0 : i32
      %dma_wait3A_32 = tpu.memref_slice %arg5[%arg1, %dma_wait3A, %dma_wait3A_31] : memref<16x125x80xi32, #tpu.memory_space<hbm>> -> memref<1x125x80xi32, #tpu.memory_space<hbm>>
      %dma_wait3A_33 = tpu.memref_squeeze %dma_wait3A_32 : memref<1x125x80xi32, #tpu.memory_space<hbm>> -> memref<125x80xi32, #tpu.memory_space<hbm>>
      %dma_wait3A_34 = arith.constant 0 : i32
      %dma_wait3A_35 = arith.constant 0 : i32
      %dma_wait3A_36 = tpu.memref_slice %arg5[%arg1, %dma_wait3A_34, %dma_wait3A_35] : memref<16x125x80xi32, #tpu.memory_space<hbm>> -> memref<1x125x80xi32, #tpu.memory_space<hbm>>
      %dma_wait3A_37 = tpu.memref_squeeze %dma_wait3A_36 : memref<1x125x80xi32, #tpu.memory_space<hbm>> -> memref<125x80xi32, #tpu.memory_space<hbm>>
      tpu.wait_dma2 semaphore(%run_scoped3A : memref<!tpu.dma_semaphore, #tpu.memory_space<semaphore_mem>>) src(%dma_wait3A_37 : memref<125x80xi32, #tpu.memory_space<hbm>>) dst(%arg10 : memref<125x80xi32, #tpu.memory_space<vmem>>)
      tpu.yield
    }) : () -> ()
    %barrier3A = arith.constant 0 : index
    tpu.barrier barrier_id(%barrier3A)
    %eq3A_3 = arith.constant 0 : i32
    %eq3A_4 = arith.cmpi eq, %arg0, %eq3A_3 : i32
    %convert_element_type3A_5 = arith.extui %eq3A_4 : i1 to i32
    %cond3A_6 = arith.constant 0 : i32
    %cond3A_7 = arith.cmpi ne, %convert_element_type3A_5, %cond3A_6 : i32
    scf.if %cond3A_7 {
      %scan3A = arith.constant 0 : i32
      %scan3A_24 = arith.constant 0 : i32
      %scan3A_25 = arith.constant 125 : i32
      %scan3A_26 = arith.addi %scan3A_24, %scan3A_25 : i32
      %scan3A_27 = arith.constant 1 : i32
      scf.for %scan3A_29 = %scan3A_24 to %scan3A_26 step %scan3A_27  : i32 {
        %dma_start3A = arith.constant 0 : i32
        %dma_start3A_30 = tpu.memref_slice %arg9[%scan3A_29, %dma_start3A] : memref<125x80xi32, #tpu.memory_space<vmem>> -> memref<1x80xi32, #tpu.memory_space<vmem>>
        %dma_start3A_31 = tpu.memref_squeeze %dma_start3A_30 : memref<1x80xi32, #tpu.memory_space<vmem>> -> memref<80xi32, #tpu.memory_space<vmem>>
        %dma_start3A_32 = arith.constant 0 : i32
        %dma_start3A_33 = arith.constant 0 : i32
        %dma_start3A_34 = tpu.memref_slice %arg2[%dma_start3A_32, %dma_start3A_33] : memref<10000x128xf32, #tpu.memory_space<hbm>> -> memref<10000x128xf32, #tpu.memory_space<hbm>>
        tpu.enqueue_indirect_dma source(%dma_start3A_34 : memref<10000x128xf32, #tpu.memory_space<hbm>>) target(%arg11 : memref<80x128xf32, #tpu.memory_space<vmem>>) offsets(%dma_start3A_31 : memref<80xi32, #tpu.memory_space<vmem>>) semaphore(%arg13 : memref<!tpu.dma_semaphore, #tpu.memory_space<semaphore_mem>>)
        %dma_wait3A = arith.constant 0 : i32
        %dma_wait3A_35 = tpu.memref_slice %arg9[%scan3A_29, %dma_wait3A] : memref<125x80xi32, #tpu.memory_space<vmem>> -> memref<1x80xi32, #tpu.memory_space<vmem>>
        %dma_wait3A_36 = tpu.memref_squeeze %dma_wait3A_35 : memref<1x80xi32, #tpu.memory_space<vmem>> -> memref<80xi32, #tpu.memory_space<vmem>>
        %dma_wait3A_37 = arith.constant 0 : i32
        %dma_wait3A_38 = arith.constant 0 : i32
        %dma_wait3A_39 = tpu.memref_slice %arg2[%dma_wait3A_37, %dma_wait3A_38] : memref<10000x128xf32, #tpu.memory_space<hbm>> -> memref<10000x128xf32, #tpu.memory_space<hbm>>
        tpu.wait_indirect_dma semaphore(%arg13 : memref<!tpu.dma_semaphore, #tpu.memory_space<semaphore_mem>>) src(%dma_wait3A_39 : memref<10000x128xf32, #tpu.memory_space<hbm>>) dst(%arg11 : memref<80x128xf32, #tpu.memory_space<vmem>>)
        "tpu.region"() ({
          %run_scoped3A = tpu.sem_alloc : memref<!tpu.dma_semaphore, #tpu.memory_space<semaphore_mem>>
          %dma_start3A_40 = arith.constant 0 : i32
          %dma_start3A_41 = tpu.memref_slice %arg10[%scan3A_29, %dma_start3A_40] : memref<125x80xi32, #tpu.memory_space<vmem>> -> memref<1x80xi32, #tpu.memory_space<vmem>>
          %dma_start3A_42 = tpu.memref_squeeze %dma_start3A_41 : memref<1x80xi32, #tpu.memory_space<vmem>> -> memref<80xi32, #tpu.memory_space<vmem>>
          %dma_start3A_43 = arith.constant 0 : i32
          %dma_start3A_44 = arith.constant 0 : i32
          %dma_start3A_45 = tpu.memref_slice %arg12[%dma_start3A_43, %dma_start3A_44] : memref<10000x128xf32, #tpu.memory_space<vmem_shared>> -> memref<10000x128xf32, #tpu.memory_space<vmem_shared>>
          tpu.enqueue_indirect_dma source(%arg11 : memref<80x128xf32, #tpu.memory_space<vmem>>) target(%dma_start3A_45 : memref<10000x128xf32, #tpu.memory_space<vmem_shared>>) offsets(%dma_start3A_42 : memref<80xi32, #tpu.memory_space<vmem>>) semaphore(%run_scoped3A : memref<!tpu.dma_semaphore, #tpu.memory_space<semaphore_mem>>) {add = true}
          %dma_wait3A_46 = arith.constant 0 : i32
          %dma_wait3A_47 = tpu.memref_slice %arg10[%scan3A_29, %dma_wait3A_46] : memref<125x80xi32, #tpu.memory_space<vmem>> -> memref<1x80xi32, #tpu.memory_space<vmem>>
          %dma_wait3A_48 = tpu.memref_squeeze %dma_wait3A_47 : memref<1x80xi32, #tpu.memory_space<vmem>> -> memref<80xi32, #tpu.memory_space<vmem>>
          %dma_wait3A_49 = arith.constant 0 : i32
          %dma_wait3A_50 = arith.constant 0 : i32
          %dma_wait3A_51 = tpu.memref_slice %arg12[%dma_wait3A_49, %dma_wait3A_50] : memref<10000x128xf32, #tpu.memory_space<vmem_shared>> -> memref<10000x128xf32, #tpu.memory_space<vmem_shared>>
          tpu.wait_indirect_dma semaphore(%run_scoped3A : memref<!tpu.dma_semaphore, #tpu.memory_space<semaphore_mem>>) src(%arg11 : memref<80x128xf32, #tpu.memory_space<vmem>>) dst(%dma_wait3A_51 : memref<10000x128xf32, #tpu.memory_space<vmem_shared>>)
          tpu.yield
        }) : () -> ()
      }
      %scan3A_28 = arith.constant 125 : i32
    } else {
    }
    %eq3A_8 = arith.constant 1 : i32
    %eq3A_9 = arith.cmpi eq, %arg0, %eq3A_8 : i32
    %convert_element_type3A_10 = arith.extui %eq3A_9 : i1 to i32
    %cond3A_11 = arith.constant 0 : i32
    %cond3A_12 = arith.cmpi ne, %convert_element_type3A_10, %cond3A_11 : i32
    scf.if %cond3A_12 {
      %scan3A = arith.constant 0 : i32
      %scan3A_24 = arith.constant 0 : i32
      %scan3A_25 = arith.constant 125 : i32
      %scan3A_26 = arith.addi %scan3A_24, %scan3A_25 : i32
      %scan3A_27 = arith.constant 1 : i32
      scf.for %scan3A_29 = %scan3A_24 to %scan3A_26 step %scan3A_27  : i32 {
        %dma_start3A = arith.constant 0 : i32
        %dma_start3A_30 = tpu.memref_slice %arg9[%scan3A_29, %dma_start3A] : memref<125x80xi32, #tpu.memory_space<vmem>> -> memref<1x80xi32, #tpu.memory_space<vmem>>
        %dma_start3A_31 = tpu.memref_squeeze %dma_start3A_30 : memref<1x80xi32, #tpu.memory_space<vmem>> -> memref<80xi32, #tpu.memory_space<vmem>>
        %dma_start3A_32 = arith.constant 0 : i32
        %dma_start3A_33 = arith.constant 0 : i32
        %dma_start3A_34 = tpu.memref_slice %arg3[%dma_start3A_32, %dma_start3A_33] : memref<10000x128xf32, #tpu.memory_space<hbm>> -> memref<10000x128xf32, #tpu.memory_space<hbm>>
        tpu.enqueue_indirect_dma source(%dma_start3A_34 : memref<10000x128xf32, #tpu.memory_space<hbm>>) target(%arg11 : memref<80x128xf32, #tpu.memory_space<vmem>>) offsets(%dma_start3A_31 : memref<80xi32, #tpu.memory_space<vmem>>) semaphore(%arg13 : memref<!tpu.dma_semaphore, #tpu.memory_space<semaphore_mem>>)
        %dma_wait3A = arith.constant 0 : i32
        %dma_wait3A_35 = tpu.memref_slice %arg9[%scan3A_29, %dma_wait3A] : memref<125x80xi32, #tpu.memory_space<vmem>> -> memref<1x80xi32, #tpu.memory_space<vmem>>
        %dma_wait3A_36 = tpu.memref_squeeze %dma_wait3A_35 : memref<1x80xi32, #tpu.memory_space<vmem>> -> memref<80xi32, #tpu.memory_space<vmem>>
        %dma_wait3A_37 = arith.constant 0 : i32
        %dma_wait3A_38 = arith.constant 0 : i32
        %dma_wait3A_39 = tpu.memref_slice %arg3[%dma_wait3A_37, %dma_wait3A_38] : memref<10000x128xf32, #tpu.memory_space<hbm>> -> memref<10000x128xf32, #tpu.memory_space<hbm>>
        tpu.wait_indirect_dma semaphore(%arg13 : memref<!tpu.dma_semaphore, #tpu.memory_space<semaphore_mem>>) src(%dma_wait3A_39 : memref<10000x128xf32, #tpu.memory_space<hbm>>) dst(%arg11 : memref<80x128xf32, #tpu.memory_space<vmem>>)
        "tpu.region"() ({
          %run_scoped3A = tpu.sem_alloc : memref<!tpu.dma_semaphore, #tpu.memory_space<semaphore_mem>>
          %dma_start3A_40 = arith.constant 0 : i32
          %dma_start3A_41 = tpu.memref_slice %arg10[%scan3A_29, %dma_start3A_40] : memref<125x80xi32, #tpu.memory_space<vmem>> -> memref<1x80xi32, #tpu.memory_space<vmem>>
          %dma_start3A_42 = tpu.memref_squeeze %dma_start3A_41 : memref<1x80xi32, #tpu.memory_space<vmem>> -> memref<80xi32, #tpu.memory_space<vmem>>
          %dma_start3A_43 = arith.constant 0 : i32
          %dma_start3A_44 = arith.constant 0 : i32
          %dma_start3A_45 = tpu.memref_slice %arg12[%dma_start3A_43, %dma_start3A_44] : memref<10000x128xf32, #tpu.memory_space<vmem_shared>> -> memref<10000x128xf32, #tpu.memory_space<vmem_shared>>
          tpu.enqueue_indirect_dma source(%arg11 : memref<80x128xf32, #tpu.memory_space<vmem>>) target(%dma_start3A_45 : memref<10000x128xf32, #tpu.memory_space<vmem_shared>>) offsets(%dma_start3A_42 : memref<80xi32, #tpu.memory_space<vmem>>) semaphore(%run_scoped3A : memref<!tpu.dma_semaphore, #tpu.memory_space<semaphore_mem>>) {add = true}
          %dma_wait3A_46 = arith.constant 0 : i32
          %dma_wait3A_47 = tpu.memref_slice %arg10[%scan3A_29, %dma_wait3A_46] : memref<125x80xi32, #tpu.memory_space<vmem>> -> memref<1x80xi32, #tpu.memory_space<vmem>>
          %dma_wait3A_48 = tpu.memref_squeeze %dma_wait3A_47 : memref<1x80xi32, #tpu.memory_space<vmem>> -> memref<80xi32, #tpu.memory_space<vmem>>
          %dma_wait3A_49 = arith.constant 0 : i32
          %dma_wait3A_50 = arith.constant 0 : i32
          %dma_wait3A_51 = tpu.memref_slice %arg12[%dma_wait3A_49, %dma_wait3A_50] : memref<10000x128xf32, #tpu.memory_space<vmem_shared>> -> memref<10000x128xf32, #tpu.memory_space<vmem_shared>>
          tpu.wait_indirect_dma semaphore(%run_scoped3A : memref<!tpu.dma_semaphore, #tpu.memory_space<semaphore_mem>>) src(%arg11 : memref<80x128xf32, #tpu.memory_space<vmem>>) dst(%dma_wait3A_51 : memref<10000x128xf32, #tpu.memory_space<vmem_shared>>)
          tpu.yield
        }) : () -> ()
      }
      %scan3A_28 = arith.constant 125 : i32
    } else {
    }
    %barrier3A_13 = arith.constant 0 : index
    tpu.barrier barrier_id(%barrier3A_13)
    %eq3A_14 = arith.constant 0 : i32
    %eq3A_15 = arith.cmpi eq, %arg0, %eq3A_14 : i32
    %convert_element_type3A_16 = arith.extui %eq3A_15 : i1 to i32
    %cond3A_17 = arith.constant 0 : i32
    %cond3A_18 = arith.cmpi ne, %convert_element_type3A_16, %cond3A_17 : i32
    scf.if %cond3A_18 {
      "tpu.region"() ({
        %run_scoped3A = tpu.sem_alloc : memref<!tpu.dma_semaphore, #tpu.memory_space<semaphore_mem>>
        %dma_start3A = arith.constant 0 : i32
        %dma_start3A_29 = tpu.memref_slice %arg7[%mul3A_0, %dma_start3A] : memref<10000x128xf32, #tpu.memory_space<hbm>> -> memref<624x128xf32, #tpu.memory_space<hbm>>
        %dma_start3A_30 = arith.constant 0 : i32
        %dma_start3A_31 = tpu.memref_slice %arg12[%mul3A_0, %dma_start3A_30] : memref<10000x128xf32, #tpu.memory_space<vmem_shared>> -> memref<624x128xf32, #tpu.memory_space<vmem_shared>>
        tpu.enqueue_dma source(%dma_start3A_31 : memref<624x128xf32, #tpu.memory_space<vmem_shared>>) target(%dma_start3A_29 : memref<624x128xf32, #tpu.memory_space<hbm>>) target_semaphore(%run_scoped3A : memref<!tpu.dma_semaphore, #tpu.memory_space<semaphore_mem>>)
        %dma_wait3A = arith.constant 0 : i32
        %dma_wait3A_32 = tpu.memref_slice %arg7[%mul3A_0, %dma_wait3A] : memref<10000x128xf32, #tpu.memory_space<hbm>> -> memref<624x128xf32, #tpu.memory_space<hbm>>
        %dma_wait3A_33 = arith.constant 0 : i32
        %dma_wait3A_34 = tpu.memref_slice %arg12[%mul3A_0, %dma_wait3A_33] : memref<10000x128xf32, #tpu.memory_space<vmem_shared>> -> memref<624x128xf32, #tpu.memory_space<vmem_shared>>
        tpu.wait_dma2 semaphore(%run_scoped3A : memref<!tpu.dma_semaphore, #tpu.memory_space<semaphore_mem>>) src(%dma_wait3A_34 : memref<624x128xf32, #tpu.memory_space<vmem_shared>>) dst(%dma_wait3A_32 : memref<624x128xf32, #tpu.memory_space<hbm>>)
        tpu.yield
      }) : () -> ()
      %eq3A_24 = arith.constant 15 : i32
      %eq3A_25 = arith.cmpi eq, %arg1, %eq3A_24 : i32
      %convert_element_type3A_26 = arith.extui %eq3A_25 : i1 to i32
      %cond3A_27 = arith.constant 0 : i32
      %cond3A_28 = arith.cmpi ne, %convert_element_type3A_26, %cond3A_27 : i32
      scf.if %cond3A_28 {
        "tpu.region"() ({
          %run_scoped3A = tpu.sem_alloc : memref<!tpu.dma_semaphore, #tpu.memory_space<semaphore_mem>>
          %dma_start3A = arith.constant 9984 : i32
          %dma_start3A_29 = arith.constant 0 : i32
          %dma_start3A_30 = tpu.memref_slice %arg7[%dma_start3A, %dma_start3A_29] : memref<10000x128xf32, #tpu.memory_space<hbm>> -> memref<16x128xf32, #tpu.memory_space<hbm>>
          %dma_start3A_31 = arith.constant 9984 : i32
          %dma_start3A_32 = arith.constant 0 : i32
          %dma_start3A_33 = tpu.memref_slice %arg12[%dma_start3A_31, %dma_start3A_32] : memref<10000x128xf32, #tpu.memory_space<vmem_shared>> -> memref<16x128xf32, #tpu.memory_space<vmem_shared>>
          tpu.enqueue_dma source(%dma_start3A_33 : memref<16x128xf32, #tpu.memory_space<vmem_shared>>) target(%dma_start3A_30 : memref<16x128xf32, #tpu.memory_space<hbm>>) target_semaphore(%run_scoped3A : memref<!tpu.dma_semaphore, #tpu.memory_space<semaphore_mem>>)
          %dma_wait3A = arith.constant 9984 : i32
          %dma_wait3A_34 = arith.constant 0 : i32
          %dma_wait3A_35 = tpu.memref_slice %arg7[%dma_wait3A, %dma_wait3A_34] : memref<10000x128xf32, #tpu.memory_space<hbm>> -> memref<16x128xf32, #tpu.memory_space<hbm>>
          %dma_wait3A_36 = arith.constant 9984 : i32
          %dma_wait3A_37 = arith.constant 0 : i32
          %dma_wait3A_38 = tpu.memref_slice %arg12[%dma_wait3A_36, %dma_wait3A_37] : memref<10000x128xf32, #tpu.memory_space<vmem_shared>> -> memref<16x128xf32, #tpu.memory_space<vmem_shared>>
          tpu.wait_dma2 semaphore(%run_scoped3A : memref<!tpu.dma_semaphore, #tpu.memory_space<semaphore_mem>>) src(%dma_wait3A_38 : memref<16x128xf32, #tpu.memory_space<vmem_shared>>) dst(%dma_wait3A_35 : memref<16x128xf32, #tpu.memory_space<hbm>>)
          tpu.yield
        }) : () -> ()
      } else {
      }
    } else {
    }
    %eq3A_19 = arith.constant 1 : i32
    %eq3A_20 = arith.cmpi eq, %arg0, %eq3A_19 : i32
    %convert_element_type3A_21 = arith.extui %eq3A_20 : i1 to i32
    %cond3A_22 = arith.constant 0 : i32
    %cond3A_23 = arith.cmpi ne, %convert_element_type3A_21, %cond3A_22 : i32
    scf.if %cond3A_23 {
      "tpu.region"() ({
        %run_scoped3A = tpu.sem_alloc : memref<!tpu.dma_semaphore, #tpu.memory_space<semaphore_mem>>
        %dma_start3A = arith.constant 0 : i32
        %dma_start3A_29 = tpu.memref_slice %arg8[%mul3A_0, %dma_start3A] : memref<10000x128xf32, #tpu.memory_space<hbm>> -> memref<624x128xf32, #tpu.memory_space<hbm>>
        %dma_start3A_30 = arith.constant 0 : i32
        %dma_start3A_31 = tpu.memref_slice %arg12[%mul3A_0, %dma_start3A_30] : memref<10000x128xf32, #tpu.memory_space<vmem_shared>> -> memref<624x128xf32, #tpu.memory_space<vmem_shared>>
        tpu.enqueue_dma source(%dma_start3A_31 : memref<624x128xf32, #tpu.memory_space<vmem_shared>>) target(%dma_start3A_29 : memref<624x128xf32, #tpu.memory_space<hbm>>) target_semaphore(%run_scoped3A : memref<!tpu.dma_semaphore, #tpu.memory_space<semaphore_mem>>)
        %dma_wait3A = arith.constant 0 : i32
        %dma_wait3A_32 = tpu.memref_slice %arg8[%mul3A_0, %dma_wait3A] : memref<10000x128xf32, #tpu.memory_space<hbm>> -> memref<624x128xf32, #tpu.memory_space<hbm>>
        %dma_wait3A_33 = arith.constant 0 : i32
        %dma_wait3A_34 = tpu.memref_slice %arg12[%mul3A_0, %dma_wait3A_33] : memref<10000x128xf32, #tpu.memory_space<vmem_shared>> -> memref<624x128xf32, #tpu.memory_space<vmem_shared>>
        tpu.wait_dma2 semaphore(%run_scoped3A : memref<!tpu.dma_semaphore, #tpu.memory_space<semaphore_mem>>) src(%dma_wait3A_34 : memref<624x128xf32, #tpu.memory_space<vmem_shared>>) dst(%dma_wait3A_32 : memref<624x128xf32, #tpu.memory_space<hbm>>)
        tpu.yield
      }) : () -> ()
      %eq3A_24 = arith.constant 15 : i32
      %eq3A_25 = arith.cmpi eq, %arg1, %eq3A_24 : i32
      %convert_element_type3A_26 = arith.extui %eq3A_25 : i1 to i32
      %cond3A_27 = arith.constant 0 : i32
      %cond3A_28 = arith.cmpi ne, %convert_element_type3A_26, %cond3A_27 : i32
      scf.if %cond3A_28 {
        "tpu.region"() ({
          %run_scoped3A = tpu.sem_alloc : memref<!tpu.dma_semaphore, #tpu.memory_space<semaphore_mem>>
          %dma_start3A = arith.constant 9984 : i32
          %dma_start3A_29 = arith.constant 0 : i32
          %dma_start3A_30 = tpu.memref_slice %arg8[%dma_start3A, %dma_start3A_29] : memref<10000x128xf32, #tpu.memory_space<hbm>> -> memref<16x128xf32, #tpu.memory_space<hbm>>
          %dma_start3A_31 = arith.constant 9984 : i32
          %dma_start3A_32 = arith.constant 0 : i32
          %dma_start3A_33 = tpu.memref_slice %arg12[%dma_start3A_31, %dma_start3A_32] : memref<10000x128xf32, #tpu.memory_space<vmem_shared>> -> memref<16x128xf32, #tpu.memory_space<vmem_shared>>
          tpu.enqueue_dma source(%dma_start3A_33 : memref<16x128xf32, #tpu.memory_space<vmem_shared>>) target(%dma_start3A_30 : memref<16x128xf32, #tpu.memory_space<hbm>>) target_semaphore(%run_scoped3A : memref<!tpu.dma_semaphore, #tpu.memory_space<semaphore_mem>>)
          %dma_wait3A = arith.constant 9984 : i32
          %dma_wait3A_34 = arith.constant 0 : i32
          %dma_wait3A_35 = tpu.memref_slice %arg8[%dma_wait3A, %dma_wait3A_34] : memref<10000x128xf32, #tpu.memory_space<hbm>> -> memref<16x128xf32, #tpu.memory_space<hbm>>
          %dma_wait3A_36 = arith.constant 9984 : i32
          %dma_wait3A_37 = arith.constant 0 : i32
          %dma_wait3A_38 = tpu.memref_slice %arg12[%dma_wait3A_36, %dma_wait3A_37] : memref<10000x128xf32, #tpu.memory_space<vmem_shared>> -> memref<16x128xf32, #tpu.memory_space<vmem_shared>>
          tpu.wait_dma2 semaphore(%run_scoped3A : memref<!tpu.dma_semaphore, #tpu.memory_space<semaphore_mem>>) src(%dma_wait3A_38 : memref<16x128xf32, #tpu.memory_space<vmem_shared>>) dst(%dma_wait3A_35 : memref<16x128xf32, #tpu.memory_space<hbm>>)
          tpu.yield
        }) : () -> ()
      } else {
      }
    } else {
    }
    return
  }
}

#map = affine_map<(d0, d1) -> (0, 0)>
#map1 = affine_map<(d0, d1) -> (0, 0, 0)>
module attributes {stable_mosaic.version = 14 : i64} {
  func.func @aggr(%arg0: i32, %arg1: i32, %arg2: memref<10000x128xf32, #tpu.memory_space<hbm>>, %arg3: memref<10000x128xf32, #tpu.memory_space<hbm>>, %arg4: memref<16x125x80xi32, #tpu.memory_space<hbm>>, %arg5: memref<16x125x80xi32, #tpu.memory_space<hbm>>, %arg6: memref<624x128xf32, #tpu.memory_space<hbm>>, %arg7: memref<10000x128xf32, #tpu.memory_space<hbm>>, %arg8: memref<10000x128xf32, #tpu.memory_space<hbm>>, %arg9: memref<125x80xi32, #tpu.memory_space<vmem>>, %arg10: memref<125x80xi32, #tpu.memory_space<vmem>>, %arg11: memref<80x128xf32, #tpu.memory_space<vmem>>, %arg12: memref<10000x128xf32, #tpu.memory_space<vmem_shared>>, %arg13: memref<!tpu.dma_semaphore, #tpu.memory_space<semaphore_mem>>) attributes {dimension_semantics = [#tpu.dimension_semantics<core_parallel>, #tpu.dimension_semantics<subcore_parallel>], iteration_bounds = array<i64: 2, 16>, scalar_prefetch = 0 : i64, scratch_operands = 5 : i64, tpu.core_type = #tpu.core_type<sc_vector_subcore>, window_params = [{transform_indices = #map}, {transform_indices = #map}, {transform_indices = #map1}, {transform_indices = #map1}, {transform_indices = #map}, {transform_indices = #map}, {transform_indices = #map}]} {
    %mul3A = arith.constant 624 : i32
    %mul3A_0 = arith.muli %arg1, %mul3A : i32
    "tpu.region"() ({
      %run_scoped3A = tpu.sem_alloc : memref<!tpu.dma_semaphore, #tpu.memory_space<semaphore_mem>>
      %dma_start3A = arith.constant 0 : i32
      %dma_start3A_24 = tpu.memref_slice %arg12[%mul3A_0, %dma_start3A] : memref<10000x128xf32, #tpu.memory_space<vmem_shared>> -> memref<624x128xf32, #tpu.memory_space<vmem_shared>>
      tpu.enqueue_dma source(%arg6 : memref<624x128xf32, #tpu.memory_space<hbm>>) target(%dma_start3A_24 : memref<624x128xf32, #tpu.memory_space<vmem_shared>>) target_semaphore(%run_scoped3A : memref<!tpu.dma_semaphore, #tpu.memory_space<semaphore_mem>>)
      %dma_wait3A = arith.constant 0 : i32
      %dma_wait3A_25 = tpu.memref_slice %arg12[%mul3A_0, %dma_wait3A] : memref<10000x128xf32, #tpu.memory_space<vmem_shared>> -> memref<624x128xf32, #tpu.memory_space<vmem_shared>>
      tpu.wait_dma2 semaphore(%run_scoped3A : memref<!tpu.dma_semaphore, #tpu.memory_space<semaphore_mem>>) src(%arg6 : memref<624x128xf32, #tpu.memory_space<hbm>>) dst(%dma_wait3A_25 : memref<624x128xf32, #tpu.memory_space<vmem_shared>>)
      tpu.yield
    }) : () -> ()
    %eq3A = arith.constant 15 : i32
    %eq3A_1 = arith.cmpi eq, %arg1, %eq3A : i32
    %convert_element_type3A = arith.extui %eq3A_1 : i1 to i32
    %cond3A = arith.constant 0 : i32
    %cond3A_2 = arith.cmpi ne, %convert_element_type3A, %cond3A : i32
    scf.if %cond3A_2 {
      "tpu.region"() ({
        %run_scoped3A = tpu.sem_alloc : memref<!tpu.dma_semaphore, #tpu.memory_space<semaphore_mem>>
        %dma_start3A = arith.constant 9984 : i32
        %dma_start3A_24 = arith.constant 0 : i32
        %dma_start3A_25 = tpu.memref_slice %arg12[%dma_start3A, %dma_start3A_24] : memref<10000x128xf32, #tpu.memory_space<vmem_shared>> -> memref<16x128xf32, #tpu.memory_space<vmem_shared>>
        %dma_start3A_26 = arith.constant 0 : i32
        %dma_start3A_27 = arith.constant 0 : i32
        %dma_start3A_28 = tpu.memref_slice %arg6[%dma_start3A_26, %dma_start3A_27] : memref<624x128xf32, #tpu.memory_space<hbm>> -> memref<16x128xf32, #tpu.memory_space<hbm>>
        tpu.enqueue_dma source(%dma_start3A_28 : memref<16x128xf32, #tpu.memory_space<hbm>>) target(%dma_start3A_25 : memref<16x128xf32, #tpu.memory_space<vmem_shared>>) target_semaphore(%run_scoped3A : memref<!tpu.dma_semaphore, #tpu.memory_space<semaphore_mem>>)
        %dma_wait3A = arith.constant 9984 : i32
        %dma_wait3A_29 = arith.constant 0 : i32
        %dma_wait3A_30 = tpu.memref_slice %arg12[%dma_wait3A, %dma_wait3A_29] : memref<10000x128xf32, #tpu.memory_space<vmem_shared>> -> memref<16x128xf32, #tpu.memory_space<vmem_shared>>
        %dma_wait3A_31 = arith.constant 0 : i32
        %dma_wait3A_32 = arith.constant 0 : i32
        %dma_wait3A_33 = tpu.memref_slice %arg6[%dma_wait3A_31, %dma_wait3A_32] : memref<624x128xf32, #tpu.memory_space<hbm>> -> memref<16x128xf32, #tpu.memory_space<hbm>>
        tpu.wait_dma2 semaphore(%run_scoped3A : memref<!tpu.dma_semaphore, #tpu.memory_space<semaphore_mem>>) src(%dma_wait3A_33 : memref<16x128xf32, #tpu.memory_space<hbm>>) dst(%dma_wait3A_30 : memref<16x128xf32, #tpu.memory_space<vmem_shared>>)
        tpu.yield
      }) : () -> ()
    } else {
    }
    "tpu.region"() ({
      %run_scoped3A = tpu.sem_alloc : memref<!tpu.dma_semaphore, #tpu.memory_space<semaphore_mem>>
      %dma_start3A = arith.constant 0 : i32
      %dma_start3A_24 = arith.constant 0 : i32
      %dma_start3A_25 = tpu.memref_slice %arg4[%arg1, %dma_start3A, %dma_start3A_24] : memref<16x125x80xi32, #tpu.memory_space<hbm>> -> memref<1x125x80xi32, #tpu.memory_space<hbm>>
      %dma_start3A_26 = tpu.memref_squeeze %dma_start3A_25 : memref<1x125x80xi32, #tpu.memory_space<hbm>> -> memref<125x80xi32, #tpu.memory_space<hbm>>
      %dma_start3A_27 = arith.constant 0 : i32
      %dma_start3A_28 = arith.constant 0 : i32
      %dma_start3A_29 = tpu.memref_slice %arg4[%arg1, %dma_start3A_27, %dma_start3A_28] : memref<16x125x80xi32, #tpu.memory_space<hbm>> -> memref<1x125x80xi32, #tpu.memory_space<hbm>>
      %dma_start3A_30 = tpu.memref_squeeze %dma_start3A_29 : memref<1x125x80xi32, #tpu.memory_space<hbm>> -> memref<125x80xi32, #tpu.memory_space<hbm>>
      tpu.enqueue_dma source(%dma_start3A_30 : memref<125x80xi32, #tpu.memory_space<hbm>>) target(%arg9 : memref<125x80xi32, #tpu.memory_space<vmem>>) target_semaphore(%run_scoped3A : memref<!tpu.dma_semaphore, #tpu.memory_space<semaphore_mem>>)
      %dma_wait3A = arith.constant 0 : i32
      %dma_wait3A_31 = arith.constant 0 : i32
      %dma_wait3A_32 = tpu.memref_slice %arg4[%arg1, %dma_wait3A, %dma_wait3A_31] : memref<16x125x80xi32, #tpu.memory_space<hbm>> -> memref<1x125x80xi32, #tpu.memory_space<hbm>>
      %dma_wait3A_33 = tpu.memref_squeeze %dma_wait3A_32 : memref<1x125x80xi32, #tpu.memory_space<hbm>> -> memref<125x80xi32, #tpu.memory_space<hbm>>
      %dma_wait3A_34 = arith.constant 0 : i32
      %dma_wait3A_35 = arith.constant 0 : i32
      %dma_wait3A_36 = tpu.memref_slice %arg4[%arg1, %dma_wait3A_34, %dma_wait3A_35] : memref<16x125x80xi32, #tpu.memory_space<hbm>> -> memref<1x125x80xi32, #tpu.memory_space<hbm>>
      %dma_wait3A_37 = tpu.memref_squeeze %dma_wait3A_36 : memref<1x125x80xi32, #tpu.memory_space<hbm>> -> memref<125x80xi32, #tpu.memory_space<hbm>>
      tpu.wait_dma2 semaphore(%run_scoped3A : memref<!tpu.dma_semaphore, #tpu.memory_space<semaphore_mem>>) src(%dma_wait3A_37 : memref<125x80xi32, #tpu.memory_space<hbm>>) dst(%arg9 : memref<125x80xi32, #tpu.memory_space<vmem>>)
      tpu.yield
    }) : () -> ()
    "tpu.region"() ({
      %run_scoped3A = tpu.sem_alloc : memref<!tpu.dma_semaphore, #tpu.memory_space<semaphore_mem>>
      %dma_start3A = arith.constant 0 : i32
      %dma_start3A_24 = arith.constant 0 : i32
      %dma_start3A_25 = tpu.memref_slice %arg5[%arg1, %dma_start3A, %dma_start3A_24] : memref<16x125x80xi32, #tpu.memory_space<hbm>> -> memref<1x125x80xi32, #tpu.memory_space<hbm>>
      %dma_start3A_26 = tpu.memref_squeeze %dma_start3A_25 : memref<1x125x80xi32, #tpu.memory_space<hbm>> -> memref<125x80xi32, #tpu.memory_space<hbm>>
      %dma_start3A_27 = arith.constant 0 : i32
      %dma_start3A_28 = arith.constant 0 : i32
      %dma_start3A_29 = tpu.memref_slice %arg5[%arg1, %dma_start3A_27, %dma_start3A_28] : memref<16x125x80xi32, #tpu.memory_space<hbm>> -> memref<1x125x80xi32, #tpu.memory_space<hbm>>
      %dma_start3A_30 = tpu.memref_squeeze %dma_start3A_29 : memref<1x125x80xi32, #tpu.memory_space<hbm>> -> memref<125x80xi32, #tpu.memory_space<hbm>>
      tpu.enqueue_dma source(%dma_start3A_30 : memref<125x80xi32, #tpu.memory_space<hbm>>) target(%arg10 : memref<125x80xi32, #tpu.memory_space<vmem>>) target_semaphore(%run_scoped3A : memref<!tpu.dma_semaphore, #tpu.memory_space<semaphore_mem>>)
      %dma_wait3A = arith.constant 0 : i32
      %dma_wait3A_31 = arith.constant 0 : i32
      %dma_wait3A_32 = tpu.memref_slice %arg5[%arg1, %dma_wait3A, %dma_wait3A_31] : memref<16x125x80xi32, #tpu.memory_space<hbm>> -> memref<1x125x80xi32, #tpu.memory_space<hbm>>
      %dma_wait3A_33 = tpu.memref_squeeze %dma_wait3A_32 : memref<1x125x80xi32, #tpu.memory_space<hbm>> -> memref<125x80xi32, #tpu.memory_space<hbm>>
      %dma_wait3A_34 = arith.constant 0 : i32
      %dma_wait3A_35 = arith.constant 0 : i32
      %dma_wait3A_36 = tpu.memref_slice %arg5[%arg1, %dma_wait3A_34, %dma_wait3A_35] : memref<16x125x80xi32, #tpu.memory_space<hbm>> -> memref<1x125x80xi32, #tpu.memory_space<hbm>>
      %dma_wait3A_37 = tpu.memref_squeeze %dma_wait3A_36 : memref<1x125x80xi32, #tpu.memory_space<hbm>> -> memref<125x80xi32, #tpu.memory_space<hbm>>
      tpu.wait_dma2 semaphore(%run_scoped3A : memref<!tpu.dma_semaphore, #tpu.memory_space<semaphore_mem>>) src(%dma_wait3A_37 : memref<125x80xi32, #tpu.memory_space<hbm>>) dst(%arg10 : memref<125x80xi32, #tpu.memory_space<vmem>>)
      tpu.yield
    }) : () -> ()
    %barrier3A = arith.constant 0 : index
    tpu.barrier barrier_id(%barrier3A)
    %eq3A_3 = arith.constant 0 : i32
    %eq3A_4 = arith.cmpi eq, %arg0, %eq3A_3 : i32
    %convert_element_type3A_5 = arith.extui %eq3A_4 : i1 to i32
    %cond3A_6 = arith.constant 0 : i32
    %cond3A_7 = arith.cmpi ne, %convert_element_type3A_5, %cond3A_6 : i32
    scf.if %cond3A_7 {
      %scan3A = arith.constant 0 : i32
      %scan3A_24 = arith.constant 0 : i32
      %scan3A_25 = arith.constant 125 : i32
      %scan3A_26 = arith.addi %scan3A_24, %scan3A_25 : i32
      %scan3A_27 = arith.constant 1 : i32
      scf.for %scan3A_29 = %scan3A_24 to %scan3A_26 step %scan3A_27  : i32 {
        %dma_start3A = arith.constant 0 : i32
        %dma_start3A_30 = tpu.memref_slice %arg9[%scan3A_29, %dma_start3A] : memref<125x80xi32, #tpu.memory_space<vmem>> -> memref<1x80xi32, #tpu.memory_space<vmem>>
        %dma_start3A_31 = tpu.memref_squeeze %dma_start3A_30 : memref<1x80xi32, #tpu.memory_space<vmem>> -> memref<80xi32, #tpu.memory_space<vmem>>
        %dma_start3A_32 = arith.constant 0 : i32
        %dma_start3A_33 = arith.constant 0 : i32
        %dma_start3A_34 = tpu.memref_slice %arg2[%dma_start3A_32, %dma_start3A_33] : memref<10000x128xf32, #tpu.memory_space<hbm>> -> memref<10000x128xf32, #tpu.memory_space<hbm>>
        tpu.enqueue_indirect_dma source(%dma_start3A_34 : memref<10000x128xf32, #tpu.memory_space<hbm>>) target(%arg11 : memref<80x128xf32, #tpu.memory_space<vmem>>) offsets(%dma_start3A_31 : memref<80xi32, #tpu.memory_space<vmem>>) semaphore(%arg13 : memref<!tpu.dma_semaphore, #tpu.memory_space<semaphore_mem>>)
        %dma_wait3A = arith.constant 0 : i32
        %dma_wait3A_35 = tpu.memref_slice %arg9[%scan3A_29, %dma_wait3A] : memref<125x80xi32, #tpu.memory_space<vmem>> -> memref<1x80xi32, #tpu.memory_space<vmem>>
        %dma_wait3A_36 = tpu.memref_squeeze %dma_wait3A_35 : memref<1x80xi32, #tpu.memory_space<vmem>> -> memref<80xi32, #tpu.memory_space<vmem>>
        %dma_wait3A_37 = arith.constant 0 : i32
        %dma_wait3A_38 = arith.constant 0 : i32
        %dma_wait3A_39 = tpu.memref_slice %arg2[%dma_wait3A_37, %dma_wait3A_38] : memref<10000x128xf32, #tpu.memory_space<hbm>> -> memref<10000x128xf32, #tpu.memory_space<hbm>>
        tpu.wait_indirect_dma semaphore(%arg13 : memref<!tpu.dma_semaphore, #tpu.memory_space<semaphore_mem>>) src(%dma_wait3A_39 : memref<10000x128xf32, #tpu.memory_space<hbm>>) dst(%arg11 : memref<80x128xf32, #tpu.memory_space<vmem>>)
        "tpu.region"() ({
          %run_scoped3A = tpu.sem_alloc : memref<!tpu.dma_semaphore, #tpu.memory_space<semaphore_mem>>
          %dma_start3A_40 = arith.constant 0 : i32
          %dma_start3A_41 = tpu.memref_slice %arg10[%scan3A_29, %dma_start3A_40] : memref<125x80xi32, #tpu.memory_space<vmem>> -> memref<1x80xi32, #tpu.memory_space<vmem>>
          %dma_start3A_42 = tpu.memref_squeeze %dma_start3A_41 : memref<1x80xi32, #tpu.memory_space<vmem>> -> memref<80xi32, #tpu.memory_space<vmem>>
          %dma_start3A_43 = arith.constant 0 : i32
          %dma_start3A_44 = arith.constant 0 : i32
          %dma_start3A_45 = tpu.memref_slice %arg12[%dma_start3A_43, %dma_start3A_44] : memref<10000x128xf32, #tpu.memory_space<vmem_shared>> -> memref<10000x128xf32, #tpu.memory_space<vmem_shared>>
          tpu.enqueue_indirect_dma source(%arg11 : memref<80x128xf32, #tpu.memory_space<vmem>>) target(%dma_start3A_45 : memref<10000x128xf32, #tpu.memory_space<vmem_shared>>) offsets(%dma_start3A_42 : memref<80xi32, #tpu.memory_space<vmem>>) semaphore(%run_scoped3A : memref<!tpu.dma_semaphore, #tpu.memory_space<semaphore_mem>>) {add = true}
          %dma_wait3A_46 = arith.constant 0 : i32
          %dma_wait3A_47 = tpu.memref_slice %arg10[%scan3A_29, %dma_wait3A_46] : memref<125x80xi32, #tpu.memory_space<vmem>> -> memref<1x80xi32, #tpu.memory_space<vmem>>
          %dma_wait3A_48 = tpu.memref_squeeze %dma_wait3A_47 : memref<1x80xi32, #tpu.memory_space<vmem>> -> memref<80xi32, #tpu.memory_space<vmem>>
          %dma_wait3A_49 = arith.constant 0 : i32
          %dma_wait3A_50 = arith.constant 0 : i32
          %dma_wait3A_51 = tpu.memref_slice %arg12[%dma_wait3A_49, %dma_wait3A_50] : memref<10000x128xf32, #tpu.memory_space<vmem_shared>> -> memref<10000x128xf32, #tpu.memory_space<vmem_shared>>
          tpu.wait_indirect_dma semaphore(%run_scoped3A : memref<!tpu.dma_semaphore, #tpu.memory_space<semaphore_mem>>) src(%arg11 : memref<80x128xf32, #tpu.memory_space<vmem>>) dst(%dma_wait3A_51 : memref<10000x128xf32, #tpu.memory_space<vmem_shared>>)
          tpu.yield
        }) : () -> ()
      }
      %scan3A_28 = arith.constant 125 : i32
    } else {
    }
    %eq3A_8 = arith.constant 1 : i32
    %eq3A_9 = arith.cmpi eq, %arg0, %eq3A_8 : i32
    %convert_element_type3A_10 = arith.extui %eq3A_9 : i1 to i32
    %cond3A_11 = arith.constant 0 : i32
    %cond3A_12 = arith.cmpi ne, %convert_element_type3A_10, %cond3A_11 : i32
    scf.if %cond3A_12 {
      %scan3A = arith.constant 0 : i32
      %scan3A_24 = arith.constant 0 : i32
      %scan3A_25 = arith.constant 125 : i32
      %scan3A_26 = arith.addi %scan3A_24, %scan3A_25 : i32
      %scan3A_27 = arith.constant 1 : i32
      scf.for %scan3A_29 = %scan3A_24 to %scan3A_26 step %scan3A_27  : i32 {
        %dma_start3A = arith.constant 0 : i32
        %dma_start3A_30 = tpu.memref_slice %arg9[%scan3A_29, %dma_start3A] : memref<125x80xi32, #tpu.memory_space<vmem>> -> memref<1x80xi32, #tpu.memory_space<vmem>>
        %dma_start3A_31 = tpu.memref_squeeze %dma_start3A_30 : memref<1x80xi32, #tpu.memory_space<vmem>> -> memref<80xi32, #tpu.memory_space<vmem>>
        %dma_start3A_32 = arith.constant 0 : i32
        %dma_start3A_33 = arith.constant 0 : i32
        %dma_start3A_34 = tpu.memref_slice %arg3[%dma_start3A_32, %dma_start3A_33] : memref<10000x128xf32, #tpu.memory_space<hbm>> -> memref<10000x128xf32, #tpu.memory_space<hbm>>
        tpu.enqueue_indirect_dma source(%dma_start3A_34 : memref<10000x128xf32, #tpu.memory_space<hbm>>) target(%arg11 : memref<80x128xf32, #tpu.memory_space<vmem>>) offsets(%dma_start3A_31 : memref<80xi32, #tpu.memory_space<vmem>>) semaphore(%arg13 : memref<!tpu.dma_semaphore, #tpu.memory_space<semaphore_mem>>)
        %dma_wait3A = arith.constant 0 : i32
        %dma_wait3A_35 = tpu.memref_slice %arg9[%scan3A_29, %dma_wait3A] : memref<125x80xi32, #tpu.memory_space<vmem>> -> memref<1x80xi32, #tpu.memory_space<vmem>>
        %dma_wait3A_36 = tpu.memref_squeeze %dma_wait3A_35 : memref<1x80xi32, #tpu.memory_space<vmem>> -> memref<80xi32, #tpu.memory_space<vmem>>
        %dma_wait3A_37 = arith.constant 0 : i32
        %dma_wait3A_38 = arith.constant 0 : i32
        %dma_wait3A_39 = tpu.memref_slice %arg3[%dma_wait3A_37, %dma_wait3A_38] : memref<10000x128xf32, #tpu.memory_space<hbm>> -> memref<10000x128xf32, #tpu.memory_space<hbm>>
        tpu.wait_indirect_dma semaphore(%arg13 : memref<!tpu.dma_semaphore, #tpu.memory_space<semaphore_mem>>) src(%dma_wait3A_39 : memref<10000x128xf32, #tpu.memory_space<hbm>>) dst(%arg11 : memref<80x128xf32, #tpu.memory_space<vmem>>)
        "tpu.region"() ({
          %run_scoped3A = tpu.sem_alloc : memref<!tpu.dma_semaphore, #tpu.memory_space<semaphore_mem>>
          %dma_start3A_40 = arith.constant 0 : i32
          %dma_start3A_41 = tpu.memref_slice %arg10[%scan3A_29, %dma_start3A_40] : memref<125x80xi32, #tpu.memory_space<vmem>> -> memref<1x80xi32, #tpu.memory_space<vmem>>
          %dma_start3A_42 = tpu.memref_squeeze %dma_start3A_41 : memref<1x80xi32, #tpu.memory_space<vmem>> -> memref<80xi32, #tpu.memory_space<vmem>>
          %dma_start3A_43 = arith.constant 0 : i32
          %dma_start3A_44 = arith.constant 0 : i32
          %dma_start3A_45 = tpu.memref_slice %arg12[%dma_start3A_43, %dma_start3A_44] : memref<10000x128xf32, #tpu.memory_space<vmem_shared>> -> memref<10000x128xf32, #tpu.memory_space<vmem_shared>>
          tpu.enqueue_indirect_dma source(%arg11 : memref<80x128xf32, #tpu.memory_space<vmem>>) target(%dma_start3A_45 : memref<10000x128xf32, #tpu.memory_space<vmem_shared>>) offsets(%dma_start3A_42 : memref<80xi32, #tpu.memory_space<vmem>>) semaphore(%run_scoped3A : memref<!tpu.dma_semaphore, #tpu.memory_space<semaphore_mem>>) {add = true}
          %dma_wait3A_46 = arith.constant 0 : i32
          %dma_wait3A_47 = tpu.memref_slice %arg10[%scan3A_29, %dma_wait3A_46] : memref<125x80xi32, #tpu.memory_space<vmem>> -> memref<1x80xi32, #tpu.memory_space<vmem>>
          %dma_wait3A_48 = tpu.memref_squeeze %dma_wait3A_47 : memref<1x80xi32, #tpu.memory_space<vmem>> -> memref<80xi32, #tpu.memory_space<vmem>>
          %dma_wait3A_49 = arith.constant 0 : i32
          %dma_wait3A_50 = arith.constant 0 : i32
          %dma_wait3A_51 = tpu.memref_slice %arg12[%dma_wait3A_49, %dma_wait3A_50] : memref<10000x128xf32, #tpu.memory_space<vmem_shared>> -> memref<10000x128xf32, #tpu.memory_space<vmem_shared>>
          tpu.wait_indirect_dma semaphore(%run_scoped3A : memref<!tpu.dma_semaphore, #tpu.memory_space<semaphore_mem>>) src(%arg11 : memref<80x128xf32, #tpu.memory_space<vmem>>) dst(%dma_wait3A_51 : memref<10000x128xf32, #tpu.memory_space<vmem_shared>>)
          tpu.yield
        }) : () -> ()
      }
      %scan3A_28 = arith.constant 125 : i32
    } else {
    }
    %barrier3A_13 = arith.constant 0 : index
    tpu.barrier barrier_id(%barrier3A_13)
    %eq3A_14 = arith.constant 0 : i32
    %eq3A_15 = arith.cmpi eq, %arg0, %eq3A_14 : i32
    %convert_element_type3A_16 = arith.extui %eq3A_15 : i1 to i32
    %cond3A_17 = arith.constant 0 : i32
    %cond3A_18 = arith.cmpi ne, %convert_element_type3A_16, %cond3A_17 : i32
    scf.if %cond3A_18 {
      "tpu.region"() ({
        %run_scoped3A = tpu.sem_alloc : memref<!tpu.dma_semaphore, #tpu.memory_space<semaphore_mem>>
        %dma_start3A = arith.constant 0 : i32
        %dma_start3A_29 = tpu.memref_slice %arg7[%mul3A_0, %dma_start3A] : memref<10000x128xf32, #tpu.memory_space<hbm>> -> memref<624x128xf32, #tpu.memory_space<hbm>>
        %dma_start3A_30 = arith.constant 0 : i32
        %dma_start3A_31 = tpu.memref_slice %arg12[%mul3A_0, %dma_start3A_30] : memref<10000x128xf32, #tpu.memory_space<vmem_shared>> -> memref<624x128xf32, #tpu.memory_space<vmem_shared>>
        tpu.enqueue_dma source(%dma_start3A_31 : memref<624x128xf32, #tpu.memory_space<vmem_shared>>) target(%dma_start3A_29 : memref<624x128xf32, #tpu.memory_space<hbm>>) target_semaphore(%run_scoped3A : memref<!tpu.dma_semaphore, #tpu.memory_space<semaphore_mem>>)
        %dma_wait3A = arith.constant 0 : i32
        %dma_wait3A_32 = tpu.memref_slice %arg7[%mul3A_0, %dma_wait3A] : memref<10000x128xf32, #tpu.memory_space<hbm>> -> memref<624x128xf32, #tpu.memory_space<hbm>>
        %dma_wait3A_33 = arith.constant 0 : i32
        %dma_wait3A_34 = tpu.memref_slice %arg12[%mul3A_0, %dma_wait3A_33] : memref<10000x128xf32, #tpu.memory_space<vmem_shared>> -> memref<624x128xf32, #tpu.memory_space<vmem_shared>>
        tpu.wait_dma2 semaphore(%run_scoped3A : memref<!tpu.dma_semaphore, #tpu.memory_space<semaphore_mem>>) src(%dma_wait3A_34 : memref<624x128xf32, #tpu.memory_space<vmem_shared>>) dst(%dma_wait3A_32 : memref<624x128xf32, #tpu.memory_space<hbm>>)
        tpu.yield
      }) : () -> ()
      %eq3A_24 = arith.constant 15 : i32
      %eq3A_25 = arith.cmpi eq, %arg1, %eq3A_24 : i32
      %convert_element_type3A_26 = arith.extui %eq3A_25 : i1 to i32
      %cond3A_27 = arith.constant 0 : i32
      %cond3A_28 = arith.cmpi ne, %convert_element_type3A_26, %cond3A_27 : i32
      scf.if %cond3A_28 {
        "tpu.region"() ({
          %run_scoped3A = tpu.sem_alloc : memref<!tpu.dma_semaphore, #tpu.memory_space<semaphore_mem>>
          %dma_start3A = arith.constant 9984 : i32
          %dma_start3A_29 = arith.constant 0 : i32
          %dma_start3A_30 = tpu.memref_slice %arg7[%dma_start3A, %dma_start3A_29] : memref<10000x128xf32, #tpu.memory_space<hbm>> -> memref<16x128xf32, #tpu.memory_space<hbm>>
          %dma_start3A_31 = arith.constant 9984 : i32
          %dma_start3A_32 = arith.constant 0 : i32
          %dma_start3A_33 = tpu.memref_slice %arg12[%dma_start3A_31, %dma_start3A_32] : memref<10000x128xf32, #tpu.memory_space<vmem_shared>> -> memref<16x128xf32, #tpu.memory_space<vmem_shared>>
          tpu.enqueue_dma source(%dma_start3A_33 : memref<16x128xf32, #tpu.memory_space<vmem_shared>>) target(%dma_start3A_30 : memref<16x128xf32, #tpu.memory_space<hbm>>) target_semaphore(%run_scoped3A : memref<!tpu.dma_semaphore, #tpu.memory_space<semaphore_mem>>)
          %dma_wait3A = arith.constant 9984 : i32
          %dma_wait3A_34 = arith.constant 0 : i32
          %dma_wait3A_35 = tpu.memref_slice %arg7[%dma_wait3A, %dma_wait3A_34] : memref<10000x128xf32, #tpu.memory_space<hbm>> -> memref<16x128xf32, #tpu.memory_space<hbm>>
          %dma_wait3A_36 = arith.constant 9984 : i32
          %dma_wait3A_37 = arith.constant 0 : i32
          %dma_wait3A_38 = tpu.memref_slice %arg12[%dma_wait3A_36, %dma_wait3A_37] : memref<10000x128xf32, #tpu.memory_space<vmem_shared>> -> memref<16x128xf32, #tpu.memory_space<vmem_shared>>
          tpu.wait_dma2 semaphore(%run_scoped3A : memref<!tpu.dma_semaphore, #tpu.memory_space<semaphore_mem>>) src(%dma_wait3A_38 : memref<16x128xf32, #tpu.memory_space<vmem_shared>>) dst(%dma_wait3A_35 : memref<16x128xf32, #tpu.memory_space<hbm>>)
          tpu.yield
        }) : () -> ()
      } else {
      }
    } else {
    }
    %eq3A_19 = arith.constant 1 : i32
    %eq3A_20 = arith.cmpi eq, %arg0, %eq3A_19 : i32
    %convert_element_type3A_21 = arith.extui %eq3A_20 : i1 to i32
    %cond3A_22 = arith.constant 0 : i32
    %cond3A_23 = arith.cmpi ne, %convert_element_type3A_21, %cond3A_22 : i32
    scf.if %cond3A_23 {
      "tpu.region"() ({
        %run_scoped3A = tpu.sem_alloc : memref<!tpu.dma_semaphore, #tpu.memory_space<semaphore_mem>>
        %dma_start3A = arith.constant 0 : i32
        %dma_start3A_29 = tpu.memref_slice %arg8[%mul3A_0, %dma_start3A] : memref<10000x128xf32, #tpu.memory_space<hbm>> -> memref<624x128xf32, #tpu.memory_space<hbm>>
        %dma_start3A_30 = arith.constant 0 : i32
        %dma_start3A_31 = tpu.memref_slice %arg12[%mul3A_0, %dma_start3A_30] : memref<10000x128xf32, #tpu.memory_space<vmem_shared>> -> memref<624x128xf32, #tpu.memory_space<vmem_shared>>
        tpu.enqueue_dma source(%dma_start3A_31 : memref<624x128xf32, #tpu.memory_space<vmem_shared>>) target(%dma_start3A_29 : memref<624x128xf32, #tpu.memory_space<hbm>>) target_semaphore(%run_scoped3A : memref<!tpu.dma_semaphore, #tpu.memory_space<semaphore_mem>>)
        %dma_wait3A = arith.constant 0 : i32
        %dma_wait3A_32 = tpu.memref_slice %arg8[%mul3A_0, %dma_wait3A] : memref<10000x128xf32, #tpu.memory_space<hbm>> -> memref<624x128xf32, #tpu.memory_space<hbm>>
        %dma_wait3A_33 = arith.constant 0 : i32
        %dma_wait3A_34 = tpu.memref_slice %arg12[%mul3A_0, %dma_wait3A_33] : memref<10000x128xf32, #tpu.memory_space<vmem_shared>> -> memref<624x128xf32, #tpu.memory_space<vmem_shared>>
        tpu.wait_dma2 semaphore(%run_scoped3A : memref<!tpu.dma_semaphore, #tpu.memory_space<semaphore_mem>>) src(%dma_wait3A_34 : memref<624x128xf32, #tpu.memory_space<vmem_shared>>) dst(%dma_wait3A_32 : memref<624x128xf32, #tpu.memory_space<hbm>>)
        tpu.yield
      }) : () -> ()
      %eq3A_24 = arith.constant 15 : i32
      %eq3A_25 = arith.cmpi eq, %arg1, %eq3A_24 : i32
      %convert_element_type3A_26 = arith.extui %eq3A_25 : i1 to i32
      %cond3A_27 = arith.constant 0 : i32
      %cond3A_28 = arith.cmpi ne, %convert_element_type3A_26, %cond3A_27 : i32
      scf.if %cond3A_28 {
        "tpu.region"() ({
          %run_scoped3A = tpu.sem_alloc : memref<!tpu.dma_semaphore, #tpu.memory_space<semaphore_mem>>
          %dma_start3A = arith.constant 9984 : i32
          %dma_start3A_29 = arith.constant 0 : i32
          %dma_start3A_30 = tpu.memref_slice %arg8[%dma_start3A, %dma_start3A_29] : memref<10000x128xf32, #tpu.memory_space<hbm>> -> memref<16x128xf32, #tpu.memory_space<hbm>>
          %dma_start3A_31 = arith.constant 9984 : i32
          %dma_start3A_32 = arith.constant 0 : i32
          %dma_start3A_33 = tpu.memref_slice %arg12[%dma_start3A_31, %dma_start3A_32] : memref<10000x128xf32, #tpu.memory_space<vmem_shared>> -> memref<16x128xf32, #tpu.memory_space<vmem_shared>>
          tpu.enqueue_dma source(%dma_start3A_33 : memref<16x128xf32, #tpu.memory_space<vmem_shared>>) target(%dma_start3A_30 : memref<16x128xf32, #tpu.memory_space<hbm>>) target_semaphore(%run_scoped3A : memref<!tpu.dma_semaphore, #tpu.memory_space<semaphore_mem>>)
          %dma_wait3A = arith.constant 9984 : i32
          %dma_wait3A_34 = arith.constant 0 : i32
          %dma_wait3A_35 = tpu.memref_slice %arg8[%dma_wait3A, %dma_wait3A_34] : memref<10000x128xf32, #tpu.memory_space<hbm>> -> memref<16x128xf32, #tpu.memory_space<hbm>>
          %dma_wait3A_36 = arith.constant 9984 : i32
          %dma_wait3A_37 = arith.constant 0 : i32
          %dma_wait3A_38 = tpu.memref_slice %arg12[%dma_wait3A_36, %dma_wait3A_37] : memref<10000x128xf32, #tpu.memory_space<vmem_shared>> -> memref<16x128xf32, #tpu.memory_space<vmem_shared>>
          tpu.wait_dma2 semaphore(%run_scoped3A : memref<!tpu.dma_semaphore, #tpu.memory_space<semaphore_mem>>) src(%dma_wait3A_38 : memref<16x128xf32, #tpu.memory_space<vmem_shared>>) dst(%dma_wait3A_35 : memref<16x128xf32, #tpu.memory_space<hbm>>)
          tpu.yield
        }) : () -> ()
      } else {
      }
    } else {
    }
    return
  }
}

module attributes {stable_mosaic.version = 14 : i64} {
  func.func @body(%arg0: i32, %arg1: memref<1000x128xf32, #tpu.memory_space<vmem>>, %arg2: memref<1000x128xf32, #tpu.memory_space<vmem>>, %arg3: memref<1000x128xf32, #tpu.memory_space<vmem>>, %arg4: memref<1000x128xf32, #tpu.memory_space<vmem>>, %arg5: memref<256x256xf32, #tpu.memory_space<vmem>>, %arg6: memref<1x256xf32, #tpu.memory_space<vmem>>, %arg7: memref<256x256xf32, #tpu.memory_space<vmem>>, %arg8: memref<1x256xf32, #tpu.memory_space<vmem>>, %arg9: memref<1000x128xf32, #tpu.memory_space<vmem>>, %arg10: memref<1000x128xf32, #tpu.memory_space<vmem>>, %arg11: memref<1x256xf32, #tpu.memory_space<vmem>>, %arg12: memref<1x256xf32, #tpu.memory_space<vmem>>) attributes {dimension_semantics = [#tpu.dimension_semantics<arbitrary>], iteration_bounds = array<i64: 10>, scalar_prefetch = 0 : i64, scratch_operands = 0 : i64, tpu.core_type = #tpu.core_type<tc>, window_params = [{transform_indices = @transform_0, window_bounds = array<i64: 1000, 128>}, {transform_indices = @transform_1, window_bounds = array<i64: 1000, 128>}, {transform_indices = @transform_2, window_bounds = array<i64: 1000, 128>}, {transform_indices = @transform_3, window_bounds = array<i64: 1000, 128>}, {pipeline_mode = #tpu.pipeline_mode<synchronous>, transform_indices = @transform_4, window_bounds = array<i64: 256, 256>}, {pipeline_mode = #tpu.pipeline_mode<synchronous>, transform_indices = @transform_5, window_bounds = array<i64: 1, 256>}, {pipeline_mode = #tpu.pipeline_mode<synchronous>, transform_indices = @transform_6, window_bounds = array<i64: 256, 256>}, {pipeline_mode = #tpu.pipeline_mode<synchronous>, transform_indices = @transform_7, window_bounds = array<i64: 1, 256>}, {transform_indices = @transform_8, window_bounds = array<i64: 1000, 128>}, {transform_indices = @transform_9, window_bounds = array<i64: 1000, 128>}, {pipeline_mode = #tpu.pipeline_mode<synchronous>, transform_indices = @transform_10, window_bounds = array<i64: 1, 256>}, {pipeline_mode = #tpu.pipeline_mode<synchronous>, transform_indices = @transform_11, window_bounds = array<i64: 1, 256>}]} {
    %get3A = arith.constant 0 : index
    %get3A_0 = arith.constant 0 : index
    %get3A_1 = vector.load %arg1[%get3A, %get3A_0] : memref<1000x128xf32, #tpu.memory_space<vmem>>, vector<1000x128xf32>
    %get3A_2 = arith.constant 0 : index
    %get3A_3 = arith.constant 0 : index
    %get3A_4 = vector.load %arg2[%get3A_2, %get3A_3] : memref<1000x128xf32, #tpu.memory_space<vmem>>, vector<1000x128xf32>
    %concatenate3A = tpu.concatenate %get3A_1, %get3A_4 in 1 : vector<1000x128xf32>, vector<1000x128xf32> -> vector<1000x256xf32>
    %get3A_5 = arith.constant 0 : index
    %get3A_6 = arith.constant 0 : index
    %get3A_7 = vector.load %arg3[%get3A_5, %get3A_6] : memref<1000x128xf32, #tpu.memory_space<vmem>>, vector<1000x128xf32>
    %get3A_8 = arith.constant 0 : index
    %get3A_9 = arith.constant 0 : index
    %get3A_10 = vector.load %arg4[%get3A_8, %get3A_9] : memref<1000x128xf32, #tpu.memory_space<vmem>>, vector<1000x128xf32>
    %concatenate3A_11 = tpu.concatenate %get3A_7, %get3A_10 in 1 : vector<1000x128xf32>, vector<1000x128xf32> -> vector<1000x256xf32>
    %add3A = arith.addf %concatenate3A, %concatenate3A_11 : vector<1000x256xf32>
    %get3A_12 = arith.constant 0 : index
    %get3A_13 = arith.constant 0 : index
    %get3A_14 = vector.load %arg5[%get3A_12, %get3A_13] : memref<256x256xf32, #tpu.memory_space<vmem>>, vector<256x256xf32>
    %dot_general3A = arith.constant dense<0.000000e+00> : vector<1000x256xf32>
    %dot_general3A_15 = tpu.matmul %add3A, %get3A_14, %dot_general3A {dimension_numbers = #tpu.dot_dimension_numbers<[1], [0], [0], [1], [0, 0, 1, 1], [], []>, transpose_lhs_hint = false} : vector<1000x256xf32>, vector<256x256xf32>, vector<1000x256xf32> -> vector<1000x256xf32>
    %get3A_16 = arith.constant 0 : index
    %get3A_17 = arith.constant 0 : index
    %get3A_18 = vector.load %arg6[%get3A_16, %get3A_17] : memref<1x256xf32, #tpu.memory_space<vmem>>, vector<1x256xf32>
    %add3A_19 = vector.broadcast %get3A_18 : vector<1x256xf32> to vector<1000x256xf32>
    %add3A_20 = arith.addf %dot_general3A_15, %add3A_19 : vector<1000x256xf32>
    %max3A = arith.constant 0.000000e+00 : f32
    %max3A_21 = vector.broadcast %max3A : f32 to vector<1000x256xf32>
    %max3A_22 = arith.maximumf %add3A_20, %max3A_21 : vector<1000x256xf32>
    %get3A_23 = arith.constant 0 : index
    %get3A_24 = arith.constant 0 : index
    %get3A_25 = vector.load %arg7[%get3A_23, %get3A_24] : memref<256x256xf32, #tpu.memory_space<vmem>>, vector<256x256xf32>
    %dot_general3A_26 = arith.constant dense<0.000000e+00> : vector<1000x256xf32>
    %dot_general3A_27 = tpu.matmul %max3A_22, %get3A_25, %dot_general3A_26 {dimension_numbers = #tpu.dot_dimension_numbers<[1], [0], [0], [1], [0, 0, 1, 1], [], []>, transpose_lhs_hint = false} : vector<1000x256xf32>, vector<256x256xf32>, vector<1000x256xf32> -> vector<1000x256xf32>
    %get3A_28 = arith.constant 0 : index
    %get3A_29 = arith.constant 0 : index
    %get3A_30 = vector.load %arg8[%get3A_28, %get3A_29] : memref<1x256xf32, #tpu.memory_space<vmem>>, vector<1x256xf32>
    %add3A_31 = vector.broadcast %get3A_30 : vector<1x256xf32> to vector<1000x256xf32>
    %add3A_32 = arith.addf %dot_general3A_27, %add3A_31 : vector<1000x256xf32>
    %max3A_33 = arith.constant 0.000000e+00 : f32
    %max3A_34 = vector.broadcast %max3A_33 : f32 to vector<1000x256xf32>
    %max3A_35 = arith.maximumf %add3A_32, %max3A_34 : vector<1000x256xf32>
    %slice3A = vector.extract_strided_slice %max3A_35 {offsets = [0, 0], sizes = [1000, 128], strides = [1, 1]} : vector<1000x256xf32> to vector<1000x128xf32>
    %swap3A = arith.constant 0 : index
    %swap3A_36 = arith.constant 0 : index
    %swap3A_37 = vector.load %arg9[%swap3A, %swap3A_36] : memref<1000x128xf32, #tpu.memory_space<vmem>>, vector<1000x128xf32>
    tpu.vector_store %arg9[%swap3A, %swap3A_36], %slice3A {strides = array<i32>} : memref<1000x128xf32, #tpu.memory_space<vmem>>, vector<1000x128xf32>,
    %slice3A_38 = vector.extract_strided_slice %max3A_35 {offsets = [0, 128], sizes = [1000, 128], strides = [1, 1]} : vector<1000x256xf32> to vector<1000x128xf32>
    %swap3A_39 = arith.constant 0 : index
    %swap3A_40 = arith.constant 0 : index
    %swap3A_41 = vector.load %arg10[%swap3A_39, %swap3A_40] : memref<1000x128xf32, #tpu.memory_space<vmem>>, vector<1000x128xf32>
    tpu.vector_store %arg10[%swap3A_39, %swap3A_40], %slice3A_38 {strides = array<i32>} : memref<1000x128xf32, #tpu.memory_space<vmem>>, vector<1000x128xf32>,
    %reduce_sum3A = arith.constant dense<0.000000e+00> : vector<256xf32>
    %reduce_sum3A_42 = vector.multi_reduction <add>, %max3A_35, %reduce_sum3A [0] : vector<1000x256xf32> to vector<256xf32>
    %broadcast_in_dim3A = vector.shape_cast %reduce_sum3A_42 : vector<256xf32> to vector<1x256xf32>
    %mul3A = arith.mulf %max3A_35, %max3A_35 : vector<1000x256xf32>
    %reduce_sum3A_43 = arith.constant dense<0.000000e+00> : vector<256xf32>
    %reduce_sum3A_44 = vector.multi_reduction <add>, %mul3A, %reduce_sum3A_43 [0] : vector<1000x256xf32> to vector<256xf32>
    %broadcast_in_dim3A_45 = vector.shape_cast %reduce_sum3A_44 : vector<256xf32> to vector<1x256xf32>
    %eq3A = arith.constant 0 : i32
    %eq3A_46 = arith.cmpi eq, %arg0, %eq3A : i32
    %convert_element_type3A = arith.extui %eq3A_46 : i1 to i32
    %cond3A = arith.constant 0 : i32
    %cond3A_47 = arith.cmpi ne, %convert_element_type3A, %cond3A : i32
    scf.if %cond3A_47 {
      %swap3A_52 = arith.constant 0 : index
      %swap3A_53 = arith.constant 0 : index
      %swap3A_54 = vector.load %arg11[%swap3A_52, %swap3A_53] : memref<1x256xf32, #tpu.memory_space<vmem>>, vector<1x256xf32>
      tpu.vector_store %arg11[%swap3A_52, %swap3A_53], %broadcast_in_dim3A {strides = array<i32>} : memref<1x256xf32, #tpu.memory_space<vmem>>, vector<1x256xf32>,
      %swap3A_55 = arith.constant 0 : index
      %swap3A_56 = arith.constant 0 : index
      %swap3A_57 = vector.load %arg12[%swap3A_55, %swap3A_56] : memref<1x256xf32, #tpu.memory_space<vmem>>, vector<1x256xf32>
      tpu.vector_store %arg12[%swap3A_55, %swap3A_56], %broadcast_in_dim3A_45 {strides = array<i32>} : memref<1x256xf32, #tpu.memory_space<vmem>>, vector<1x256xf32>,
    } else {
    }
    %gt3A = arith.constant 0 : i32
    %gt3A_48 = arith.cmpi sgt, %arg0, %gt3A : i32
    %convert_element_type3A_49 = arith.extui %gt3A_48 : i1 to i32
    %cond3A_50 = arith.constant 0 : i32
    %cond3A_51 = arith.cmpi ne, %convert_element_type3A_49, %cond3A_50 : i32
    scf.if %cond3A_51 {
      %get3A_52 = arith.constant 0 : index
      %get3A_53 = arith.constant 0 : index
      %get3A_54 = vector.load %arg11[%get3A_52, %get3A_53] : memref<1x256xf32, #tpu.memory_space<vmem>>, vector<1x256xf32>
      %add3A_55 = arith.addf %get3A_54, %broadcast_in_dim3A : vector<1x256xf32>
      %swap3A_56 = arith.constant 0 : index
      %swap3A_57 = arith.constant 0 : index
      %swap3A_58 = vector.load %arg11[%swap3A_56, %swap3A_57] : memref<1x256xf32, #tpu.memory_space<vmem>>, vector<1x256xf32>
      tpu.vector_store %arg11[%swap3A_56, %swap3A_57], %add3A_55 {strides = array<i32>} : memref<1x256xf32, #tpu.memory_space<vmem>>, vector<1x256xf32>,
      %get3A_59 = arith.constant 0 : index
      %get3A_60 = arith.constant 0 : index
      %get3A_61 = vector.load %arg12[%get3A_59, %get3A_60] : memref<1x256xf32, #tpu.memory_space<vmem>>, vector<1x256xf32>
      %add3A_62 = arith.addf %get3A_61, %broadcast_in_dim3A_45 : vector<1x256xf32>
      %swap3A_63 = arith.constant 0 : index
      %swap3A_64 = arith.constant 0 : index
      %swap3A_65 = vector.load %arg12[%swap3A_63, %swap3A_64] : memref<1x256xf32, #tpu.memory_space<vmem>>, vector<1x256xf32>
      tpu.vector_store %arg12[%swap3A_63, %swap3A_64], %add3A_62 {strides = array<i32>} : memref<1x256xf32, #tpu.memory_space<vmem>>, vector<1x256xf32>,
    } else {
    }
    return
  }
  func.func @transform_0(%arg0: i32) -> (i32, i32) {
    %c0_i32 = arith.constant 0 : i32
    %c0_i32_0 = arith.constant 0 : i32
    return %arg0, %c0_i32 : i32, i32
  }
  func.func @transform_1(%arg0: i32) -> (i32, i32) {
    %c0_i32 = arith.constant 0 : i32
    %c0_i32_0 = arith.constant 0 : i32
    return %arg0, %c0_i32 : i32, i32
  }
  func.func @transform_2(%arg0: i32) -> (i32, i32) {
    %c0_i32 = arith.constant 0 : i32
    %c0_i32_0 = arith.constant 0 : i32
    return %arg0, %c0_i32 : i32, i32
  }
  func.func @transform_3(%arg0: i32) -> (i32, i32) {
    %c0_i32 = arith.constant 0 : i32
    %c0_i32_0 = arith.constant 0 : i32
    return %arg0, %c0_i32 : i32, i32
  }
  func.func @transform_4(%arg0: i32) -> (i32, i32) {
    %c0_i32 = arith.constant 0 : i32
    %c0_i32_0 = arith.constant 0 : i32
    %c0_i32_1 = arith.constant 0 : i32
    return %c0_i32, %c0_i32_0 : i32, i32
  }
  func.func @transform_5(%arg0: i32) -> (i32, i32) {
    %c0_i32 = arith.constant 0 : i32
    %c0_i32_0 = arith.constant 0 : i32
    %c0_i32_1 = arith.constant 0 : i32
    return %c0_i32, %c0_i32_0 : i32, i32
  }
  func.func @transform_6(%arg0: i32) -> (i32, i32) {
    %c0_i32 = arith.constant 0 : i32
    %c0_i32_0 = arith.constant 0 : i32
    %c0_i32_1 = arith.constant 0 : i32
    return %c0_i32, %c0_i32_0 : i32, i32
  }
  func.func @transform_7(%arg0: i32) -> (i32, i32) {
    %c0_i32 = arith.constant 0 : i32
    %c0_i32_0 = arith.constant 0 : i32
    %c0_i32_1 = arith.constant 0 : i32
    return %c0_i32, %c0_i32_0 : i32, i32
  }
  func.func @transform_8(%arg0: i32) -> (i32, i32) {
    %c0_i32 = arith.constant 0 : i32
    %c0_i32_0 = arith.constant 0 : i32
    return %arg0, %c0_i32 : i32, i32
  }
  func.func @transform_9(%arg0: i32) -> (i32, i32) {
    %c0_i32 = arith.constant 0 : i32
    %c0_i32_0 = arith.constant 0 : i32
    return %arg0, %c0_i32 : i32, i32
  }
  func.func @transform_10(%arg0: i32) -> (i32, i32) {
    %c0_i32 = arith.constant 0 : i32
    %c0_i32_0 = arith.constant 0 : i32
    %c0_i32_1 = arith.constant 0 : i32
    return %c0_i32, %c0_i32_0 : i32, i32
  }
  func.func @transform_11(%arg0: i32) -> (i32, i32) {
    %c0_i32 = arith.constant 0 : i32
    %c0_i32_0 = arith.constant 0 : i32
    %c0_i32_1 = arith.constant 0 : i32
    return %c0_i32, %c0_i32_0 : i32, i32
  }
}

module attributes {stable_mosaic.version = 14 : i64} {
  func.func @body(%arg0: i32, %arg1: memref<1000x128xf32, #tpu.memory_space<vmem>>, %arg2: memref<1000x128xf32, #tpu.memory_space<vmem>>, %arg3: memref<1000x128xf32, #tpu.memory_space<vmem>>, %arg4: memref<1000x128xf32, #tpu.memory_space<vmem>>, %arg5: memref<1000x128xf32, #tpu.memory_space<vmem>>, %arg6: memref<1000x128xf32, #tpu.memory_space<vmem>>, %arg7: memref<1x256xf32, #tpu.memory_space<vmem>>, %arg8: memref<1x256xf32, #tpu.memory_space<vmem>>, %arg9: memref<1x256xf32, #tpu.memory_space<vmem>>, %arg10: memref<1x256xf32, #tpu.memory_space<vmem>>, %arg11: memref<256x256xf32, #tpu.memory_space<vmem>>, %arg12: memref<1x256xf32, #tpu.memory_space<vmem>>, %arg13: memref<256x256xf32, #tpu.memory_space<vmem>>, %arg14: memref<1x256xf32, #tpu.memory_space<vmem>>, %arg15: memref<1000x128xf32, #tpu.memory_space<vmem>>, %arg16: memref<1000x128xf32, #tpu.memory_space<vmem>>, %arg17: memref<1x256xf32, #tpu.memory_space<vmem>>, %arg18: memref<1x256xf32, #tpu.memory_space<vmem>>) attributes {dimension_semantics = [#tpu.dimension_semantics<arbitrary>], iteration_bounds = array<i64: 10>, scalar_prefetch = 0 : i64, scratch_operands = 0 : i64, tpu.core_type = #tpu.core_type<tc>, window_params = [{transform_indices = @transform_0, window_bounds = array<i64: 1000, 128>}, {transform_indices = @transform_1, window_bounds = array<i64: 1000, 128>}, {transform_indices = @transform_2, window_bounds = array<i64: 1000, 128>}, {transform_indices = @transform_3, window_bounds = array<i64: 1000, 128>}, {transform_indices = @transform_4, window_bounds = array<i64: 1000, 128>}, {transform_indices = @transform_5, window_bounds = array<i64: 1000, 128>}, {pipeline_mode = #tpu.pipeline_mode<synchronous>, transform_indices = @transform_6, window_bounds = array<i64: 1, 256>}, {pipeline_mode = #tpu.pipeline_mode<synchronous>, transform_indices = @transform_7, window_bounds = array<i64: 1, 256>}, {pipeline_mode = #tpu.pipeline_mode<synchronous>, transform_indices = @transform_8, window_bounds = array<i64: 1, 256>}, {pipeline_mode = #tpu.pipeline_mode<synchronous>, transform_indices = @transform_9, window_bounds = array<i64: 1, 256>}, {pipeline_mode = #tpu.pipeline_mode<synchronous>, transform_indices = @transform_10, window_bounds = array<i64: 256, 256>}, {pipeline_mode = #tpu.pipeline_mode<synchronous>, transform_indices = @transform_11, window_bounds = array<i64: 1, 256>}, {pipeline_mode = #tpu.pipeline_mode<synchronous>, transform_indices = @transform_12, window_bounds = array<i64: 256, 256>}, {pipeline_mode = #tpu.pipeline_mode<synchronous>, transform_indices = @transform_13, window_bounds = array<i64: 1, 256>}, {transform_indices = @transform_14, window_bounds = array<i64: 1000, 128>}, {transform_indices = @transform_15, window_bounds = array<i64: 1000, 128>}, {pipeline_mode = #tpu.pipeline_mode<synchronous>, transform_indices = @transform_16, window_bounds = array<i64: 1, 256>}, {pipeline_mode = #tpu.pipeline_mode<synchronous>, transform_indices = @transform_17, window_bounds = array<i64: 1, 256>}]} {
    %get3A = arith.constant 0 : index
    %get3A_0 = arith.constant 0 : index
    %get3A_1 = vector.load %arg1[%get3A, %get3A_0] : memref<1000x128xf32, #tpu.memory_space<vmem>>, vector<1000x128xf32>
    %get3A_2 = arith.constant 0 : index
    %get3A_3 = arith.constant 0 : index
    %get3A_4 = vector.load %arg2[%get3A_2, %get3A_3] : memref<1000x128xf32, #tpu.memory_space<vmem>>, vector<1000x128xf32>
    %concatenate3A = tpu.concatenate %get3A_1, %get3A_4 in 1 : vector<1000x128xf32>, vector<1000x128xf32> -> vector<1000x256xf32>
    %get3A_5 = arith.constant 0 : index
    %get3A_6 = arith.constant 0 : index
    %get3A_7 = vector.load %arg3[%get3A_5, %get3A_6] : memref<1000x128xf32, #tpu.memory_space<vmem>>, vector<1000x128xf32>
    %get3A_8 = arith.constant 0 : index
    %get3A_9 = arith.constant 0 : index
    %get3A_10 = vector.load %arg4[%get3A_8, %get3A_9] : memref<1000x128xf32, #tpu.memory_space<vmem>>, vector<1000x128xf32>
    %concatenate3A_11 = tpu.concatenate %get3A_7, %get3A_10 in 1 : vector<1000x128xf32>, vector<1000x128xf32> -> vector<1000x256xf32>
    %get3A_12 = arith.constant 0 : index
    %get3A_13 = arith.constant 0 : index
    %get3A_14 = vector.load %arg7[%get3A_12, %get3A_13] : memref<1x256xf32, #tpu.memory_space<vmem>>, vector<1x256xf32>
    %mul3A = arith.constant 9.99999974E-5 : f32
    %mul3A_15 = vector.broadcast %mul3A : f32 to vector<1x256xf32>
    %mul3A_16 = arith.mulf %get3A_14, %mul3A_15 : vector<1x256xf32>
    %get3A_17 = arith.constant 0 : index
    %get3A_18 = arith.constant 0 : index
    %get3A_19 = vector.load %arg8[%get3A_17, %get3A_18] : memref<1x256xf32, #tpu.memory_space<vmem>>, vector<1x256xf32>
    %mul3A_20 = arith.constant 9.99999974E-5 : f32
    %mul3A_21 = vector.broadcast %mul3A_20 : f32 to vector<1x256xf32>
    %mul3A_22 = arith.mulf %get3A_19, %mul3A_21 : vector<1x256xf32>
    %mul3A_23 = arith.mulf %mul3A_16, %mul3A_16 : vector<1x256xf32>
    %sub3A = arith.subf %mul3A_22, %mul3A_23 : vector<1x256xf32>
    %get3A_24 = arith.constant 0 : index
    %get3A_25 = arith.constant 0 : index
    %get3A_26 = vector.load %arg9[%get3A_24, %get3A_25] : memref<1x256xf32, #tpu.memory_space<vmem>>, vector<1x256xf32>
    %add3A = arith.constant 9.99999974E-6 : f32
    %add3A_27 = vector.broadcast %add3A : f32 to vector<1x256xf32>
    %add3A_28 = arith.addf %sub3A, %add3A_27 : vector<1x256xf32>
    %rsqrt3A = math.rsqrt %add3A_28 : vector<1x256xf32>
    %mul3A_29 = arith.mulf %get3A_26, %rsqrt3A : vector<1x256xf32>
    %get3A_30 = arith.constant 0 : index
    %get3A_31 = arith.constant 0 : index
    %get3A_32 = vector.load %arg10[%get3A_30, %get3A_31] : memref<1x256xf32, #tpu.memory_space<vmem>>, vector<1x256xf32>
    %mul3A_33 = arith.mulf %mul3A_16, %mul3A_29 : vector<1x256xf32>
    %sub3A_34 = arith.subf %get3A_32, %mul3A_33 : vector<1x256xf32>
    %add3A_35 = arith.addf %concatenate3A, %concatenate3A_11 : vector<1000x256xf32>
    %mul3A_36 = vector.broadcast %mul3A_29 : vector<1x256xf32> to vector<1000x256xf32>
    %mul3A_37 = arith.mulf %mul3A_36, %add3A_35 : vector<1000x256xf32>
    %get3A_38 = arith.constant 0 : index
    %get3A_39 = arith.constant 0 : index
    %get3A_40 = vector.load %arg5[%get3A_38, %get3A_39] : memref<1000x128xf32, #tpu.memory_space<vmem>>, vector<1000x128xf32>
    %get3A_41 = arith.constant 0 : index
    %get3A_42 = arith.constant 0 : index
    %get3A_43 = vector.load %arg6[%get3A_41, %get3A_42] : memref<1000x128xf32, #tpu.memory_space<vmem>>, vector<1000x128xf32>
    %add3A_44 = arith.addf %get3A_40, %get3A_43 : vector<1000x128xf32>
    %slice3A = vector.extract_strided_slice %add3A_44 {offsets = [0, 0], sizes = [1000, 1], strides = [1, 1]} : vector<1000x128xf32> to vector<1000x1xf32>
    %add3A_45 = arith.constant 1.000000e+00 : f32
    %add3A_46 = vector.broadcast %add3A_45 : f32 to vector<1000x1xf32>
    %add3A_47 = arith.addf %add3A_46, %slice3A : vector<1000x1xf32>
    %mul3A_48 = vector.broadcast %sub3A_34 : vector<1x256xf32> to vector<1000x256xf32>
    %mul3A_49 = vector.broadcast %add3A_47 : vector<1000x1xf32> to vector<1000x256xf32>
    %mul3A_50 = arith.mulf %mul3A_48, %mul3A_49 : vector<1000x256xf32>
    %add3A_51 = arith.addf %mul3A_37, %mul3A_50 : vector<1000x256xf32>
    %get3A_52 = arith.constant 0 : index
    %get3A_53 = arith.constant 0 : index
    %get3A_54 = vector.load %arg11[%get3A_52, %get3A_53] : memref<256x256xf32, #tpu.memory_space<vmem>>, vector<256x256xf32>
    %dot_general3A = arith.constant dense<0.000000e+00> : vector<1000x256xf32>
    %dot_general3A_55 = tpu.matmul %add3A_51, %get3A_54, %dot_general3A {dimension_numbers = #tpu.dot_dimension_numbers<[1], [0], [0], [1], [0, 0, 1, 1], [], []>, transpose_lhs_hint = false} : vector<1000x256xf32>, vector<256x256xf32>, vector<1000x256xf32> -> vector<1000x256xf32>
    %get3A_56 = arith.constant 0 : index
    %get3A_57 = arith.constant 0 : index
    %get3A_58 = vector.load %arg12[%get3A_56, %get3A_57] : memref<1x256xf32, #tpu.memory_space<vmem>>, vector<1x256xf32>
    %add3A_59 = vector.broadcast %get3A_58 : vector<1x256xf32> to vector<1000x256xf32>
    %add3A_60 = arith.addf %dot_general3A_55, %add3A_59 : vector<1000x256xf32>
    %max3A = arith.constant 0.000000e+00 : f32
    %max3A_61 = vector.broadcast %max3A : f32 to vector<1000x256xf32>
    %max3A_62 = arith.maximumf %add3A_60, %max3A_61 : vector<1000x256xf32>
    %get3A_63 = arith.constant 0 : index
    %get3A_64 = arith.constant 0 : index
    %get3A_65 = vector.load %arg13[%get3A_63, %get3A_64] : memref<256x256xf32, #tpu.memory_space<vmem>>, vector<256x256xf32>
    %dot_general3A_66 = arith.constant dense<0.000000e+00> : vector<1000x256xf32>
    %dot_general3A_67 = tpu.matmul %max3A_62, %get3A_65, %dot_general3A_66 {dimension_numbers = #tpu.dot_dimension_numbers<[1], [0], [0], [1], [0, 0, 1, 1], [], []>, transpose_lhs_hint = false} : vector<1000x256xf32>, vector<256x256xf32>, vector<1000x256xf32> -> vector<1000x256xf32>
    %get3A_68 = arith.constant 0 : index
    %get3A_69 = arith.constant 0 : index
    %get3A_70 = vector.load %arg14[%get3A_68, %get3A_69] : memref<1x256xf32, #tpu.memory_space<vmem>>, vector<1x256xf32>
    %add3A_71 = vector.broadcast %get3A_70 : vector<1x256xf32> to vector<1000x256xf32>
    %add3A_72 = arith.addf %dot_general3A_67, %add3A_71 : vector<1000x256xf32>
    %max3A_73 = arith.constant 0.000000e+00 : f32
    %max3A_74 = vector.broadcast %max3A_73 : f32 to vector<1000x256xf32>
    %max3A_75 = arith.maximumf %add3A_72, %max3A_74 : vector<1000x256xf32>
    %slice3A_76 = vector.extract_strided_slice %max3A_75 {offsets = [0, 0], sizes = [1000, 128], strides = [1, 1]} : vector<1000x256xf32> to vector<1000x128xf32>
    %swap3A = arith.constant 0 : index
    %swap3A_77 = arith.constant 0 : index
    %swap3A_78 = vector.load %arg15[%swap3A, %swap3A_77] : memref<1000x128xf32, #tpu.memory_space<vmem>>, vector<1000x128xf32>
    tpu.vector_store %arg15[%swap3A, %swap3A_77], %slice3A_76 {strides = array<i32>} : memref<1000x128xf32, #tpu.memory_space<vmem>>, vector<1000x128xf32>,
    %slice3A_79 = vector.extract_strided_slice %max3A_75 {offsets = [0, 128], sizes = [1000, 128], strides = [1, 1]} : vector<1000x256xf32> to vector<1000x128xf32>
    %swap3A_80 = arith.constant 0 : index
    %swap3A_81 = arith.constant 0 : index
    %swap3A_82 = vector.load %arg16[%swap3A_80, %swap3A_81] : memref<1000x128xf32, #tpu.memory_space<vmem>>, vector<1000x128xf32>
    tpu.vector_store %arg16[%swap3A_80, %swap3A_81], %slice3A_79 {strides = array<i32>} : memref<1000x128xf32, #tpu.memory_space<vmem>>, vector<1000x128xf32>,
    %reduce_sum3A = arith.constant dense<0.000000e+00> : vector<256xf32>
    %reduce_sum3A_83 = vector.multi_reduction <add>, %max3A_75, %reduce_sum3A [0] : vector<1000x256xf32> to vector<256xf32>
    %broadcast_in_dim3A = vector.shape_cast %reduce_sum3A_83 : vector<256xf32> to vector<1x256xf32>
    %mul3A_84 = arith.mulf %max3A_75, %max3A_75 : vector<1000x256xf32>
    %reduce_sum3A_85 = arith.constant dense<0.000000e+00> : vector<256xf32>
    %reduce_sum3A_86 = vector.multi_reduction <add>, %mul3A_84, %reduce_sum3A_85 [0] : vector<1000x256xf32> to vector<256xf32>
    %broadcast_in_dim3A_87 = vector.shape_cast %reduce_sum3A_86 : vector<256xf32> to vector<1x256xf32>
    %eq3A = arith.constant 0 : i32
    %eq3A_88 = arith.cmpi eq, %arg0, %eq3A : i32
    %convert_element_type3A = arith.extui %eq3A_88 : i1 to i32
    %cond3A = arith.constant 0 : i32
    %cond3A_89 = arith.cmpi ne, %convert_element_type3A, %cond3A : i32
    scf.if %cond3A_89 {
      %swap3A_94 = arith.constant 0 : index
      %swap3A_95 = arith.constant 0 : index
      %swap3A_96 = vector.load %arg17[%swap3A_94, %swap3A_95] : memref<1x256xf32, #tpu.memory_space<vmem>>, vector<1x256xf32>
      tpu.vector_store %arg17[%swap3A_94, %swap3A_95], %broadcast_in_dim3A {strides = array<i32>} : memref<1x256xf32, #tpu.memory_space<vmem>>, vector<1x256xf32>,
      %swap3A_97 = arith.constant 0 : index
      %swap3A_98 = arith.constant 0 : index
      %swap3A_99 = vector.load %arg18[%swap3A_97, %swap3A_98] : memref<1x256xf32, #tpu.memory_space<vmem>>, vector<1x256xf32>
      tpu.vector_store %arg18[%swap3A_97, %swap3A_98], %broadcast_in_dim3A_87 {strides = array<i32>} : memref<1x256xf32, #tpu.memory_space<vmem>>, vector<1x256xf32>,
    } else {
    }
    %gt3A = arith.constant 0 : i32
    %gt3A_90 = arith.cmpi sgt, %arg0, %gt3A : i32
    %convert_element_type3A_91 = arith.extui %gt3A_90 : i1 to i32
    %cond3A_92 = arith.constant 0 : i32
    %cond3A_93 = arith.cmpi ne, %convert_element_type3A_91, %cond3A_92 : i32
    scf.if %cond3A_93 {
      %get3A_94 = arith.constant 0 : index
      %get3A_95 = arith.constant 0 : index
      %get3A_96 = vector.load %arg17[%get3A_94, %get3A_95] : memref<1x256xf32, #tpu.memory_space<vmem>>, vector<1x256xf32>
      %add3A_97 = arith.addf %get3A_96, %broadcast_in_dim3A : vector<1x256xf32>
      %swap3A_98 = arith.constant 0 : index
      %swap3A_99 = arith.constant 0 : index
      %swap3A_100 = vector.load %arg17[%swap3A_98, %swap3A_99] : memref<1x256xf32, #tpu.memory_space<vmem>>, vector<1x256xf32>
      tpu.vector_store %arg17[%swap3A_98, %swap3A_99], %add3A_97 {strides = array<i32>} : memref<1x256xf32, #tpu.memory_space<vmem>>, vector<1x256xf32>,
      %get3A_101 = arith.constant 0 : index
      %get3A_102 = arith.constant 0 : index
      %get3A_103 = vector.load %arg18[%get3A_101, %get3A_102] : memref<1x256xf32, #tpu.memory_space<vmem>>, vector<1x256xf32>
      %add3A_104 = arith.addf %get3A_103, %broadcast_in_dim3A_87 : vector<1x256xf32>
      %swap3A_105 = arith.constant 0 : index
      %swap3A_106 = arith.constant 0 : index
      %swap3A_107 = vector.load %arg18[%swap3A_105, %swap3A_106] : memref<1x256xf32, #tpu.memory_space<vmem>>, vector<1x256xf32>
      tpu.vector_store %arg18[%swap3A_105, %swap3A_106], %add3A_104 {strides = array<i32>} : memref<1x256xf32, #tpu.memory_space<vmem>>, vector<1x256xf32>,
    } else {
    }
    return
  }
  func.func @transform_0(%arg0: i32) -> (i32, i32) {
    %c0_i32 = arith.constant 0 : i32
    %c0_i32_0 = arith.constant 0 : i32
    return %arg0, %c0_i32 : i32, i32
  }
  func.func @transform_1(%arg0: i32) -> (i32, i32) {
    %c0_i32 = arith.constant 0 : i32
    %c0_i32_0 = arith.constant 0 : i32
    return %arg0, %c0_i32 : i32, i32
  }
  func.func @transform_2(%arg0: i32) -> (i32, i32) {
    %c0_i32 = arith.constant 0 : i32
    %c0_i32_0 = arith.constant 0 : i32
    return %arg0, %c0_i32 : i32, i32
  }
  func.func @transform_3(%arg0: i32) -> (i32, i32) {
    %c0_i32 = arith.constant 0 : i32
    %c0_i32_0 = arith.constant 0 : i32
    return %arg0, %c0_i32 : i32, i32
  }
  func.func @transform_4(%arg0: i32) -> (i32, i32) {
    %c0_i32 = arith.constant 0 : i32
    %c0_i32_0 = arith.constant 0 : i32
    return %arg0, %c0_i32 : i32, i32
  }
  func.func @transform_5(%arg0: i32) -> (i32, i32) {
    %c0_i32 = arith.constant 0 : i32
    %c0_i32_0 = arith.constant 0 : i32
    return %arg0, %c0_i32 : i32, i32
  }
  func.func @transform_6(%arg0: i32) -> (i32, i32) {
    %c0_i32 = arith.constant 0 : i32
    %c0_i32_0 = arith.constant 0 : i32
    %c0_i32_1 = arith.constant 0 : i32
    return %c0_i32, %c0_i32_0 : i32, i32
  }
  func.func @transform_7(%arg0: i32) -> (i32, i32) {
    %c0_i32 = arith.constant 0 : i32
    %c0_i32_0 = arith.constant 0 : i32
    %c0_i32_1 = arith.constant 0 : i32
    return %c0_i32, %c0_i32_0 : i32, i32
  }
  func.func @transform_8(%arg0: i32) -> (i32, i32) {
    %c0_i32 = arith.constant 0 : i32
    %c0_i32_0 = arith.constant 0 : i32
    %c0_i32_1 = arith.constant 0 : i32
    return %c0_i32, %c0_i32_0 : i32, i32
  }
  func.func @transform_9(%arg0: i32) -> (i32, i32) {
    %c0_i32 = arith.constant 0 : i32
    %c0_i32_0 = arith.constant 0 : i32
    %c0_i32_1 = arith.constant 0 : i32
    return %c0_i32, %c0_i32_0 : i32, i32
  }
  func.func @transform_10(%arg0: i32) -> (i32, i32) {
    %c0_i32 = arith.constant 0 : i32
    %c0_i32_0 = arith.constant 0 : i32
    %c0_i32_1 = arith.constant 0 : i32
    return %c0_i32, %c0_i32_0 : i32, i32
  }
  func.func @transform_11(%arg0: i32) -> (i32, i32) {
    %c0_i32 = arith.constant 0 : i32
    %c0_i32_0 = arith.constant 0 : i32
    %c0_i32_1 = arith.constant 0 : i32
    return %c0_i32, %c0_i32_0 : i32, i32
  }
  func.func @transform_12(%arg0: i32) -> (i32, i32) {
    %c0_i32 = arith.constant 0 : i32
    %c0_i32_0 = arith.constant 0 : i32
    %c0_i32_1 = arith.constant 0 : i32
    return %c0_i32, %c0_i32_0 : i32, i32
  }
  func.func @transform_13(%arg0: i32) -> (i32, i32) {
    %c0_i32 = arith.constant 0 : i32
    %c0_i32_0 = arith.constant 0 : i32
    %c0_i32_1 = arith.constant 0 : i32
    return %c0_i32, %c0_i32_0 : i32, i32
  }
  func.func @transform_14(%arg0: i32) -> (i32, i32) {
    %c0_i32 = arith.constant 0 : i32
    %c0_i32_0 = arith.constant 0 : i32
    return %arg0, %c0_i32 : i32, i32
  }
  func.func @transform_15(%arg0: i32) -> (i32, i32) {
    %c0_i32 = arith.constant 0 : i32
    %c0_i32_0 = arith.constant 0 : i32
    return %arg0, %c0_i32 : i32, i32
  }
  func.func @transform_16(%arg0: i32) -> (i32, i32) {
    %c0_i32 = arith.constant 0 : i32
    %c0_i32_0 = arith.constant 0 : i32
    %c0_i32_1 = arith.constant 0 : i32
    return %c0_i32, %c0_i32_0 : i32, i32
  }
  func.func @transform_17(%arg0: i32) -> (i32, i32) {
    %c0_i32 = arith.constant 0 : i32
    %c0_i32_0 = arith.constant 0 : i32
    %c0_i32_1 = arith.constant 0 : i32
    return %c0_i32, %c0_i32_0 : i32, i32
  }
}

module attributes {stable_mosaic.version = 14 : i64} {
  func.func @body(%arg0: i32, %arg1: memref<1000x128xf32, #tpu.memory_space<vmem>>, %arg2: memref<1000x128xf32, #tpu.memory_space<vmem>>, %arg3: memref<1000x128xf32, #tpu.memory_space<vmem>>, %arg4: memref<1000x128xf32, #tpu.memory_space<vmem>>, %arg5: memref<1000x128xf32, #tpu.memory_space<vmem>>, %arg6: memref<1000x128xf32, #tpu.memory_space<vmem>>, %arg7: memref<1x256xf32, #tpu.memory_space<vmem>>, %arg8: memref<1x256xf32, #tpu.memory_space<vmem>>, %arg9: memref<1x256xf32, #tpu.memory_space<vmem>>, %arg10: memref<1x256xf32, #tpu.memory_space<vmem>>, %arg11: memref<256x256xf32, #tpu.memory_space<vmem>>, %arg12: memref<1x256xf32, #tpu.memory_space<vmem>>, %arg13: memref<256x256xf32, #tpu.memory_space<vmem>>, %arg14: memref<1x256xf32, #tpu.memory_space<vmem>>, %arg15: memref<1x1x1000xi32, #tpu.memory_space<vmem>>, %arg16: memref<1000x128xf32, #tpu.memory_space<vmem>>, %arg17: memref<1000x128xf32, #tpu.memory_space<vmem>>, %arg18: memref<1x256xf32, #tpu.memory_space<vmem>>, %arg19: memref<1x256xf32, #tpu.memory_space<vmem>>, %arg20: memref<64x256xf32, #tpu.memory_space<vmem>>, %arg21: memref<64x128xf32, #tpu.memory_space<vmem>>) attributes {dimension_semantics = [#tpu.dimension_semantics<arbitrary>], iteration_bounds = array<i64: 10>, scalar_prefetch = 0 : i64, scratch_operands = 0 : i64, tpu.core_type = #tpu.core_type<tc>, window_params = [{transform_indices = @transform_0, window_bounds = array<i64: 1000, 128>}, {transform_indices = @transform_1, window_bounds = array<i64: 1000, 128>}, {transform_indices = @transform_2, window_bounds = array<i64: 1000, 128>}, {transform_indices = @transform_3, window_bounds = array<i64: 1000, 128>}, {transform_indices = @transform_4, window_bounds = array<i64: 1000, 128>}, {transform_indices = @transform_5, window_bounds = array<i64: 1000, 128>}, {pipeline_mode = #tpu.pipeline_mode<synchronous>, transform_indices = @transform_6, window_bounds = array<i64: 1, 256>}, {pipeline_mode = #tpu.pipeline_mode<synchronous>, transform_indices = @transform_7, window_bounds = array<i64: 1, 256>}, {pipeline_mode = #tpu.pipeline_mode<synchronous>, transform_indices = @transform_8, window_bounds = array<i64: 1, 256>}, {pipeline_mode = #tpu.pipeline_mode<synchronous>, transform_indices = @transform_9, window_bounds = array<i64: 1, 256>}, {pipeline_mode = #tpu.pipeline_mode<synchronous>, transform_indices = @transform_10, window_bounds = array<i64: 256, 256>}, {pipeline_mode = #tpu.pipeline_mode<synchronous>, transform_indices = @transform_11, window_bounds = array<i64: 1, 256>}, {pipeline_mode = #tpu.pipeline_mode<synchronous>, transform_indices = @transform_12, window_bounds = array<i64: 256, 256>}, {pipeline_mode = #tpu.pipeline_mode<synchronous>, transform_indices = @transform_13, window_bounds = array<i64: 1, 256>}, {transform_indices = @transform_14, window_bounds = array<i64: 1, 1, 1000>}, {transform_indices = @transform_15, window_bounds = array<i64: 1000, 128>}, {transform_indices = @transform_16, window_bounds = array<i64: 1000, 128>}, {pipeline_mode = #tpu.pipeline_mode<synchronous>, transform_indices = @transform_17, window_bounds = array<i64: 1, 256>}, {pipeline_mode = #tpu.pipeline_mode<synchronous>, transform_indices = @transform_18, window_bounds = array<i64: 1, 256>}, {pipeline_mode = #tpu.pipeline_mode<synchronous>, transform_indices = @transform_19, window_bounds = array<i64: 64, 256>}, {pipeline_mode = #tpu.pipeline_mode<synchronous>, transform_indices = @transform_20, window_bounds = array<i64: 64, 128>}]} {
    %get3A = arith.constant 0 : index
    %get3A_0 = arith.constant 0 : index
    %get3A_1 = vector.load %arg1[%get3A, %get3A_0] : memref<1000x128xf32, #tpu.memory_space<vmem>>, vector<1000x128xf32>
    %get3A_2 = arith.constant 0 : index
    %get3A_3 = arith.constant 0 : index
    %get3A_4 = vector.load %arg2[%get3A_2, %get3A_3] : memref<1000x128xf32, #tpu.memory_space<vmem>>, vector<1000x128xf32>
    %concatenate3A = tpu.concatenate %get3A_1, %get3A_4 in 1 : vector<1000x128xf32>, vector<1000x128xf32> -> vector<1000x256xf32>
    %get3A_5 = arith.constant 0 : index
    %get3A_6 = arith.constant 0 : index
    %get3A_7 = vector.load %arg3[%get3A_5, %get3A_6] : memref<1000x128xf32, #tpu.memory_space<vmem>>, vector<1000x128xf32>
    %get3A_8 = arith.constant 0 : index
    %get3A_9 = arith.constant 0 : index
    %get3A_10 = vector.load %arg4[%get3A_8, %get3A_9] : memref<1000x128xf32, #tpu.memory_space<vmem>>, vector<1000x128xf32>
    %concatenate3A_11 = tpu.concatenate %get3A_7, %get3A_10 in 1 : vector<1000x128xf32>, vector<1000x128xf32> -> vector<1000x256xf32>
    %get3A_12 = arith.constant 0 : index
    %get3A_13 = arith.constant 0 : index
    %get3A_14 = vector.load %arg7[%get3A_12, %get3A_13] : memref<1x256xf32, #tpu.memory_space<vmem>>, vector<1x256xf32>
    %mul3A = arith.constant 9.99999974E-5 : f32
    %mul3A_15 = vector.broadcast %mul3A : f32 to vector<1x256xf32>
    %mul3A_16 = arith.mulf %get3A_14, %mul3A_15 : vector<1x256xf32>
    %get3A_17 = arith.constant 0 : index
    %get3A_18 = arith.constant 0 : index
    %get3A_19 = vector.load %arg8[%get3A_17, %get3A_18] : memref<1x256xf32, #tpu.memory_space<vmem>>, vector<1x256xf32>
    %mul3A_20 = arith.constant 9.99999974E-5 : f32
    %mul3A_21 = vector.broadcast %mul3A_20 : f32 to vector<1x256xf32>
    %mul3A_22 = arith.mulf %get3A_19, %mul3A_21 : vector<1x256xf32>
    %mul3A_23 = arith.mulf %mul3A_16, %mul3A_16 : vector<1x256xf32>
    %sub3A = arith.subf %mul3A_22, %mul3A_23 : vector<1x256xf32>
    %get3A_24 = arith.constant 0 : index
    %get3A_25 = arith.constant 0 : index
    %get3A_26 = vector.load %arg9[%get3A_24, %get3A_25] : memref<1x256xf32, #tpu.memory_space<vmem>>, vector<1x256xf32>
    %add3A = arith.constant 9.99999974E-6 : f32
    %add3A_27 = vector.broadcast %add3A : f32 to vector<1x256xf32>
    %add3A_28 = arith.addf %sub3A, %add3A_27 : vector<1x256xf32>
    %rsqrt3A = math.rsqrt %add3A_28 : vector<1x256xf32>
    %mul3A_29 = arith.mulf %get3A_26, %rsqrt3A : vector<1x256xf32>
    %get3A_30 = arith.constant 0 : index
    %get3A_31 = arith.constant 0 : index
    %get3A_32 = vector.load %arg10[%get3A_30, %get3A_31] : memref<1x256xf32, #tpu.memory_space<vmem>>, vector<1x256xf32>
    %mul3A_33 = arith.mulf %mul3A_16, %mul3A_29 : vector<1x256xf32>
    %sub3A_34 = arith.subf %get3A_32, %mul3A_33 : vector<1x256xf32>
    %add3A_35 = arith.addf %concatenate3A, %concatenate3A_11 : vector<1000x256xf32>
    %mul3A_36 = vector.broadcast %mul3A_29 : vector<1x256xf32> to vector<1000x256xf32>
    %mul3A_37 = arith.mulf %mul3A_36, %add3A_35 : vector<1000x256xf32>
    %get3A_38 = arith.constant 0 : index
    %get3A_39 = arith.constant 0 : index
    %get3A_40 = vector.load %arg5[%get3A_38, %get3A_39] : memref<1000x128xf32, #tpu.memory_space<vmem>>, vector<1000x128xf32>
    %get3A_41 = arith.constant 0 : index
    %get3A_42 = arith.constant 0 : index
    %get3A_43 = vector.load %arg6[%get3A_41, %get3A_42] : memref<1000x128xf32, #tpu.memory_space<vmem>>, vector<1000x128xf32>
    %add3A_44 = arith.addf %get3A_40, %get3A_43 : vector<1000x128xf32>
    %slice3A = vector.extract_strided_slice %add3A_44 {offsets = [0, 0], sizes = [1000, 1], strides = [1, 1]} : vector<1000x128xf32> to vector<1000x1xf32>
    %add3A_45 = arith.constant 1.000000e+00 : f32
    %add3A_46 = vector.broadcast %add3A_45 : f32 to vector<1000x1xf32>
    %add3A_47 = arith.addf %add3A_46, %slice3A : vector<1000x1xf32>
    %mul3A_48 = vector.broadcast %sub3A_34 : vector<1x256xf32> to vector<1000x256xf32>
    %mul3A_49 = vector.broadcast %add3A_47 : vector<1000x1xf32> to vector<1000x256xf32>
    %mul3A_50 = arith.mulf %mul3A_48, %mul3A_49 : vector<1000x256xf32>
    %add3A_51 = arith.addf %mul3A_37, %mul3A_50 : vector<1000x256xf32>
    %get3A_52 = arith.constant 0 : index
    %get3A_53 = arith.constant 0 : index
    %get3A_54 = vector.load %arg11[%get3A_52, %get3A_53] : memref<256x256xf32, #tpu.memory_space<vmem>>, vector<256x256xf32>
    %dot_general3A = arith.constant dense<0.000000e+00> : vector<1000x256xf32>
    %dot_general3A_55 = tpu.matmul %add3A_51, %get3A_54, %dot_general3A {dimension_numbers = #tpu.dot_dimension_numbers<[1], [0], [0], [1], [0, 0, 1, 1], [], []>, transpose_lhs_hint = false} : vector<1000x256xf32>, vector<256x256xf32>, vector<1000x256xf32> -> vector<1000x256xf32>
    %get3A_56 = arith.constant 0 : index
    %get3A_57 = arith.constant 0 : index
    %get3A_58 = vector.load %arg12[%get3A_56, %get3A_57] : memref<1x256xf32, #tpu.memory_space<vmem>>, vector<1x256xf32>
    %add3A_59 = vector.broadcast %get3A_58 : vector<1x256xf32> to vector<1000x256xf32>
    %add3A_60 = arith.addf %dot_general3A_55, %add3A_59 : vector<1000x256xf32>
    %max3A = arith.constant 0.000000e+00 : f32
    %max3A_61 = vector.broadcast %max3A : f32 to vector<1000x256xf32>
    %max3A_62 = arith.maximumf %add3A_60, %max3A_61 : vector<1000x256xf32>
    %get3A_63 = arith.constant 0 : index
    %get3A_64 = arith.constant 0 : index
    %get3A_65 = vector.load %arg13[%get3A_63, %get3A_64] : memref<256x256xf32, #tpu.memory_space<vmem>>, vector<256x256xf32>
    %dot_general3A_66 = arith.constant dense<0.000000e+00> : vector<1000x256xf32>
    %dot_general3A_67 = tpu.matmul %max3A_62, %get3A_65, %dot_general3A_66 {dimension_numbers = #tpu.dot_dimension_numbers<[1], [0], [0], [1], [0, 0, 1, 1], [], []>, transpose_lhs_hint = false} : vector<1000x256xf32>, vector<256x256xf32>, vector<1000x256xf32> -> vector<1000x256xf32>
    %get3A_68 = arith.constant 0 : index
    %get3A_69 = arith.constant 0 : index
    %get3A_70 = vector.load %arg14[%get3A_68, %get3A_69] : memref<1x256xf32, #tpu.memory_space<vmem>>, vector<1x256xf32>
    %add3A_71 = vector.broadcast %get3A_70 : vector<1x256xf32> to vector<1000x256xf32>
    %add3A_72 = arith.addf %dot_general3A_67, %add3A_71 : vector<1000x256xf32>
    %max3A_73 = arith.constant 0.000000e+00 : f32
    %max3A_74 = vector.broadcast %max3A_73 : f32 to vector<1000x256xf32>
    %max3A_75 = arith.maximumf %add3A_72, %max3A_74 : vector<1000x256xf32>
    %slice3A_76 = vector.extract_strided_slice %max3A_75 {offsets = [0, 0], sizes = [1000, 128], strides = [1, 1]} : vector<1000x256xf32> to vector<1000x128xf32>
    %swap3A = arith.constant 0 : index
    %swap3A_77 = arith.constant 0 : index
    %swap3A_78 = vector.load %arg16[%swap3A, %swap3A_77] : memref<1000x128xf32, #tpu.memory_space<vmem>>, vector<1000x128xf32>
    tpu.vector_store %arg16[%swap3A, %swap3A_77], %slice3A_76 {strides = array<i32>} : memref<1000x128xf32, #tpu.memory_space<vmem>>, vector<1000x128xf32>,
    %slice3A_79 = vector.extract_strided_slice %max3A_75 {offsets = [0, 128], sizes = [1000, 128], strides = [1, 1]} : vector<1000x256xf32> to vector<1000x128xf32>
    %swap3A_80 = arith.constant 0 : index
    %swap3A_81 = arith.constant 0 : index
    %swap3A_82 = vector.load %arg17[%swap3A_80, %swap3A_81] : memref<1000x128xf32, #tpu.memory_space<vmem>>, vector<1000x128xf32>
    tpu.vector_store %arg17[%swap3A_80, %swap3A_81], %slice3A_79 {strides = array<i32>} : memref<1000x128xf32, #tpu.memory_space<vmem>>, vector<1000x128xf32>,
    %reduce_sum3A = arith.constant dense<0.000000e+00> : vector<256xf32>
    %reduce_sum3A_83 = vector.multi_reduction <add>, %max3A_75, %reduce_sum3A [0] : vector<1000x256xf32> to vector<256xf32>
    %broadcast_in_dim3A = vector.shape_cast %reduce_sum3A_83 : vector<256xf32> to vector<1x256xf32>
    %mul3A_84 = arith.mulf %max3A_75, %max3A_75 : vector<1000x256xf32>
    %reduce_sum3A_85 = arith.constant dense<0.000000e+00> : vector<256xf32>
    %reduce_sum3A_86 = vector.multi_reduction <add>, %mul3A_84, %reduce_sum3A_85 [0] : vector<1000x256xf32> to vector<256xf32>
    %broadcast_in_dim3A_87 = vector.shape_cast %reduce_sum3A_86 : vector<256xf32> to vector<1x256xf32>
    %iota3A = tpu.iota {dimensions = array<i32: 0>} : vector<64x1000xi32>
    %get3A_88 = arith.constant 0 : index
    %get3A_89 = arith.constant 0 : index
    %get3A_90 = arith.constant 0 : index
    %get3A_91 = vector.load %arg15[%get3A_88, %get3A_89, %get3A_90] : memref<1x1x1000xi32, #tpu.memory_space<vmem>>, vector<1x1x1000xi32>
    %reshape3A = vector.shape_cast %get3A_91 : vector<1x1x1000xi32> to vector<1x1000xi32>
    %eq3A = vector.broadcast %reshape3A : vector<1x1000xi32> to vector<64x1000xi32>
    %eq3A_92 = arith.cmpi eq, %eq3A, %iota3A : vector<64x1000xi32>
    %convert_element_type3A = arith.extui %eq3A_92 : vector<64x1000xi1> to vector<64x1000xi32>
    %convert_element_type3A_93 = arith.sitofp %convert_element_type3A : vector<64x1000xi32> to vector<64x1000xf32>
    %dot_general3A_94 = arith.constant dense<0.000000e+00> : vector<64x256xf32>
    %dot_general3A_95 = tpu.matmul %convert_element_type3A_93, %max3A_75, %dot_general3A_94 {dimension_numbers = #tpu.dot_dimension_numbers<[1], [0], [0], [1], [0, 0, 1, 1], [], []>, transpose_lhs_hint = false} : vector<64x1000xf32>, vector<1000x256xf32>, vector<64x256xf32> -> vector<64x256xf32>
    %reduce_sum3A_96 = arith.constant dense<0.000000e+00> : vector<64xf32>
    %reduce_sum3A_97 = vector.multi_reduction <add>, %convert_element_type3A_93, %reduce_sum3A_96 [1] : vector<64x1000xf32> to vector<64xf32>
    %broadcast_in_dim3A_98 = vector.shape_cast %reduce_sum3A_97 : vector<64xf32> to vector<64x1xf32>
    %broadcast_in_dim3A_99 = arith.constant 0.000000e+00 : f32
    %broadcast_in_dim3A_100 = vector.broadcast %broadcast_in_dim3A_99 : f32 to vector<64x128xf32>
    %add3A_101 = vector.broadcast %broadcast_in_dim3A_98 : vector<64x1xf32> to vector<64x128xf32>
    %add3A_102 = arith.addf %add3A_101, %broadcast_in_dim3A_100 : vector<64x128xf32>
    %eq3A_103 = arith.constant 0 : i32
    %eq3A_104 = arith.cmpi eq, %arg0, %eq3A_103 : i32
    %convert_element_type3A_105 = arith.extui %eq3A_104 : i1 to i32
    %cond3A = arith.constant 0 : i32
    %cond3A_106 = arith.cmpi ne, %convert_element_type3A_105, %cond3A : i32
    scf.if %cond3A_106 {
      %swap3A_111 = arith.constant 0 : index
      %swap3A_112 = arith.constant 0 : index
      %swap3A_113 = vector.load %arg18[%swap3A_111, %swap3A_112] : memref<1x256xf32, #tpu.memory_space<vmem>>, vector<1x256xf32>
      tpu.vector_store %arg18[%swap3A_111, %swap3A_112], %broadcast_in_dim3A {strides = array<i32>} : memref<1x256xf32, #tpu.memory_space<vmem>>, vector<1x256xf32>,
      %swap3A_114 = arith.constant 0 : index
      %swap3A_115 = arith.constant 0 : index
      %swap3A_116 = vector.load %arg19[%swap3A_114, %swap3A_115] : memref<1x256xf32, #tpu.memory_space<vmem>>, vector<1x256xf32>
      tpu.vector_store %arg19[%swap3A_114, %swap3A_115], %broadcast_in_dim3A_87 {strides = array<i32>} : memref<1x256xf32, #tpu.memory_space<vmem>>, vector<1x256xf32>,
      %swap3A_117 = arith.constant 0 : index
      %swap3A_118 = arith.constant 0 : index
      %swap3A_119 = vector.load %arg20[%swap3A_117, %swap3A_118] : memref<64x256xf32, #tpu.memory_space<vmem>>, vector<64x256xf32>
      tpu.vector_store %arg20[%swap3A_117, %swap3A_118], %dot_general3A_95 {strides = array<i32>} : memref<64x256xf32, #tpu.memory_space<vmem>>, vector<64x256xf32>,
      %swap3A_120 = arith.constant 0 : index
      %swap3A_121 = arith.constant 0 : index
      %swap3A_122 = vector.load %arg21[%swap3A_120, %swap3A_121] : memref<64x128xf32, #tpu.memory_space<vmem>>, vector<64x128xf32>
      tpu.vector_store %arg21[%swap3A_120, %swap3A_121], %add3A_102 {strides = array<i32>} : memref<64x128xf32, #tpu.memory_space<vmem>>, vector<64x128xf32>,
    } else {
    }
    %gt3A = arith.constant 0 : i32
    %gt3A_107 = arith.cmpi sgt, %arg0, %gt3A : i32
    %convert_element_type3A_108 = arith.extui %gt3A_107 : i1 to i32
    %cond3A_109 = arith.constant 0 : i32
    %cond3A_110 = arith.cmpi ne, %convert_element_type3A_108, %cond3A_109 : i32
    scf.if %cond3A_110 {
      %get3A_111 = arith.constant 0 : index
      %get3A_112 = arith.constant 0 : index
      %get3A_113 = vector.load %arg18[%get3A_111, %get3A_112] : memref<1x256xf32, #tpu.memory_space<vmem>>, vector<1x256xf32>
      %add3A_114 = arith.addf %get3A_113, %broadcast_in_dim3A : vector<1x256xf32>
      %swap3A_115 = arith.constant 0 : index
      %swap3A_116 = arith.constant 0 : index
      %swap3A_117 = vector.load %arg18[%swap3A_115, %swap3A_116] : memref<1x256xf32, #tpu.memory_space<vmem>>, vector<1x256xf32>
      tpu.vector_store %arg18[%swap3A_115, %swap3A_116], %add3A_114 {strides = array<i32>} : memref<1x256xf32, #tpu.memory_space<vmem>>, vector<1x256xf32>,
      %get3A_118 = arith.constant 0 : index
      %get3A_119 = arith.constant 0 : index
      %get3A_120 = vector.load %arg19[%get3A_118, %get3A_119] : memref<1x256xf32, #tpu.memory_space<vmem>>, vector<1x256xf32>
      %add3A_121 = arith.addf %get3A_120, %broadcast_in_dim3A_87 : vector<1x256xf32>
      %swap3A_122 = arith.constant 0 : index
      %swap3A_123 = arith.constant 0 : index
      %swap3A_124 = vector.load %arg19[%swap3A_122, %swap3A_123] : memref<1x256xf32, #tpu.memory_space<vmem>>, vector<1x256xf32>
      tpu.vector_store %arg19[%swap3A_122, %swap3A_123], %add3A_121 {strides = array<i32>} : memref<1x256xf32, #tpu.memory_space<vmem>>, vector<1x256xf32>,
      %get3A_125 = arith.constant 0 : index
      %get3A_126 = arith.constant 0 : index
      %get3A_127 = vector.load %arg20[%get3A_125, %get3A_126] : memref<64x256xf32, #tpu.memory_space<vmem>>, vector<64x256xf32>
      %add3A_128 = arith.addf %get3A_127, %dot_general3A_95 : vector<64x256xf32>
      %swap3A_129 = arith.constant 0 : index
      %swap3A_130 = arith.constant 0 : index
      %swap3A_131 = vector.load %arg20[%swap3A_129, %swap3A_130] : memref<64x256xf32, #tpu.memory_space<vmem>>, vector<64x256xf32>
      tpu.vector_store %arg20[%swap3A_129, %swap3A_130], %add3A_128 {strides = array<i32>} : memref<64x256xf32, #tpu.memory_space<vmem>>, vector<64x256xf32>,
      %get3A_132 = arith.constant 0 : index
      %get3A_133 = arith.constant 0 : index
      %get3A_134 = vector.load %arg21[%get3A_132, %get3A_133] : memref<64x128xf32, #tpu.memory_space<vmem>>, vector<64x128xf32>
      %add3A_135 = arith.addf %get3A_134, %add3A_102 : vector<64x128xf32>
      %swap3A_136 = arith.constant 0 : index
      %swap3A_137 = arith.constant 0 : index
      %swap3A_138 = vector.load %arg21[%swap3A_136, %swap3A_137] : memref<64x128xf32, #tpu.memory_space<vmem>>, vector<64x128xf32>
      tpu.vector_store %arg21[%swap3A_136, %swap3A_137], %add3A_135 {strides = array<i32>} : memref<64x128xf32, #tpu.memory_space<vmem>>, vector<64x128xf32>,
    } else {
    }
    return
  }
  func.func @transform_0(%arg0: i32) -> (i32, i32) {
    %c0_i32 = arith.constant 0 : i32
    %c0_i32_0 = arith.constant 0 : i32
    return %arg0, %c0_i32 : i32, i32
  }
  func.func @transform_1(%arg0: i32) -> (i32, i32) {
    %c0_i32 = arith.constant 0 : i32
    %c0_i32_0 = arith.constant 0 : i32
    return %arg0, %c0_i32 : i32, i32
  }
  func.func @transform_2(%arg0: i32) -> (i32, i32) {
    %c0_i32 = arith.constant 0 : i32
    %c0_i32_0 = arith.constant 0 : i32
    return %arg0, %c0_i32 : i32, i32
  }
  func.func @transform_3(%arg0: i32) -> (i32, i32) {
    %c0_i32 = arith.constant 0 : i32
    %c0_i32_0 = arith.constant 0 : i32
    return %arg0, %c0_i32 : i32, i32
  }
  func.func @transform_4(%arg0: i32) -> (i32, i32) {
    %c0_i32 = arith.constant 0 : i32
    %c0_i32_0 = arith.constant 0 : i32
    return %arg0, %c0_i32 : i32, i32
  }
  func.func @transform_5(%arg0: i32) -> (i32, i32) {
    %c0_i32 = arith.constant 0 : i32
    %c0_i32_0 = arith.constant 0 : i32
    return %arg0, %c0_i32 : i32, i32
  }
  func.func @transform_6(%arg0: i32) -> (i32, i32) {
    %c0_i32 = arith.constant 0 : i32
    %c0_i32_0 = arith.constant 0 : i32
    %c0_i32_1 = arith.constant 0 : i32
    return %c0_i32, %c0_i32_0 : i32, i32
  }
  func.func @transform_7(%arg0: i32) -> (i32, i32) {
    %c0_i32 = arith.constant 0 : i32
    %c0_i32_0 = arith.constant 0 : i32
    %c0_i32_1 = arith.constant 0 : i32
    return %c0_i32, %c0_i32_0 : i32, i32
  }
  func.func @transform_8(%arg0: i32) -> (i32, i32) {
    %c0_i32 = arith.constant 0 : i32
    %c0_i32_0 = arith.constant 0 : i32
    %c0_i32_1 = arith.constant 0 : i32
    return %c0_i32, %c0_i32_0 : i32, i32
  }
  func.func @transform_9(%arg0: i32) -> (i32, i32) {
    %c0_i32 = arith.constant 0 : i32
    %c0_i32_0 = arith.constant 0 : i32
    %c0_i32_1 = arith.constant 0 : i32
    return %c0_i32, %c0_i32_0 : i32, i32
  }
  func.func @transform_10(%arg0: i32) -> (i32, i32) {
    %c0_i32 = arith.constant 0 : i32
    %c0_i32_0 = arith.constant 0 : i32
    %c0_i32_1 = arith.constant 0 : i32
    return %c0_i32, %c0_i32_0 : i32, i32
  }
  func.func @transform_11(%arg0: i32) -> (i32, i32) {
    %c0_i32 = arith.constant 0 : i32
    %c0_i32_0 = arith.constant 0 : i32
    %c0_i32_1 = arith.constant 0 : i32
    return %c0_i32, %c0_i32_0 : i32, i32
  }
  func.func @transform_12(%arg0: i32) -> (i32, i32) {
    %c0_i32 = arith.constant 0 : i32
    %c0_i32_0 = arith.constant 0 : i32
    %c0_i32_1 = arith.constant 0 : i32
    return %c0_i32, %c0_i32_0 : i32, i32
  }
  func.func @transform_13(%arg0: i32) -> (i32, i32) {
    %c0_i32 = arith.constant 0 : i32
    %c0_i32_0 = arith.constant 0 : i32
    %c0_i32_1 = arith.constant 0 : i32
    return %c0_i32, %c0_i32_0 : i32, i32
  }
  func.func @transform_14(%arg0: i32) -> (i32, i32, i32) {
    %c0_i32 = arith.constant 0 : i32
    %c0_i32_0 = arith.constant 0 : i32
    %c0_i32_1 = arith.constant 0 : i32
    return %arg0, %c0_i32, %c0_i32_0 : i32, i32, i32
  }
  func.func @transform_15(%arg0: i32) -> (i32, i32) {
    %c0_i32 = arith.constant 0 : i32
    %c0_i32_0 = arith.constant 0 : i32
    return %arg0, %c0_i32 : i32, i32
  }
  func.func @transform_16(%arg0: i32) -> (i32, i32) {
    %c0_i32 = arith.constant 0 : i32
    %c0_i32_0 = arith.constant 0 : i32
    return %arg0, %c0_i32 : i32, i32
  }
  func.func @transform_17(%arg0: i32) -> (i32, i32) {
    %c0_i32 = arith.constant 0 : i32
    %c0_i32_0 = arith.constant 0 : i32
    %c0_i32_1 = arith.constant 0 : i32
    return %c0_i32, %c0_i32_0 : i32, i32
  }
  func.func @transform_18(%arg0: i32) -> (i32, i32) {
    %c0_i32 = arith.constant 0 : i32
    %c0_i32_0 = arith.constant 0 : i32
    %c0_i32_1 = arith.constant 0 : i32
    return %c0_i32, %c0_i32_0 : i32, i32
  }
  func.func @transform_19(%arg0: i32) -> (i32, i32) {
    %c0_i32 = arith.constant 0 : i32
    %c0_i32_0 = arith.constant 0 : i32
    %c0_i32_1 = arith.constant 0 : i32
    return %c0_i32, %c0_i32_0 : i32, i32
  }
  func.func @transform_20(%arg0: i32) -> (i32, i32) {
    %c0_i32 = arith.constant 0 : i32
    %c0_i32_0 = arith.constant 0 : i32
    %c0_i32_1 = arith.constant 0 : i32
    return %c0_i32, %c0_i32_0 : i32, i32
  }
}

module attributes {stable_mosaic.version = 14 : i64} {
  func.func @body(%arg0: memref<64x256xf32, #tpu.memory_space<vmem>>, %arg1: memref<64x128xf32, #tpu.memory_space<vmem>>, %arg2: memref<1x256xf32, #tpu.memory_space<vmem>>, %arg3: memref<1x256xf32, #tpu.memory_space<vmem>>, %arg4: memref<1x256xf32, #tpu.memory_space<vmem>>, %arg5: memref<1x256xf32, #tpu.memory_space<vmem>>, %arg6: memref<256x256xf32, #tpu.memory_space<vmem>>, %arg7: memref<1x256xf32, #tpu.memory_space<vmem>>, %arg8: memref<256x2xf32, #tpu.memory_space<vmem>>, %arg9: memref<1x2xf32, #tpu.memory_space<vmem>>, %arg10: memref<64x2xf32, #tpu.memory_space<vmem>>) attributes {dimension_semantics = [], scalar_prefetch = 0 : i64, scratch_operands = 0 : i64, tpu.core_type = #tpu.core_type<tc>} {
    %get3A = arith.constant 0 : index
    %get3A_0 = arith.constant 0 : index
    %get3A_1 = vector.load %arg2[%get3A, %get3A_0] : memref<1x256xf32, #tpu.memory_space<vmem>>, vector<1x256xf32>
    %mul3A = arith.constant 9.99999974E-5 : f32
    %mul3A_2 = vector.broadcast %mul3A : f32 to vector<1x256xf32>
    %mul3A_3 = arith.mulf %get3A_1, %mul3A_2 : vector<1x256xf32>
    %get3A_4 = arith.constant 0 : index
    %get3A_5 = arith.constant 0 : index
    %get3A_6 = vector.load %arg3[%get3A_4, %get3A_5] : memref<1x256xf32, #tpu.memory_space<vmem>>, vector<1x256xf32>
    %mul3A_7 = arith.constant 9.99999974E-5 : f32
    %mul3A_8 = vector.broadcast %mul3A_7 : f32 to vector<1x256xf32>
    %mul3A_9 = arith.mulf %get3A_6, %mul3A_8 : vector<1x256xf32>
    %mul3A_10 = arith.mulf %mul3A_3, %mul3A_3 : vector<1x256xf32>
    %sub3A = arith.subf %mul3A_9, %mul3A_10 : vector<1x256xf32>
    %get3A_11 = arith.constant 0 : index
    %get3A_12 = arith.constant 0 : index
    %get3A_13 = vector.load %arg4[%get3A_11, %get3A_12] : memref<1x256xf32, #tpu.memory_space<vmem>>, vector<1x256xf32>
    %add3A = arith.constant 9.99999974E-6 : f32
    %add3A_14 = vector.broadcast %add3A : f32 to vector<1x256xf32>
    %add3A_15 = arith.addf %sub3A, %add3A_14 : vector<1x256xf32>
    %rsqrt3A = math.rsqrt %add3A_15 : vector<1x256xf32>
    %mul3A_16 = arith.mulf %get3A_13, %rsqrt3A : vector<1x256xf32>
    %get3A_17 = arith.constant 0 : index
    %get3A_18 = arith.constant 0 : index
    %get3A_19 = vector.load %arg5[%get3A_17, %get3A_18] : memref<1x256xf32, #tpu.memory_space<vmem>>, vector<1x256xf32>
    %mul3A_20 = arith.mulf %mul3A_3, %mul3A_16 : vector<1x256xf32>
    %sub3A_21 = arith.subf %get3A_19, %mul3A_20 : vector<1x256xf32>
    %get3A_22 = arith.constant 0 : index
    %get3A_23 = arith.constant 0 : index
    %get3A_24 = vector.load %arg0[%get3A_22, %get3A_23] : memref<64x256xf32, #tpu.memory_space<vmem>>, vector<64x256xf32>
    %mul3A_25 = vector.broadcast %mul3A_16 : vector<1x256xf32> to vector<64x256xf32>
    %mul3A_26 = arith.mulf %mul3A_25, %get3A_24 : vector<64x256xf32>
    %get3A_27 = arith.constant 0 : index
    %get3A_28 = arith.constant 0 : index
    %get3A_29 = vector.load %arg1[%get3A_27, %get3A_28] : memref<64x128xf32, #tpu.memory_space<vmem>>, vector<64x128xf32>
    %slice3A = vector.extract_strided_slice %get3A_29 {offsets = [0, 0], sizes = [64, 1], strides = [1, 1]} : vector<64x128xf32> to vector<64x1xf32>
    %mul3A_30 = vector.broadcast %sub3A_21 : vector<1x256xf32> to vector<64x256xf32>
    %mul3A_31 = vector.broadcast %slice3A : vector<64x1xf32> to vector<64x256xf32>
    %mul3A_32 = arith.mulf %mul3A_30, %mul3A_31 : vector<64x256xf32>
    %add3A_33 = arith.addf %mul3A_26, %mul3A_32 : vector<64x256xf32>
    %get3A_34 = arith.constant 0 : index
    %get3A_35 = arith.constant 0 : index
    %get3A_36 = vector.load %arg6[%get3A_34, %get3A_35] : memref<256x256xf32, #tpu.memory_space<vmem>>, vector<256x256xf32>
    %dot_general3A = arith.constant dense<0.000000e+00> : vector<64x256xf32>
    %dot_general3A_37 = tpu.matmul %add3A_33, %get3A_36, %dot_general3A {dimension_numbers = #tpu.dot_dimension_numbers<[1], [0], [0], [1], [0, 0, 1, 1], [], []>, transpose_lhs_hint = false} : vector<64x256xf32>, vector<256x256xf32>, vector<64x256xf32> -> vector<64x256xf32>
    %get3A_38 = arith.constant 0 : index
    %get3A_39 = arith.constant 0 : index
    %get3A_40 = vector.load %arg7[%get3A_38, %get3A_39] : memref<1x256xf32, #tpu.memory_space<vmem>>, vector<1x256xf32>
    %add3A_41 = vector.broadcast %get3A_40 : vector<1x256xf32> to vector<64x256xf32>
    %add3A_42 = arith.addf %dot_general3A_37, %add3A_41 : vector<64x256xf32>
    %max3A = arith.constant 0.000000e+00 : f32
    %max3A_43 = vector.broadcast %max3A : f32 to vector<64x256xf32>
    %max3A_44 = arith.maximumf %add3A_42, %max3A_43 : vector<64x256xf32>
    %get3A_45 = arith.constant 0 : index
    %get3A_46 = arith.constant 0 : index
    %get3A_47 = vector.load %arg8[%get3A_45, %get3A_46] : memref<256x2xf32, #tpu.memory_space<vmem>>, vector<256x2xf32>
    %dot_general3A_48 = arith.constant dense<0.000000e+00> : vector<64x2xf32>
    %dot_general3A_49 = tpu.matmul %max3A_44, %get3A_47, %dot_general3A_48 {dimension_numbers = #tpu.dot_dimension_numbers<[1], [0], [0], [1], [0, 0, 1, 1], [], []>, transpose_lhs_hint = false} : vector<64x256xf32>, vector<256x2xf32>, vector<64x2xf32> -> vector<64x2xf32>
    %get3A_50 = arith.constant 0 : index
    %get3A_51 = arith.constant 0 : index
    %get3A_52 = vector.load %arg9[%get3A_50, %get3A_51] : memref<1x2xf32, #tpu.memory_space<vmem>>, vector<1x2xf32>
    %add3A_53 = vector.broadcast %get3A_52 : vector<1x2xf32> to vector<64x2xf32>
    %add3A_54 = arith.addf %dot_general3A_49, %add3A_53 : vector<64x2xf32>
    %reduce_max3A = arith.constant dense<0xFF800000> : vector<64xf32>
    %reduce_max3A_55 = vector.multi_reduction <maximumf>, %add3A_54, %reduce_max3A [1] : vector<64x2xf32> to vector<64xf32>
    %broadcast_in_dim3A = vector.shape_cast %reduce_max3A_55 : vector<64xf32> to vector<64x1xf32>
    %sub3A_56 = vector.broadcast %broadcast_in_dim3A : vector<64x1xf32> to vector<64x2xf32>
    %sub3A_57 = arith.subf %add3A_54, %sub3A_56 : vector<64x2xf32>
    %exp3A = math.exp %sub3A_57 : vector<64x2xf32>
    %reduce_sum3A = arith.constant dense<0.000000e+00> : vector<64xf32>
    %reduce_sum3A_58 = vector.multi_reduction <add>, %exp3A, %reduce_sum3A [1] : vector<64x2xf32> to vector<64xf32>
    %broadcast_in_dim3A_59 = vector.shape_cast %reduce_sum3A_58 : vector<64xf32> to vector<64x1xf32>
    %log3A = math.log %broadcast_in_dim3A_59 : vector<64x1xf32>
    %sub3A_60 = vector.broadcast %log3A : vector<64x1xf32> to vector<64x2xf32>
    %sub3A_61 = arith.subf %sub3A_57, %sub3A_60 : vector<64x2xf32>
    %swap3A = arith.constant 0 : index
    %swap3A_62 = arith.constant 0 : index
    %swap3A_63 = vector.load %arg10[%swap3A, %swap3A_62] : memref<64x2xf32, #tpu.memory_space<vmem>>, vector<64x2xf32>
    tpu.vector_store %arg10[%swap3A, %swap3A_62], %sub3A_61 {strides = array<i32>} : memref<64x2xf32, #tpu.memory_space<vmem>>, vector<64x2xf32>,
    return
  }
}

</mosaic_0001>

<sc_bundles>
// kernel: kernel.10.cloned.1.call-start
scs
__scs_entry_jumppad:
0x0: {  	(pc) =	sbr.rel $0x88, $3  }
0x1: {  	(tag) =	ssettag $0x0;
	lr =	simm.s32 $0x1  }
0x2: {  	[smem:$0x3F88] =	sst lr;
	_ =	strace $0xD0000000  }
0x3: {  	_ = 	snop  }
0x4: {  	_ = 	snop  }
0x5: {  	_ = 	snop  }
0x6: {  	_ = 	snop  }
0x7: {  	_ = 	snop  }
__scs_overlays_trampoline_lowered:
0x8: {  	[smem:$0x3F97] =	sst s0  }
0x9: {  	[smem:$0x3F98] =	sst s1  }
0xa: {  	[smem:$0x3F99] =	sst s2  }
0xb: {  	[smem:$0x3F9A] =	sst s3  }
0xc: {  	[smem:$0x3F9B] =	sst s4  }
0xd: {  	[smem:$0x3F9C] =	sst s5  }
0xe: {  	[smem:$0x3F9D] =	sst s6  }
0xf: {  	[smem:$0x3F9E] =	sst s7  }
0x10: {  	[smem:$0x3F9F] =	sst s8  }
0x11: {  	[smem:$0x3FA0] =	sst s9;
	s0 =	simm.s32 @!p0 $0x0  }
0x12: {  	s1 =	sld [smem:$0x3F86];
	s0 =	simm.s32 @p0 $0x1  }
0x13: {  	[smem:$0x3FA1] =	sst s0;
	s0 =	simm.s32 @!p1 $0x0  }
0x14: {  	s2 =	sld [smem:$0x3F85];
	s0 =	simm.s32 @p1 $0x1  }
0x15: {  	[smem:$0x3FA2] =	sst s0;
	s0 =	simm.s32 @!p2 $0x0  }
0x16: {  	s3 =	sld [smem:$0x3FDB];
	s0 =	simm.s32 @p2 $0x1  }
0x17: {  	s4 =	simm.s32 $0x1BF5;
	[smem:$0x3FA4] =	sst s0  }
0x18: {  	s0 =	sld [smem:$0x3F87];
	_ =	swait.ge [sflag:s4], $0x0  }
0x19: {  	s7 =	sld [smem:$0x3F88]  }
0x1a: {  	s8 =	sadd.s32 $0xFFFFE003, lr  }
0x1b: {  	s9 =	sadd.s32 $0xFFFFFEF7, lr;
	s5 =	simm.s32 $0xFFFFFFFF;
	p2 =	slt.u32 s8, $0xFFFFF086  }
0x1c: {  	p1 =	slt.u32 s9, $0xF7A;
	s5 =	simm.s32 @!p2 $0x0  }
0x1d: {  	s5 =	simm.s32 @p1 $0x1;
	p0 =	seq.s32 s7, s2  }
0x1e: {  	s7 =	smul.u32 @!p0 $0xF7A, s2;
	p2 =	seq.s32 @!p0 s5, $0x0  }
0x1f: {  	s9 =	smul.u32 $0xF7A, s1;
	s8 =	simm.s32 @!p0 $0x1BF5;
	p2 =	por !p2, p0  }
0x20: {  	[sflag:s8] =	ssyncset.s32 @!p0 $0xFFFFF086;
	s6 =	sadd.s32 @!p0 s3, s7;
	s7 =	simm.s32 @!p0 $0x108  }
0x21: {  	s3 =	sadd.s32 s3, s9;
	s6 =	sadd.s32 @!p0 $0x88, s6;
	s7 =	simm.s32 @p2 $0x1082  }
0x22: {  	[simem:s7], [sflag:s8] =	dma.local @!p0 [hbm:s6], $0xF7A  }
0x23: {  	s9 =	sor.u32 $0xD0000000, s2;
	s6 =	simm.s32 $0x108;
	_ =	swait.ge @!p0 [sflag:s8], $0x0  }
0x24: {  	s3 =	sadd.s32 $0x88, s3;
	s6 =	simm.s32 @!p1 $0x1082;
	[sflag:s4] =	ssyncset.s32 $0xFFFFF086  }
0x25: {  	[simem:s6], [sflag:s4] =	dma.local [hbm:s3], $0xF7A  }
0x26: {  	[smem:$0x3F88] =	sst s1;
	(tag) =	ssettag s2;
	_ =	strace s9  }
0x27: {  	s1 =	sld [smem:$0x3F98]  }
0x28: {  	s2 =	sld [smem:$0x3F99]  }
0x29: {  	s4 =	sld [smem:$0x3F9B]  }
0x2a: {  	p0 =	seq.s32 s5, $0x0;
	s5 =	sld [smem:$0x3F9C]  }
0x2b: {  	s6 =	sld [smem:$0x3F9D]  }
0x2c: {  	s7 =	sld [smem:$0x3F9E]  }
0x2d: {  	s3 =	simm.s32 $0x108;
	s8 =	sld [smem:$0x3F9F]  }
0x2e: {  	s3 =	simm.s32 @!p0 $0x1082;
	s9 =	sld [smem:$0x3FA0]  }
0x2f: {  	lr =	sadd.s32 s0, s3;
	s0 =	sld [smem:$0x3F97]  }
0x30: {  	s3 =	sld [smem:$0x3F9A]  }
0x31: {  	[smem:$0x3FA3] =	sst s10  }
0x32: {  	s10 =	sld [smem:$0x3FA1];
	_ =	sdelay $0x3  }
0x33: {  	p0 =	seq.s32 s10, $0x1;
	s10 =	sld [smem:$0x3FA3];
	_ =	sdelay $0x3  }
0x34: {  	[smem:$0x3FA3] =	sst s10  }
0x35: {  	s10 =	sld [smem:$0x3FA2];
	_ =	sdelay $0x3  }
0x36: {  	p1 =	seq.s32 s10, $0x1;
	s10 =	sld [smem:$0x3FA3];
	_ =	sdelay $0x3  }
0x37: {  	[smem:$0x3FA3] =	sst s10  }
0x38: {  	s10 =	sld [smem:$0x3FA4]  }
0x39: {  	_ = 	snop;
	(pc) =	sbr.ind lr, $3  }
0x3a: {  	_ = 	snop  }
0x3b: {  	_ = 	snop  }
0x3c: {  	p2 =	seq.s32 s10, $0x1;
	s10 =	sld [smem:$0x3FA3]  }
0x3d: {  	_ =	shalt  }
0x3e: {  	_ =	shalt  }
0x3f: {  	_ =	shalt  }
0x40: {  	_ =	shalt  }
0x41: {  	_ =	shalt  }
0x42: {  	_ =	shalt  }
0x43: {  	_ =	shalt  }
0x44: {  	_ =	shalt  }
0x45: {  	_ =	shalt  }
0x46: {  	_ =	shalt  }
0x47: {  	_ =	shalt  }
0x48: {  	_ =	shalt  }
0x49: {  	_ =	shalt  }
0x4a: {  	_ =	shalt  }
0x4b: {  	_ =	shalt  }
0x4c: {  	_ =	shalt  }
0x4d: {  	_ =	shalt  }
0x4e: {  	_ =	shalt  }
0x4f: {  	_ =	shalt  }
0x50: {  	_ =	shalt  }
0x51: {  	_ =	shalt  }
0x52: {  	_ =	shalt  }
0x53: {  	_ =	shalt  }
0x54: {  	_ =	shalt  }
0x55: {  	_ =	shalt  }
0x56: {  	_ =	shalt  }
0x57: {  	_ =	shalt  }
0x58: {  	_ =	shalt  }
0x59: {  	_ =	shalt  }
0x5a: {  	_ =	shalt  }
0x5b: {  	_ =	shalt  }
0x5c: {  	_ =	shalt  }
0x5d: {  	_ =	shalt  }
0x5e: {  	_ =	shalt  }
0x5f: {  	_ =	shalt  }
0x60: {  	_ =	shalt  }
0x61: {  	_ =	shalt  }
0x62: {  	_ =	shalt  }
0x63: {  	_ =	shalt  }
0x64: {  	_ =	shalt  }
0x65: {  	_ =	shalt  }
0x66: {  	_ =	shalt  }
0x67: {  	_ =	shalt  }
0x68: {  	_ =	shalt  }
0x69: {  	_ =	shalt  }
0x6a: {  	_ =	shalt  }
0x6b: {  	_ =	shalt  }
0x6c: {  	_ =	shalt  }
0x6d: {  	_ =	shalt  }
0x6e: {  	_ =	shalt  }
0x6f: {  	_ =	shalt  }
0x70: {  	_ =	shalt  }
0x71: {  	_ =	shalt  }
0x72: {  	_ =	shalt  }
0x73: {  	_ =	shalt  }
0x74: {  	_ =	shalt  }
0x75: {  	_ =	shalt  }
0x76: {  	_ =	shalt  }
0x77: {  	_ =	shalt  }
0x78: {  	_ =	shalt  }
0x79: {  	_ =	shalt  }
0x7a: {  	_ =	shalt  }
0x7b: {  	_ =	shalt  }
0x7c: {  	_ =	shalt  }
0x7d: {  	_ =	shalt  }
0x7e: {  	_ =	shalt  }
0x7f: {  	_ =	shalt  }
0x80: {  	_ =	shalt  }
0x81: {  	_ =	shalt  }
0x82: {  	_ =	shalt  }
0x83: {  	_ =	shalt  }
0x84: {  	_ =	shalt  }
0x85: {  	_ =	shalt  }
0x86: {  	_ =	shalt  }
0x87: {  	_ =	shalt  }
.Lfunc_end0:
.L_simem_size_0:
called_computation_lowered:
.L_overlay_start_0:
0x88: {  	s2 =	sld [smem:$0x3FD9]  }
0x89: {  	s3 =	sld [smem:$0x3FFE];
	_ =	sdelay $0x1  }
0x8a: {  	s1 =	srdreg.scid  }
0x8b: {  	s0 =	sand.u32 $0x1, s1  }
0x8c: {  	s17 =	sshll.u32 s0, $0xA;
	s2 =	sadd.s32 s3, s2  }
0x8d: {  	s2 =	sadd.s32 s2, s17  }
0x8e: {  	[smem:$0x3FAF] =	sst s2  }
0x8f: {  	_ = 	snop  }
0x90: {  	(tm) =	ssettm $0x1  }
0x91: {  	s18 =	sld [smem:$0x3FFB];
	_ =	sdelay $0x3  }
0x92: {  	_ =	strace s18  }
0x93: {  	s2 =	sld [smem:$0x3FFC];
	_ =	sdelay $0x3  }
0x94: {  	_ =	strace s2  }
0x95: {  	s2 =	sld [smem:$0x3FFD];
	_ =	sdelay $0x3  }
0x96: {  	_ =	strace s2  }
0x97: {  	_ =	strace $0x8FFFFFFF  }
0x98: {  	s19 =	sld [smem:$0x3FDB];
	_ =	sdelay $0x1  }
0x99: {  	s20 =	simm.s32 $_scs_section_size  }
0x9a: {  	s4 =	simm.s32 $_size__tile_overlayer_lowered;
	s5 =	simm.s32 $_tile_overlayer_lowered  }
0x9b: {  	s6 =	simm.s32 $0x1BFF;
	s21 =	sshll.u32 s5, $0x1;
	s3 =	sadd.s32 s20, s19  }
0x9c: {  	s22 =	simm.s32 $0x0;
	s4 =	sshll.u32 s4, $0x1;
	s5 =	sadd.s32 s21, s3  }
0x9d: {  	[timem:s22], [sflag:s6] =	dma.local [hbm:s5], s4  }
0x9e: {  	_ =	swait.ge [sflag:s6], s4  }
0x9f: {  	s4 =	ssub.s32 $0x0, s4;
	[sflag:s6] =	ssyncset.done $0x0  }
0xa0: {  	[sflag:s6] =	ssyncadd.s32 s4;
	_ =	sdelay $0x1  }
0xa1: {  	s23 =	simm.s32 $0x1B8B  }
0xa2: {  	_ =	swait.ge [sflag:s23], $0x1  }
0xa3: {  	[sflag:s23] =	ssyncset.done $0x0  }
0xa4: {  	[sflag:s23] =	ssyncadd.s32 $0xFFFFFFFF  }
0xa5: {  	s4 =	sld [smem:$0x0]  }
0xa6: {  	s5 =	sand.u32 $0xFFFFFFFE, s1  }
0xa7: {  	p0 =	sne.s32 s1, s5  }
0xa8: {  	s5 =	sshll.u32 @p0 s5, $0xE  }
0xa9: {  	s5 =	sadd.s32 @p0 $0x11B8D, s5;
	s6 =	sshll.u32 @p0 s4, $0x11  }
0xaa: {  	s5 =	sor.u32 @p0 s6, s5  }
0xab: {  	[sflag:s5] =	ssyncadd.remote.s32 @p0 $0x1;
	_ =	sdelay $0x1  }
0xac: {  	s5 =	simm.s32 @p0 $0x1B8D  }
0xad: {  	_ =	swait.eq @p0 [sflag:s5], $0x1  }
0xae: {  	[sflag:s5] =	ssyncadd.s32 @p0 $0xFFFFFFFF  }
0xaf: {  	s6 =	sshll.u32 @!p0 s1, $0xE  }
0xb0: {  	s6 =	sor.u32 @!p0 $0x4000, s6;
	s5 =	simm.s32 @!p0 $0x1B8D  }
0xb1: {  	s4 =	sshll.u32 @!p0 s4, $0x11;
	s6 =	sadd.s32 @!p0 $0x11B8D, s6;
	_ =	swait.eq @!p0 [sflag:s5], $0x1  }
0xb2: {  	s4 =	sor.u32 @!p0 s4, s6;
	[sflag:s5] =	ssyncadd.s32 @!p0 $0xFFFFFFFF  }
0xb3: {  	s25 =	simm.s32 $0x1B8E;
	s24 =	sld [smem:$0x3FFE];
	[sflag:s4] =	ssyncadd.remote.s32 @!p0 $0x1  }
0xb4: {  	s26 =	simm.s32 $execute0_lowered;
	[smem:$0x3FD2] =	sst s25  }
0xb5: {  	s5 =	sshll.u32 s26, $0x1;
	_ =	strace $0x80000049;
	[dreg:$0x1] =	wrdreg $0xFFFFFFFF  }
0xb6: {  	s28 =	simm.s32 $_size_execute0_lowered;
	s3 =	sadd.s32 s3, s5;
	[dreg:$0x0] =	wrdreg $0x0  }
0xb7: {  	s5 =	sshll.u32 s28, $0x1;
	[dreg:$0x2] =	wrdreg s3  }
0xb8: {  	[dreg:$0x3] =	wrdreg s5  }
0xb9: {  	[dreg:$0x4] =	wrdreg $0xC0  }
0xba: {  	_ =	task [dreg:s22], $0x5FFFF  }
0xbb: {  	[dreg:$0x1] =	wrdreg $0xFFFFFFFF  }
0xbc: {  	[dreg:$0x0] =	wrdreg $0x60  }
0xbd: {  	[dreg:$0x2] =	wrdreg s24  }
0xbe: {  	[dreg:$0x3] =	wrdreg $0x54000  }
0xbf: {  	[dreg:$0x4] =	wrdreg $0x9  }
0xc0: {  	_ =	task.clear_ibuf [dreg:s22], $0x5FFFF;
	_ =	strace $0x90000049  }
0xc1: {  	s29 =	simm.s32 $0x9;
	_ =	strace $0x8000004B  }
0xc2: {  	_ =	swait.ge [sflag:s29], $0x1  }
0xc3: {  	[sflag:s29] =	ssyncadd.s32 $0xFFFFFFFF  }
0xc4: {  	_ =	strace $0x9000004B  }
0xc5: {  	_ =	sfence  }
0xc6: {  	s30 =	sld [smem:$0x0];
	_ =	sdelay $0x2  }
0xc7: {  	s31 =	sshll.u32 s1, $0xD;
	s1 =	sshrl.u32 s1, $0x2  }
0xc8: {  	s4 =	sand.u32 $0x4000, s31;
	s1 =	sadd.s32 s1, s30  }
0xc9: {  	s0 =	sor.u32 s4, s0;
	s1 =	sshll.u32 s1, $0x11  }
0xca: {  	s0 =	sor.u32 s1, s0  }
0xcb: {  	s0 =	sadd.s32 $0x8F2B, s0  }
0xcc: {  	[sflag:s0] =	ssyncadd.remote.s32 $0x1  }
0xcd: {  	_ =	sfence.sel $0xFFFF  }
0xce: {  	[dreg:$0x0] =	wrdreg $0xFFFFFFFF;
	(pc) =	sbr.abs _section_cstart, $3  }
0xcf: {  	[dreg:$0x1] =	wrdreg $0xFFFFFFFF  }
0xd0: {  	_ =	task.clear_ibuf [dreg:s22], $0x2FFFF;
	_ =	strace $0x9FFFFFFF  }
0xd1: {  	(tm) =	ssettm $0x7FFFFFFF  }
tec
execute0_lowered:
.L_overlay_start_1:
0x0: {  	(tag) =	ssettag $0x1  }
0x1: {  	s7 =	rddreg [dreg:$0x0]  }
0x2: {  	s0 =	srdreg.scid;
	s2 =	rddreg [dreg:$0x1]  }
0x3: {  	s3 =	simm.s32 $0x0;
	s14 =	simm.s32 $0x1;
	s16 =	simm.s32 $0x1400  }
0x4: {  	s17 =	simm.s32 $0x80;
	s19 =	simm.s32 $0x0;
	s10 =	sand.u32 $0x1, s0  }
0x5: {  	s0 =	stileid.u32;
	[smem:$0x7FF] =	sst s3;
	s5 =	sadd.s32 $0xBAE00, s7  }
0x6: {  	s6 =	sadd.s32 $0xBB600, s7;
	s18 =	sadd.s32 $0x138000, s2;
	s1 =	sshll.u32 s10, $0x4  }
0x7: {  	s8 =	ssub.s32 $0x2, s10;
	s11 =	smul.u32 $0x4E000, s0;
	s30 =	sshll.u32 s0, $0x6  }
0x8: {  	s31 =	smul.u32 $0x2700, s0;
	p0 =	seq.s32 s10, $0x1;
	p1 =	sne.s32 s0, $0xF  }
0x9: {  	p2 =	seq.s32 s0, $0xF;
	s4 =	sor.u32 s0, s1;
	s1 =	rddreg [dreg:$0x2]  }
0xa: {  	_ =	strace $0x8000004A;
	s12 =	sshrl.u32 s8, $0x1;
	s4 =	smul.u32 $0x280, s4  }
.Ltmp0:
0xb: {  	s15 =	sshrl.u32 @!p1 s18, $0x3;
	s18 =	sshrl.u32 s18, $0x3;
	(pc) =	sbr.rel .LBB2_1-.Ltmp0, $4  }
0xc: {  	s12 =	ssub.s32 s8, s12;
	s29 =	sshrl.u32 s11, $0x2;
	s8 =	sor.u32 $0x1C01, s30  }
0xd: {  	s10 =	sadd.s32 s6, s31;
	s13 =	sadd.s32 s29, s2;
	s12 =	smax.u32 s12, $0x1  }
0xe: {  	s9 =	sadd.s32 s4, s7;
	s4 =	sadd.s32 $0x65200, s7;
	s7 =	sadd.s32 $0xE2800, s7  }
0xf: {  	s13 =	sshrl.u32 s13, $0x3;
	s9 =	sadd.s32 $0xB5E00, s9;
	s11 =	sadd.s32 s7, s31  }
.LBB2_6:
0x10: {  	s20 =	sadd.s32 $0x27000, s20  }
0x11: {  	[hbm:s20], [sflag:s8] =	dma.local [spmem:s18], $0x100  }
0x12: {  	_ =	swait.ge [sflag:s14], $0x100  }
0x13: {  	[sflag:s14] =	ssyncset.done $0x0  }
0x14: {  	[sflag:s14] =	ssyncadd.s32 $0xFFFFFF00  }
.LBB2_7:
0x15: {  	s19 =	sadd.s32 $0x1, s19  }
0x16: {  	p3 =	sne.s32 s19, s12  }
.Ltmp1:
0x17: {  	_ = 	snop;
	(pc) =	sbr.rel @!p3 .LBB2_8-.Ltmp1, $1  }
0x18: {  	_ =	sdelay $0x3  }
.LBB2_1:
0x19: {  	[spmem:s13], [sflag:s8] =	dma.local [hbm:s4], $0x2700  }
0x1a: {  	_ =	swait.ge [sflag:s14], $0x2700  }
0x1b: {  	[sflag:s14] =	ssyncset.done $0x0  }
0x1c: {  	s20 =	simm.s32 @!p1 $0x1;
	[sflag:s14] =	ssyncadd.s32 $0xFFFFD900  }
0x1d: {  	[spmem:s15], [sflag:s8] =	dma.local @!p1 [hbm:s4], $0x100  }
0x1e: {  	_ =	swait.ge @!p1 [sflag:s20], $0x100  }
0x1f: {  	[sflag:s20] =	ssyncset.done @!p1 $0x0  }
0x20: {  	[sflag:s20] =	ssyncadd.s32 @!p1 $0xFFFFFF00  }
0x21: {  	[tilespmem:s16], [sflag:$0x1] =	stream.linear.gather [hbm4b:s5+s3], $0x4000, $0x38;
	[tilespmem:$0x18CC0] =	vst v63  }
0x22: {  	_ =	swait.ge [sflag:s14], $0x4000  }
0x23: {  	[sflag:s14] =	ssyncset.done $0x0  }
0x24: {  	[sflag:s14] =	ssyncadd.s32 $0xFFFFC000  }
0x25: {  	[tilespmem:s3], [sflag:$0x1] =	stream.linear.gather [hbm4b:s9+s3], $0x1400, $0x38;
	[tilespmem:$0x18CC0] =	vst v63  }
0x26: {  	_ =	swait.ge [sflag:s14], $0x1400  }
0x27: {  	[sflag:s14] =	ssyncset.done $0x0  }
0x28: {  	[sflag:s14] =	ssyncadd.s32 $0xFFFFEC00  }
0x29: {  	s31 =	simm.s32 $0x0;
	[bflag:$0x0] =	sbarrier.arrive $0xFFFF  }
0x2a: {  	[spmem:s2] =	stream.indirect.scatter.add.f32 [tilespmem:s16], [sflag:$0x1], $0x80, s31, s17, $0xb8;
	[tilespmem:$0x18CC0] =	vst v63  }
0x2b: {  	_ =	swait.ge [sflag:s14], $0x4000  }
0x2c: {  	s20 =	simm.s32 $0x200;
	[sflag:s14] =	ssyncset.done $0x0  }
.LBB2_2:
0x2d: {  	s21 =	sshra.s32 s20, $0x2;
	[sflag:s14] =	ssyncadd.s32 $0xFFFFC000;
	p3 =	sne.s32 s20, $0x4E00  }
0x2e: {  	[spmem:s2] =	stream.indirect.scatter.add.f32 [tilespmem:s16], [sflag:$0x1], $0x80, s21, s17, $0xb8;
	[tilespmem:$0x18CC0] =	vst v63  }
.Ltmp2:
0x2f: {  	_ = 	snop;
	(pc) =	sbr.rel @p3 .LBB2_2-.Ltmp2, $4  }
0x30: {  	_ = 	snop  }
0x31: {  	s20 =	sadd.s32 $0x200, s20  }
0x32: {  	_ =	swait.ge [sflag:s14], $0x4000  }
0x33: {  	[sflag:s14] =	ssyncset.done $0x0  }
.Ltmp3:
0x34: {  	(pc) =	sbr.rel @!p0 .LBB2_4-.Ltmp3, $3  }
0x35: {  	_ = 	snop  }
0x36: {  	[sflag:s14] =	ssyncadd.s32 $0xFFFFC000  }
0x37: {  	[bflag:$0x0] =	sbarrier.arrive $0xFFFF;
	_ =	sdelay $0x1  }
0x38: {  	[hbm:s11], [sflag:s8] =	dma.local [spmem:s13], $0x2700  }
.Ltmp4:
0x39: {  	_ = 	snop;
	(pc) =	sbr.rel @p1 .LBB2_7-.Ltmp4, $4  }
.Ltmp5:
0x3a: {  	_ = 	snop;
	(pc) =	sbr.rel @!p1 .LBB2_6-.Ltmp5, $4  }
0x3b: {  	_ =	swait.ge [sflag:s14], $0x2700  }
0x3c: {  	[sflag:s14] =	ssyncset.done $0x0  }
0x3d: {  	s20 =	smov.u32 s7;
	[sflag:s14] =	ssyncadd.s32 $0xFFFFD900  }
0x3e: {  	_ = 	snop  }
.LBB2_4:
0x3f: {  	[hbm:s10], [sflag:s8] =	dma.local [spmem:s13], $0x2700  }
.Ltmp6:
0x40: {  	_ = 	snop;
	(pc) =	sbr.rel @p2 .LBB2_6-.Ltmp6, $4  }
.Ltmp7:
0x41: {  	_ = 	snop;
	(pc) =	sbr.rel @!p2 .LBB2_7-.Ltmp7, $4  }
0x42: {  	_ =	swait.ge [sflag:s14], $0x2700  }
0x43: {  	[sflag:s14] =	ssyncset.done $0x0  }
0x44: {  	s20 =	smov.u32 s6;
	[sflag:s14] =	ssyncadd.s32 $0xFFFFD900  }
0x45: {  	_ = 	snop  }
.LBB2_8:
0x46: {  	_ =	sfence.sel $0x180000  }
0x47: {  	[bflag:$0x0] =	sbarrier.arrive $0xFFFF  }
0x48: {  	p0 =	sne.s32 s0, $0x0;
	_ =	strace $0x9000004A  }
0x49: {  	s0 =	sadd.s32 @!p0 $0x100000, s1;
	[bflag:$0x2] =	sbarrier.arrive $0xFFFF  }
0x4a: {  	[sflag:s0] =	ssyncadd.tile.s32 @!p0 $0x1;
	_ =	shalt  }
.Lfunc_end2:
_tile_overlayer_lowered:
.L_overlay_start_2:
0x4b: {  	(tag) =	ssettag $0x2  }
0x4c: {  	s0 =	rddreg [dreg:$0x0];
	s2 =	stileid.u32  }
0x4d: {  	s1 =	rddreg [dreg:$0x1];
	p0 =	sne.s32 s2, $0x0  }
0x4e: {  	s3 =	rddreg [dreg:$0x2];
	[bflag:$0x3] =	sbarrier.arrive $0xFFFF;
	s2 =	simm.s32 @!p0 $0x1C01  }
0x4f: {  	[timem:s3], [sflag:s2] =	dma.local @!p0 [hbm:s0], s1  }
0x50: {  	s0 =	simm.s32 @!p0 $0x1  }
0x51: {  	_ =	swait.ge @!p0 [sflag:s0], s1  }
0x52: {  	s1 =	ssub.s32 @!p0 $0x0, s1;
	[sflag:s0] =	ssyncset.done @!p0 $0x0  }
0x53: {  	[sflag:s0] =	ssyncadd.s32 @!p0 s1  }
0x54: {  	[bflag:$0x3] =	sbarrier.arrive $0xFFFF  }
0x55: {  	_ =	shalt  }

// kernel: kernel.13.cloned.1.call-start
scs
__scs_entry_jumppad:
0x0: {  	(pc) =	sbr.rel $0x88, $3  }
0x1: {  	(tag) =	ssettag $0x0;
	lr =	simm.s32 $0x1  }
0x2: {  	[smem:$0x3F88] =	sst lr;
	_ =	strace $0xD0000000  }
0x3: {  	_ = 	snop  }
0x4: {  	_ = 	snop  }
0x5: {  	_ = 	snop  }
0x6: {  	_ = 	snop  }
0x7: {  	_ = 	snop  }
__scs_overlays_trampoline_lowered:
0x8: {  	[smem:$0x3F97] =	sst s0  }
0x9: {  	[smem:$0x3F98] =	sst s1  }
0xa: {  	[smem:$0x3F99] =	sst s2  }
0xb: {  	[smem:$0x3F9A] =	sst s3  }
0xc: {  	[smem:$0x3F9B] =	sst s4  }
0xd: {  	[smem:$0x3F9C] =	sst s5  }
0xe: {  	[smem:$0x3F9D] =	sst s6  }
0xf: {  	[smem:$0x3F9E] =	sst s7  }
0x10: {  	[smem:$0x3F9F] =	sst s8  }
0x11: {  	[smem:$0x3FA0] =	sst s9;
	s0 =	simm.s32 @!p0 $0x0  }
0x12: {  	s1 =	sld [smem:$0x3F86];
	s0 =	simm.s32 @p0 $0x1  }
0x13: {  	[smem:$0x3FA1] =	sst s0;
	s0 =	simm.s32 @!p1 $0x0  }
0x14: {  	s2 =	sld [smem:$0x3F85];
	s0 =	simm.s32 @p1 $0x1  }
0x15: {  	[smem:$0x3FA2] =	sst s0;
	s0 =	simm.s32 @!p2 $0x0  }
0x16: {  	s3 =	sld [smem:$0x3FDB];
	s0 =	simm.s32 @p2 $0x1  }
0x17: {  	s4 =	simm.s32 $0x1BF5;
	[smem:$0x3FA4] =	sst s0  }
0x18: {  	s0 =	sld [smem:$0x3F87];
	_ =	swait.ge [sflag:s4], $0x0  }
0x19: {  	s7 =	sld [smem:$0x3F88]  }
0x1a: {  	s8 =	sadd.s32 $0xFFFFE003, lr  }
0x1b: {  	s9 =	sadd.s32 $0xFFFFFEF7, lr;
	s5 =	simm.s32 $0xFFFFFFFF;
	p2 =	slt.u32 s8, $0xFFFFF086  }
0x1c: {  	p1 =	slt.u32 s9, $0xF7A;
	s5 =	simm.s32 @!p2 $0x0  }
0x1d: {  	s5 =	simm.s32 @p1 $0x1;
	p0 =	seq.s32 s7, s2  }
0x1e: {  	s7 =	smul.u32 @!p0 $0xF7A, s2;
	p2 =	seq.s32 @!p0 s5, $0x0  }
0x1f: {  	s9 =	smul.u32 $0xF7A, s1;
	s8 =	simm.s32 @!p0 $0x1BF5;
	p2 =	por !p2, p0  }
0x20: {  	[sflag:s8] =	ssyncset.s32 @!p0 $0xFFFFF086;
	s6 =	sadd.s32 @!p0 s3, s7;
	s7 =	simm.s32 @!p0 $0x108  }
0x21: {  	s3 =	sadd.s32 s3, s9;
	s6 =	sadd.s32 @!p0 $0x88, s6;
	s7 =	simm.s32 @p2 $0x1082  }
0x22: {  	[simem:s7], [sflag:s8] =	dma.local @!p0 [hbm:s6], $0xF7A  }
0x23: {  	s9 =	sor.u32 $0xD0000000, s2;
	s6 =	simm.s32 $0x108;
	_ =	swait.ge @!p0 [sflag:s8], $0x0  }
0x24: {  	s3 =	sadd.s32 $0x88, s3;
	s6 =	simm.s32 @!p1 $0x1082;
	[sflag:s4] =	ssyncset.s32 $0xFFFFF086  }
0x25: {  	[simem:s6], [sflag:s4] =	dma.local [hbm:s3], $0xF7A  }
0x26: {  	[smem:$0x3F88] =	sst s1;
	(tag) =	ssettag s2;
	_ =	strace s9  }
0x27: {  	s1 =	sld [smem:$0x3F98]  }
0x28: {  	s2 =	sld [smem:$0x3F99]  }
0x29: {  	s4 =	sld [smem:$0x3F9B]  }
0x2a: {  	p0 =	seq.s32 s5, $0x0;
	s5 =	sld [smem:$0x3F9C]  }
0x2b: {  	s6 =	sld [smem:$0x3F9D]  }
0x2c: {  	s7 =	sld [smem:$0x3F9E]  }
0x2d: {  	s3 =	simm.s32 $0x108;
	s8 =	sld [smem:$0x3F9F]  }
0x2e: {  	s3 =	simm.s32 @!p0 $0x1082;
	s9 =	sld [smem:$0x3FA0]  }
0x2f: {  	lr =	sadd.s32 s0, s3;
	s0 =	sld [smem:$0x3F97]  }
0x30: {  	s3 =	sld [smem:$0x3F9A]  }
0x31: {  	[smem:$0x3FA3] =	sst s10  }
0x32: {  	s10 =	sld [smem:$0x3FA1];
	_ =	sdelay $0x3  }
0x33: {  	p0 =	seq.s32 s10, $0x1;
	s10 =	sld [smem:$0x3FA3];
	_ =	sdelay $0x3  }
0x34: {  	[smem:$0x3FA3] =	sst s10  }
0x35: {  	s10 =	sld [smem:$0x3FA2];
	_ =	sdelay $0x3  }
0x36: {  	p1 =	seq.s32 s10, $0x1;
	s10 =	sld [smem:$0x3FA3];
	_ =	sdelay $0x3  }
0x37: {  	[smem:$0x3FA3] =	sst s10  }
0x38: {  	s10 =	sld [smem:$0x3FA4]  }
0x39: {  	_ = 	snop;
	(pc) =	sbr.ind lr, $3  }
0x3a: {  	_ = 	snop  }
0x3b: {  	_ = 	snop  }
0x3c: {  	p2 =	seq.s32 s10, $0x1;
	s10 =	sld [smem:$0x3FA3]  }
0x3d: {  	_ =	shalt  }
0x3e: {  	_ =	shalt  }
0x3f: {  	_ =	shalt  }
0x40: {  	_ =	shalt  }
0x41: {  	_ =	shalt  }
0x42: {  	_ =	shalt  }
0x43: {  	_ =	shalt  }
0x44: {  	_ =	shalt  }
0x45: {  	_ =	shalt  }
0x46: {  	_ =	shalt  }
0x47: {  	_ =	shalt  }
0x48: {  	_ =	shalt  }
0x49: {  	_ =	shalt  }
0x4a: {  	_ =	shalt  }
0x4b: {  	_ =	shalt  }
0x4c: {  	_ =	shalt  }
0x4d: {  	_ =	shalt  }
0x4e: {  	_ =	shalt  }
0x4f: {  	_ =	shalt  }
0x50: {  	_ =	shalt  }
0x51: {  	_ =	shalt  }
0x52: {  	_ =	shalt  }
0x53: {  	_ =	shalt  }
0x54: {  	_ =	shalt  }
0x55: {  	_ =	shalt  }
0x56: {  	_ =	shalt  }
0x57: {  	_ =	shalt  }
0x58: {  	_ =	shalt  }
0x59: {  	_ =	shalt  }
0x5a: {  	_ =	shalt  }
0x5b: {  	_ =	shalt  }
0x5c: {  	_ =	shalt  }
0x5d: {  	_ =	shalt  }
0x5e: {  	_ =	shalt  }
0x5f: {  	_ =	shalt  }
0x60: {  	_ =	shalt  }
0x61: {  	_ =	shalt  }
0x62: {  	_ =	shalt  }
0x63: {  	_ =	shalt  }
0x64: {  	_ =	shalt  }
0x65: {  	_ =	shalt  }
0x66: {  	_ =	shalt  }
0x67: {  	_ =	shalt  }
0x68: {  	_ =	shalt  }
0x69: {  	_ =	shalt  }
0x6a: {  	_ =	shalt  }
0x6b: {  	_ =	shalt  }
0x6c: {  	_ =	shalt  }
0x6d: {  	_ =	shalt  }
0x6e: {  	_ =	shalt  }
0x6f: {  	_ =	shalt  }
0x70: {  	_ =	shalt  }
0x71: {  	_ =	shalt  }
0x72: {  	_ =	shalt  }
0x73: {  	_ =	shalt  }
0x74: {  	_ =	shalt  }
0x75: {  	_ =	shalt  }
0x76: {  	_ =	shalt  }
0x77: {  	_ =	shalt  }
0x78: {  	_ =	shalt  }
0x79: {  	_ =	shalt  }
0x7a: {  	_ =	shalt  }
0x7b: {  	_ =	shalt  }
0x7c: {  	_ =	shalt  }
0x7d: {  	_ =	shalt  }
0x7e: {  	_ =	shalt  }
0x7f: {  	_ =	shalt  }
0x80: {  	_ =	shalt  }
0x81: {  	_ =	shalt  }
0x82: {  	_ =	shalt  }
0x83: {  	_ =	shalt  }
0x84: {  	_ =	shalt  }
0x85: {  	_ =	shalt  }
0x86: {  	_ =	shalt  }
0x87: {  	_ =	shalt  }
.Lfunc_end0:
.L_simem_size_0:
called_computation.1_lowered:
.L_overlay_start_0:
0x88: {  	s2 =	sld [smem:$0x3FD9]  }
0x89: {  	s3 =	sld [smem:$0x3FFE];
	_ =	sdelay $0x1  }
0x8a: {  	s1 =	srdreg.scid  }
0x8b: {  	s0 =	sand.u32 $0x1, s1  }
0x8c: {  	s16 =	sshll.u32 s0, $0xA;
	s2 =	sadd.s32 s3, s2  }
0x8d: {  	s2 =	sadd.s32 s2, s16  }
0x8e: {  	[smem:$0x3FAF] =	sst s2  }
0x8f: {  	_ = 	snop  }
0x90: {  	(tm) =	ssettm $0x1  }
0x91: {  	s17 =	sld [smem:$0x3FFB];
	_ =	sdelay $0x3  }
0x92: {  	_ =	strace s17  }
0x93: {  	s2 =	sld [smem:$0x3FFC];
	_ =	sdelay $0x3  }
0x94: {  	_ =	strace s2  }
0x95: {  	s2 =	sld [smem:$0x3FFD];
	_ =	sdelay $0x3  }
0x96: {  	_ =	strace s2  }
0x97: {  	_ =	strace $0x8FFFFFFF  }
0x98: {  	s18 =	sld [smem:$0x3FDB];
	_ =	sdelay $0x1  }
0x99: {  	s19 =	simm.s32 $_scs_section_size  }
0x9a: {  	s4 =	simm.s32 $_size__tile_overlayer_lowered;
	s5 =	simm.s32 $_tile_overlayer_lowered  }
0x9b: {  	s22 =	simm.s32 $0x1BFF;
	s21 =	sshll.u32 s5, $0x1;
	s2 =	sadd.s32 s19, s18  }
0x9c: {  	s6 =	simm.s32 $0x0;
	s20 =	sshll.u32 s4, $0x1;
	s4 =	sadd.s32 s21, s2  }
0x9d: {  	[timem:s6], [sflag:s22] =	dma.local [hbm:s4], s20  }
0x9e: {  	_ =	swait.ge [sflag:s22], s20  }
0x9f: {  	s3 =	ssub.s32 $0x0, s20;
	[sflag:s22] =	ssyncset.done $0x0  }
0xa0: {  	[sflag:s22] =	ssyncadd.s32 s3;
	_ =	sdelay $0x1  }
0xa1: {  	s23 =	simm.s32 $0x1B8B  }
0xa2: {  	_ =	swait.ge [sflag:s23], $0x1  }
0xa3: {  	[sflag:s23] =	ssyncset.done $0x0  }
0xa4: {  	s25 =	simm.s32 $0x1B8E;
	s24 =	sld [smem:$0x3FFE];
	[sflag:s23] =	ssyncadd.s32 $0xFFFFFFFF  }
0xa5: {  	s26 =	simm.s32 $execute0_lowered;
	[smem:$0x3FD2] =	sst s25  }
0xa6: {  	s4 =	sshll.u32 s26, $0x1;
	_ =	strace $0x80000046;
	[dreg:$0x1] =	wrdreg $0xFFFFFFFF  }
0xa7: {  	s28 =	simm.s32 $_size_execute0_lowered;
	s2 =	sadd.s32 s2, s4;
	[dreg:$0x0] =	wrdreg $0x0  }
0xa8: {  	s4 =	sshll.u32 s28, $0x1;
	[dreg:$0x2] =	wrdreg s2  }
0xa9: {  	[dreg:$0x3] =	wrdreg s4  }
0xaa: {  	[dreg:$0x4] =	wrdreg $0xC0  }
0xab: {  	_ =	task [dreg:s6], $0x5FFFF  }
0xac: {  	[dreg:$0x1] =	wrdreg $0xFFFFFFFF  }
0xad: {  	[dreg:$0x0] =	wrdreg $0x60  }
0xae: {  	[dreg:$0x2] =	wrdreg s24  }
0xaf: {  	[dreg:$0x3] =	wrdreg $0xA8000  }
0xb0: {  	[dreg:$0x4] =	wrdreg $0xA  }
0xb1: {  	_ =	task.clear_ibuf [dreg:s6], $0x5FFFF;
	_ =	strace $0x90000046  }
0xb2: {  	s29 =	simm.s32 $0xA;
	_ =	strace $0x80000048  }
0xb3: {  	_ =	swait.ge [sflag:s29], $0x1  }
0xb4: {  	[sflag:s29] =	ssyncadd.s32 $0xFFFFFFFF  }
0xb5: {  	_ =	strace $0x90000048  }
0xb6: {  	_ =	sfence  }
0xb7: {  	s30 =	sld [smem:$0x0];
	_ =	sdelay $0x2  }
0xb8: {  	s31 =	sshll.u32 s1, $0xD;
	s1 =	sshrl.u32 s1, $0x2  }
0xb9: {  	s3 =	sand.u32 $0x4000, s31;
	s1 =	sadd.s32 s1, s30  }
0xba: {  	s0 =	sor.u32 s3, s0;
	s1 =	sshll.u32 s1, $0x11  }
0xbb: {  	s0 =	sor.u32 s1, s0  }
0xbc: {  	s0 =	sadd.s32 $0x8F2B, s0  }
0xbd: {  	[sflag:s0] =	ssyncadd.remote.s32 $0x1  }
0xbe: {  	_ =	sfence.sel $0xFFFF  }
0xbf: {  	[dreg:$0x0] =	wrdreg $0xFFFFFFFF;
	(pc) =	sbr.abs _section_cstart, $3  }
0xc0: {  	[dreg:$0x1] =	wrdreg $0xFFFFFFFF  }
0xc1: {  	_ =	task.clear_ibuf [dreg:s6], $0x2FFFF;
	_ =	strace $0x9FFFFFFF  }
0xc2: {  	(tm) =	ssettm $0x7FFFFFFF  }
0xc3: {  	_ =	shalt  }
tec
execute0_lowered:
.L_overlay_start_1:
0x0: {  	(tag) =	ssettag $0x1  }
0x1: {  	s8 =	rddreg [dreg:$0x0]  }
0x2: {  	s1 =	rddreg [dreg:$0x1]  }
0x3: {  	s0 =	rddreg [dreg:$0x2];
	s3 =	simm.s32 $0x0;
	s2 =	stileid.u32  }
0x4: {  	s7 =	srdreg.scid;
	s16 =	simm.s32 $0x2;
	s19 =	simm.s32 $0x50  }
0x5: {  	s20 =	simm.s32 $0x8000;
	s21 =	simm.s32 $0x1;
	s23 =	simm.s32 $0x0  }
0x6: {  	[smem:$0x7FF] =	sst s3;
	s4 =	sadd.s32 $0x16E00, s8;
	s6 =	sshll.u32 s2, $0xB  }
0x7: {  	s5 =	sadd.s32 $0x3E000, s8;
	s18 =	sand.u32 $0x1, s7;
	s10 =	smul.u32 $0x4E000, s2  }
0x8: {  	s7 =	sadd.s32 $0x67A00, s8;
	s31 =	sshll.u32 s2, $0x6;
	s13 =	smul.u32 $0x2700, s2  }
0x9: {  	s22 =	sadd.s32 $0x138000, s1;
	p0 =	sne.s32 s2, $0xF;
	p2 =	seq.s32 s2, $0xF  }
0xa: {  	_ =	strace $0x80000047;
	s11 =	sadd.s32 s6, s8;
	s6 =	sadd.s32 $0x65200, s8  }
0xb: {  	s9 =	ssub.s32 $0x2, s18;
	s8 =	sadd.s32 $0x8EC00, s8;
	s17 =	sshrl.u32 @!p0 s22, $0x3  }
.Ltmp0:
0xc: {  	p1 =	sne.s32 s18, $0x0;
	s18 =	simm.s32 $0x4000;
	(pc) =	sbr.rel .LBB2_1-.Ltmp0, $4  }
0xd: {  	s22 =	sshrl.u32 s22, $0x3;
	s12 =	sshrl.u32 s9, $0x1;
	s30 =	sshrl.u32 s10, $0x2  }
0xe: {  	s10 =	sadd.s32 $0xEE00, s11;
	s11 =	sadd.s32 $0x6E00, s11;
	s14 =	ssub.s32 s9, s12  }
0xf: {  	s15 =	sadd.s32 s30, s1;
	s9 =	sor.u32 $0x1C02, s31;
	s12 =	sadd.s32 s8, s13  }
0x10: {  	s13 =	sadd.s32 s7, s13;
	s14 =	smax.u32 s14, $0x1;
	s15 =	sshrl.u32 s15, $0x3  }
.LBB2_8:
0x11: {  	s24 =	sadd.s32 $0x27000, s24  }
0x12: {  	[hbm:s24], [sflag:s9] =	dma.local [spmem:s22], $0x100  }
0x13: {  	_ =	swait.ge [sflag:s16], $0x100  }
0x14: {  	[sflag:s16] =	ssyncset.done $0x0  }
0x15: {  	[sflag:s16] =	ssyncadd.s32 $0xFFFFFF00  }
.LBB2_9:
0x16: {  	s23 =	sadd.s32 $0x1, s23  }
0x17: {  	p3 =	sne.s32 s23, s14  }
.Ltmp1:
0x18: {  	_ = 	snop;
	(pc) =	sbr.rel @!p3 .LBB2_10-.Ltmp1, $1  }
0x19: {  	_ =	sdelay $0x3  }
.LBB2_1:
0x1a: {  	[spmem:s15], [sflag:s9] =	dma.local [hbm:s6], $0x2700  }
0x1b: {  	_ =	swait.ge [sflag:s16], $0x2700  }
0x1c: {  	[sflag:s16] =	ssyncset.done $0x0  }
0x1d: {  	s24 =	simm.s32 @!p0 $0x2;
	[sflag:s16] =	ssyncadd.s32 $0xFFFFD900  }
0x1e: {  	[spmem:s17], [sflag:s9] =	dma.local @!p0 [hbm:s6], $0x100  }
0x1f: {  	_ =	swait.ge @!p0 [sflag:s24], $0x100  }
0x20: {  	[sflag:s24] =	ssyncset.done @!p0 $0x0  }
0x21: {  	[sflag:s24] =	ssyncadd.s32 @!p0 $0xFFFFFF00  }
0x22: {  	[tilespmem:s3], [sflag:$0x2] =	stream.linear.gather [hbm4b:s10+s3], $0x3E80, $0x38;
	[tilespmem:$0x1E080] =	vst v63  }
0x23: {  	_ =	swait.ge [sflag:s16], $0x3E80  }
0x24: {  	[sflag:s16] =	ssyncset.done $0x0  }
0x25: {  	[sflag:s16] =	ssyncadd.s32 $0xFFFFC180  }
0x26: {  	[tilespmem:s18], [sflag:$0x2] =	stream.linear.gather [hbm4b:s11+s3], $0x3E80, $0x38;
	[tilespmem:$0x1E080] =	vst v63  }
.Ltmp2:
0x27: {  	_ =	swait.ge [sflag:s16], $0x3E80;
	(pc) =	sbr.rel @p1 .LBB2_5-.Ltmp2, $4  }
0x28: {  	[sflag:s16] =	ssyncset.done $0x0  }
0x29: {  	[sflag:s16] =	ssyncadd.s32 $0xFFFFC180  }
0x2a: {  	[bflag:$0x0] =	sbarrier.arrive $0xFFFF  }
0x2b: {  	s24 =	simm.s32 $0x0  }
0x2c: {  	[tilespmem:s20], [sflag:$0x1] =	stream.indirect.gather [hbm4b:s4+s19], $0x80, s24, s19, $0xb8;
	[tilespmem:$0x1E080] =	vst v63  }
0x2d: {  	_ =	swait.ge [sflag:s21], $0x2800  }
0x2e: {  	[sflag:s21] =	ssyncset.done $0x0  }
0x2f: {  	s31 =	simm.s32 $0x4000;
	[sflag:s21] =	ssyncadd.s32 $0xFFFFD800  }
0x30: {  	[spmem:s1] =	stream.indirect.scatter.add.f32 [tilespmem:s20], [sflag:$0x2], $0x80, s31, s19, $0xb8;
	[tilespmem:$0x1E080] =	vst v63  }
0x31: {  	_ =	swait.ge [sflag:s16], $0x2800  }
0x32: {  	s24 =	simm.s32 $0x200;
	s25 =	simm.s32 $0x400;
	[sflag:s16] =	ssyncset.done $0x0  }
.LBB2_3:
0x33: {  	s26 =	sshra.s32 s24, $0x2  }
0x34: {  	[sflag:s16] =	ssyncadd.s32 $0xFFFFD800;
	s24 =	smov.u32 s25;
	s28 =	sadd.s32 $0x200, s25  }
0x35: {  	[tilespmem:s20], [sflag:$0x1] =	stream.indirect.gather [hbm4b:s4+s19], $0x80, s26, s19, $0xb8;
	[tilespmem:$0x1E080] =	vst v63  }
0x36: {  	p3 =	sne.s32 s25, $0xF800;
	_ =	swait.ge [sflag:s21], $0x2800  }
.Ltmp3:
0x37: {  	[sflag:s21] =	ssyncset.done $0x0;
	(pc) =	sbr.rel @p3 .LBB2_3-.Ltmp3, $4  }
0x38: {  	s25 =	sadd.s32 $0x4000, s26;
	[sflag:s21] =	ssyncadd.s32 $0xFFFFD800  }
0x39: {  	[spmem:s1] =	stream.indirect.scatter.add.f32 [tilespmem:s20], [sflag:$0x2], $0x80, s25, s19, $0xb8;
	[tilespmem:$0x1E080] =	vst v63  }
0x3a: {  	_ =	swait.ge [sflag:s16], $0x2800  }
0x3b: {  	s25 =	smov.u32 s28;
	[sflag:s16] =	ssyncset.done $0x0  }
0x3c: {  	s24 =	sshra.s32 s24, $0x2;
	[sflag:s16] =	ssyncadd.s32 $0xFFFFD800  }
0x3d: {  	[tilespmem:s20], [sflag:$0x1] =	stream.indirect.gather [hbm4b:s4+s19], $0x80, s24, s19, $0xb8;
	[tilespmem:$0x1E080] =	vst v63  }
0x3e: {  	_ =	swait.ge [sflag:s21], $0x2800  }
0x3f: {  	[sflag:s21] =	ssyncset.done $0x0  }
0x40: {  	s24 =	sadd.s32 $0x4000, s24;
	[sflag:s21] =	ssyncadd.s32 $0xFFFFD800  }
0x41: {  	[spmem:s1] =	stream.indirect.scatter.add.f32 [tilespmem:s20], [sflag:$0x2], $0x80, s24, s19, $0xb8;
	[tilespmem:$0x1E080] =	vst v63  }
0x42: {  	_ =	swait.ge [sflag:s16], $0x2800  }
0x43: {  	[sflag:s16] =	ssyncset.done $0x0  }
0x44: {  	[sflag:s16] =	ssyncadd.s32 $0xFFFFD800  }
0x45: {  	[bflag:$0x0] =	sbarrier.arrive $0xFFFF  }
0x46: {  	[hbm:s13], [sflag:s9] =	dma.local [spmem:s15], $0x2700  }
.Ltmp4:
0x47: {  	_ = 	snop;
	(pc) =	sbr.rel @p2 .LBB2_8-.Ltmp4, $4  }
.Ltmp5:
0x48: {  	_ = 	snop;
	(pc) =	sbr.rel @!p2 .LBB2_9-.Ltmp5, $4  }
0x49: {  	_ =	swait.ge [sflag:s16], $0x2700  }
0x4a: {  	[sflag:s16] =	ssyncset.done $0x0  }
0x4b: {  	s24 =	smov.u32 s7;
	[sflag:s16] =	ssyncadd.s32 $0xFFFFD900  }
0x4c: {  	_ = 	snop  }
.LBB2_5:
0x4d: {  	[tilespmem:s20], [sflag:$0x1] =	stream.indirect.gather [hbm4b:s5+s19], $0x80, s24, s19, $0xb8;
	[tilespmem:$0x1E080] =	vst v63  }
0x4e: {  	_ =	swait.ge [sflag:s21], $0x2800  }
0x4f: {  	[sflag:s21] =	ssyncset.done $0x0  }
0x50: {  	s31 =	simm.s32 $0x4000;
	[sflag:s21] =	ssyncadd.s32 $0xFFFFD800  }
0x51: {  	[spmem:s1] =	stream.indirect.scatter.add.f32 [tilespmem:s20], [sflag:$0x2], $0x80, s31, s19, $0xb8;
	[tilespmem:$0x1E080] =	vst v63  }
0x52: {  	_ =	swait.ge [sflag:s16], $0x2800  }
0x53: {  	s24 =	simm.s32 $0x200;
	s25 =	simm.s32 $0x400;
	[sflag:s16] =	ssyncset.done $0x0  }
.LBB2_6:
0x54: {  	s26 =	sshra.s32 s24, $0x2  }
0x55: {  	[sflag:s16] =	ssyncadd.s32 $0xFFFFD800;
	s24 =	smov.u32 s25;
	s28 =	sadd.s32 $0x200, s25  }
0x56: {  	[tilespmem:s20], [sflag:$0x1] =	stream.indirect.gather [hbm4b:s5+s19], $0x80, s26, s19, $0xb8;
	[tilespmem:$0x1E080] =	vst v63  }
0x57: {  	p3 =	sne.s32 s25, $0xF800;
	_ =	swait.ge [sflag:s21], $0x2800  }
.Ltmp6:
0x58: {  	[sflag:s21] =	ssyncset.done $0x0;
	(pc) =	sbr.rel @p3 .LBB2_6-.Ltmp6, $4  }
0x59: {  	s25 =	sadd.s32 $0x4000, s26;
	[sflag:s21] =	ssyncadd.s32 $0xFFFFD800  }
0x5a: {  	[spmem:s1] =	stream.indirect.scatter.add.f32 [tilespmem:s20], [sflag:$0x2], $0x80, s25, s19, $0xb8;
	[tilespmem:$0x1E080] =	vst v63  }
0x5b: {  	_ =	swait.ge [sflag:s16], $0x2800  }
0x5c: {  	s25 =	smov.u32 s28;
	[sflag:s16] =	ssyncset.done $0x0  }
0x5d: {  	s24 =	sshra.s32 s24, $0x2;
	[sflag:s16] =	ssyncadd.s32 $0xFFFFD800  }
0x5e: {  	[tilespmem:s20], [sflag:$0x1] =	stream.indirect.gather [hbm4b:s5+s19], $0x80, s24, s19, $0xb8;
	[tilespmem:$0x1E080] =	vst v63  }
0x5f: {  	_ =	swait.ge [sflag:s21], $0x2800  }
0x60: {  	[sflag:s21] =	ssyncset.done $0x0  }
0x61: {  	s24 =	sadd.s32 $0x4000, s24;
	[sflag:s21] =	ssyncadd.s32 $0xFFFFD800  }
0x62: {  	[spmem:s1] =	stream.indirect.scatter.add.f32 [tilespmem:s20], [sflag:$0x2], $0x80, s24, s19, $0xb8;
	[tilespmem:$0x1E080] =	vst v63  }
0x63: {  	_ =	swait.ge [sflag:s16], $0x2800  }
0x64: {  	[sflag:s16] =	ssyncset.done $0x0  }
0x65: {  	[sflag:s16] =	ssyncadd.s32 $0xFFFFD800  }
0x66: {  	[bflag:$0x0] =	sbarrier.arrive $0xFFFF  }
0x67: {  	[hbm:s12], [sflag:s9] =	dma.local [spmem:s15], $0x2700  }
.Ltmp7:
0x68: {  	_ = 	snop;
	(pc) =	sbr.rel @p0 .LBB2_9-.Ltmp7, $4  }
.Ltmp8:
0x69: {  	_ = 	snop;
	(pc) =	sbr.rel @!p0 .LBB2_8-.Ltmp8, $4  }
0x6a: {  	_ =	swait.ge [sflag:s16], $0x2700  }
0x6b: {  	[sflag:s16] =	ssyncset.done $0x0  }
0x6c: {  	s24 =	smov.u32 s8;
	[sflag:s16] =	ssyncadd.s32 $0xFFFFD900  }
0x6d: {  	_ = 	snop  }
.LBB2_10:
0x6e: {  	_ =	sfence.sel $0x180000  }
0x6f: {  	[bflag:$0x0] =	sbarrier.arrive $0xFFFF  }
0x70: {  	p0 =	sne.s32 s2, $0x0;
	_ =	strace $0x90000047  }
0x71: {  	s0 =	sadd.s32 @!p0 $0x100000, s0;
	[bflag:$0x2] =	sbarrier.arrive $0xFFFF  }
0x72: {  	[sflag:s0] =	ssyncadd.tile.s32 @!p0 $0x1;
	_ =	shalt  }
.Lfunc_end2:
_tile_overlayer_lowered:
.L_overlay_start_2:
0x73: {  	(tag) =	ssettag $0x2  }
0x74: {  	s0 =	rddreg [dreg:$0x0];
	s2 =	stileid.u32  }
0x75: {  	s1 =	rddreg [dreg:$0x1];
	p0 =	sne.s32 s2, $0x0  }
0x76: {  	s3 =	rddreg [dreg:$0x2];
	[bflag:$0x3] =	sbarrier.arrive $0xFFFF;
	s2 =	simm.s32 @!p0 $0x1C02  }
0x77: {  	[timem:s3], [sflag:s2] =	dma.local @!p0 [hbm:s0], s1  }
0x78: {  	s0 =	simm.s32 @!p0 $0x2  }
0x79: {  	_ =	swait.ge @!p0 [sflag:s0], s1  }
0x7a: {  	s1 =	ssub.s32 @!p0 $0x0, s1;
	[sflag:s0] =	ssyncset.done @!p0 $0x0  }
0x7b: {  	[sflag:s0] =	ssyncadd.s32 @!p0 s1  }
0x7c: {  	[bflag:$0x3] =	sbarrier.arrive $0xFFFF  }
0x7d: {  	_ =	shalt  }

// kernel: kernel.16.cloned.1.call-start
scs
__scs_entry_jumppad:
0x0: {  	(pc) =	sbr.rel $0x88, $3  }
0x1: {  	(tag) =	ssettag $0x0;
	lr =	simm.s32 $0x1  }
0x2: {  	[smem:$0x3F88] =	sst lr;
	_ =	strace $0xD0000000  }
0x3: {  	_ = 	snop  }
0x4: {  	_ = 	snop  }
0x5: {  	_ = 	snop  }
0x6: {  	_ = 	snop  }
0x7: {  	_ = 	snop  }
__scs_overlays_trampoline_lowered:
0x8: {  	[smem:$0x3F97] =	sst s0  }
0x9: {  	[smem:$0x3F98] =	sst s1  }
0xa: {  	[smem:$0x3F99] =	sst s2  }
0xb: {  	[smem:$0x3F9A] =	sst s3  }
0xc: {  	[smem:$0x3F9B] =	sst s4  }
0xd: {  	[smem:$0x3F9C] =	sst s5  }
0xe: {  	[smem:$0x3F9D] =	sst s6  }
0xf: {  	[smem:$0x3F9E] =	sst s7  }
0x10: {  	[smem:$0x3F9F] =	sst s8  }
0x11: {  	[smem:$0x3FA0] =	sst s9;
	s0 =	simm.s32 @!p0 $0x0  }
0x12: {  	s1 =	sld [smem:$0x3F86];
	s0 =	simm.s32 @p0 $0x1  }
0x13: {  	[smem:$0x3FA1] =	sst s0;
	s0 =	simm.s32 @!p1 $0x0  }
0x14: {  	s2 =	sld [smem:$0x3F85];
	s0 =	simm.s32 @p1 $0x1  }
0x15: {  	[smem:$0x3FA2] =	sst s0;
	s0 =	simm.s32 @!p2 $0x0  }
0x16: {  	s3 =	sld [smem:$0x3FDB];
	s0 =	simm.s32 @p2 $0x1  }
0x17: {  	s4 =	simm.s32 $0x1BF5;
	[smem:$0x3FA4] =	sst s0  }
0x18: {  	s0 =	sld [smem:$0x3F87];
	_ =	swait.ge [sflag:s4], $0x0  }
0x19: {  	s7 =	sld [smem:$0x3F88]  }
0x1a: {  	s8 =	sadd.s32 $0xFFFFE003, lr  }
0x1b: {  	s9 =	sadd.s32 $0xFFFFFEF7, lr;
	s5 =	simm.s32 $0xFFFFFFFF;
	p2 =	slt.u32 s8, $0xFFFFF086  }
0x1c: {  	p1 =	slt.u32 s9, $0xF7A;
	s5 =	simm.s32 @!p2 $0x0  }
0x1d: {  	s5 =	simm.s32 @p1 $0x1;
	p0 =	seq.s32 s7, s2  }
0x1e: {  	s7 =	smul.u32 @!p0 $0xF7A, s2;
	p2 =	seq.s32 @!p0 s5, $0x0  }
0x1f: {  	s9 =	smul.u32 $0xF7A, s1;
	s8 =	simm.s32 @!p0 $0x1BF5;
	p2 =	por !p2, p0  }
0x20: {  	[sflag:s8] =	ssyncset.s32 @!p0 $0xFFFFF086;
	s6 =	sadd.s32 @!p0 s3, s7;
	s7 =	simm.s32 @!p0 $0x108  }
0x21: {  	s3 =	sadd.s32 s3, s9;
	s6 =	sadd.s32 @!p0 $0x88, s6;
	s7 =	simm.s32 @p2 $0x1082  }
0x22: {  	[simem:s7], [sflag:s8] =	dma.local @!p0 [hbm:s6], $0xF7A  }
0x23: {  	s9 =	sor.u32 $0xD0000000, s2;
	s6 =	simm.s32 $0x108;
	_ =	swait.ge @!p0 [sflag:s8], $0x0  }
0x24: {  	s3 =	sadd.s32 $0x88, s3;
	s6 =	simm.s32 @!p1 $0x1082;
	[sflag:s4] =	ssyncset.s32 $0xFFFFF086  }
0x25: {  	[simem:s6], [sflag:s4] =	dma.local [hbm:s3], $0xF7A  }
0x26: {  	[smem:$0x3F88] =	sst s1;
	(tag) =	ssettag s2;
	_ =	strace s9  }
0x27: {  	s1 =	sld [smem:$0x3F98]  }
0x28: {  	s2 =	sld [smem:$0x3F99]  }
0x29: {  	s4 =	sld [smem:$0x3F9B]  }
0x2a: {  	p0 =	seq.s32 s5, $0x0;
	s5 =	sld [smem:$0x3F9C]  }
0x2b: {  	s6 =	sld [smem:$0x3F9D]  }
0x2c: {  	s7 =	sld [smem:$0x3F9E]  }
0x2d: {  	s3 =	simm.s32 $0x108;
	s8 =	sld [smem:$0x3F9F]  }
0x2e: {  	s3 =	simm.s32 @!p0 $0x1082;
	s9 =	sld [smem:$0x3FA0]  }
0x2f: {  	lr =	sadd.s32 s0, s3;
	s0 =	sld [smem:$0x3F97]  }
0x30: {  	s3 =	sld [smem:$0x3F9A]  }
0x31: {  	[smem:$0x3FA3] =	sst s10  }
0x32: {  	s10 =	sld [smem:$0x3FA1];
	_ =	sdelay $0x3  }
0x33: {  	p0 =	seq.s32 s10, $0x1;
	s10 =	sld [smem:$0x3FA3];
	_ =	sdelay $0x3  }
0x34: {  	[smem:$0x3FA3] =	sst s10  }
0x35: {  	s10 =	sld [smem:$0x3FA2];
	_ =	sdelay $0x3  }
0x36: {  	p1 =	seq.s32 s10, $0x1;
	s10 =	sld [smem:$0x3FA3];
	_ =	sdelay $0x3  }
0x37: {  	[smem:$0x3FA3] =	sst s10  }
0x38: {  	s10 =	sld [smem:$0x3FA4]  }
0x39: {  	_ = 	snop;
	(pc) =	sbr.ind lr, $3  }
0x3a: {  	_ = 	snop  }
0x3b: {  	_ = 	snop  }
0x3c: {  	p2 =	seq.s32 s10, $0x1;
	s10 =	sld [smem:$0x3FA3]  }
0x3d: {  	_ =	shalt  }
0x3e: {  	_ =	shalt  }
0x3f: {  	_ =	shalt  }
0x40: {  	_ =	shalt  }
0x41: {  	_ =	shalt  }
0x42: {  	_ =	shalt  }
0x43: {  	_ =	shalt  }
0x44: {  	_ =	shalt  }
0x45: {  	_ =	shalt  }
0x46: {  	_ =	shalt  }
0x47: {  	_ =	shalt  }
0x48: {  	_ =	shalt  }
0x49: {  	_ =	shalt  }
0x4a: {  	_ =	shalt  }
0x4b: {  	_ =	shalt  }
0x4c: {  	_ =	shalt  }
0x4d: {  	_ =	shalt  }
0x4e: {  	_ =	shalt  }
0x4f: {  	_ =	shalt  }
0x50: {  	_ =	shalt  }
0x51: {  	_ =	shalt  }
0x52: {  	_ =	shalt  }
0x53: {  	_ =	shalt  }
0x54: {  	_ =	shalt  }
0x55: {  	_ =	shalt  }
0x56: {  	_ =	shalt  }
0x57: {  	_ =	shalt  }
0x58: {  	_ =	shalt  }
0x59: {  	_ =	shalt  }
0x5a: {  	_ =	shalt  }
0x5b: {  	_ =	shalt  }
0x5c: {  	_ =	shalt  }
0x5d: {  	_ =	shalt  }
0x5e: {  	_ =	shalt  }
0x5f: {  	_ =	shalt  }
0x60: {  	_ =	shalt  }
0x61: {  	_ =	shalt  }
0x62: {  	_ =	shalt  }
0x63: {  	_ =	shalt  }
0x64: {  	_ =	shalt  }
0x65: {  	_ =	shalt  }
0x66: {  	_ =	shalt  }
0x67: {  	_ =	shalt  }
0x68: {  	_ =	shalt  }
0x69: {  	_ =	shalt  }
0x6a: {  	_ =	shalt  }
0x6b: {  	_ =	shalt  }
0x6c: {  	_ =	shalt  }
0x6d: {  	_ =	shalt  }
0x6e: {  	_ =	shalt  }
0x6f: {  	_ =	shalt  }
0x70: {  	_ =	shalt  }
0x71: {  	_ =	shalt  }
0x72: {  	_ =	shalt  }
0x73: {  	_ =	shalt  }
0x74: {  	_ =	shalt  }
0x75: {  	_ =	shalt  }
0x76: {  	_ =	shalt  }
0x77: {  	_ =	shalt  }
0x78: {  	_ =	shalt  }
0x79: {  	_ =	shalt  }
0x7a: {  	_ =	shalt  }
0x7b: {  	_ =	shalt  }
0x7c: {  	_ =	shalt  }
0x7d: {  	_ =	shalt  }
0x7e: {  	_ =	shalt  }
0x7f: {  	_ =	shalt  }
0x80: {  	_ =	shalt  }
0x81: {  	_ =	shalt  }
0x82: {  	_ =	shalt  }
0x83: {  	_ =	shalt  }
0x84: {  	_ =	shalt  }
0x85: {  	_ =	shalt  }
0x86: {  	_ =	shalt  }
0x87: {  	_ =	shalt  }
.Lfunc_end0:
.L_simem_size_0:
called_computation.2_lowered:
.L_overlay_start_0:
0x88: {  	s2 =	sld [smem:$0x3FD9]  }
0x89: {  	s3 =	sld [smem:$0x3FFE];
	_ =	sdelay $0x1  }
0x8a: {  	s1 =	srdreg.scid  }
0x8b: {  	s0 =	sand.u32 $0x1, s1  }
0x8c: {  	s17 =	sshll.u32 s0, $0xA;
	s2 =	sadd.s32 s3, s2  }
0x8d: {  	s2 =	sadd.s32 s2, s17  }
0x8e: {  	[smem:$0x3FAF] =	sst s2  }
0x8f: {  	_ = 	snop  }
0x90: {  	(tm) =	ssettm $0x1  }
0x91: {  	s18 =	sld [smem:$0x3FFB];
	_ =	sdelay $0x3  }
0x92: {  	_ =	strace s18  }
0x93: {  	s2 =	sld [smem:$0x3FFC];
	_ =	sdelay $0x3  }
0x94: {  	_ =	strace s2  }
0x95: {  	s2 =	sld [smem:$0x3FFD];
	_ =	sdelay $0x3  }
0x96: {  	_ =	strace s2  }
0x97: {  	_ =	strace $0x8FFFFFFF  }
0x98: {  	s19 =	sld [smem:$0x3FDB];
	_ =	sdelay $0x1  }
0x99: {  	s20 =	simm.s32 $_scs_section_size  }
0x9a: {  	s4 =	simm.s32 $_size__tile_overlayer_lowered;
	s5 =	simm.s32 $_tile_overlayer_lowered  }
0x9b: {  	s6 =	simm.s32 $0x1BFF;
	s21 =	sshll.u32 s5, $0x1;
	s3 =	sadd.s32 s20, s19  }
0x9c: {  	s22 =	simm.s32 $0x0;
	s4 =	sshll.u32 s4, $0x1;
	s5 =	sadd.s32 s21, s3  }
0x9d: {  	[timem:s22], [sflag:s6] =	dma.local [hbm:s5], s4  }
0x9e: {  	_ =	swait.ge [sflag:s6], s4  }
0x9f: {  	s4 =	ssub.s32 $0x0, s4;
	[sflag:s6] =	ssyncset.done $0x0  }
0xa0: {  	[sflag:s6] =	ssyncadd.s32 s4;
	_ =	sdelay $0x1  }
0xa1: {  	s23 =	simm.s32 $0x1B8B  }
0xa2: {  	_ =	swait.ge [sflag:s23], $0x1  }
0xa3: {  	[sflag:s23] =	ssyncset.done $0x0  }
0xa4: {  	[sflag:s23] =	ssyncadd.s32 $0xFFFFFFFF  }
0xa5: {  	s4 =	sld [smem:$0x0]  }
0xa6: {  	s5 =	sand.u32 $0xFFFFFFFE, s1  }
0xa7: {  	p0 =	sne.s32 s1, s5  }
0xa8: {  	s5 =	sshll.u32 @p0 s5, $0xE  }
0xa9: {  	s5 =	sadd.s32 @p0 $0x11B8D, s5;
	s6 =	sshll.u32 @p0 s4, $0x11  }
0xaa: {  	s5 =	sor.u32 @p0 s6, s5  }
0xab: {  	[sflag:s5] =	ssyncadd.remote.s32 @p0 $0x1;
	_ =	sdelay $0x1  }
0xac: {  	s5 =	simm.s32 @p0 $0x1B8D  }
0xad: {  	_ =	swait.eq @p0 [sflag:s5], $0x1  }
0xae: {  	[sflag:s5] =	ssyncadd.s32 @p0 $0xFFFFFFFF  }
0xaf: {  	s6 =	sshll.u32 @!p0 s1, $0xE  }
0xb0: {  	s6 =	sor.u32 @!p0 $0x4000, s6;
	s5 =	simm.s32 @!p0 $0x1B8D  }
0xb1: {  	s4 =	sshll.u32 @!p0 s4, $0x11;
	s6 =	sadd.s32 @!p0 $0x11B8D, s6;
	_ =	swait.eq @!p0 [sflag:s5], $0x1  }
0xb2: {  	s4 =	sor.u32 @!p0 s4, s6;
	[sflag:s5] =	ssyncadd.s32 @!p0 $0xFFFFFFFF  }
0xb3: {  	s25 =	simm.s32 $0x1B8E;
	s24 =	sld [smem:$0x3FFE];
	[sflag:s4] =	ssyncadd.remote.s32 @!p0 $0x1  }
0xb4: {  	s26 =	simm.s32 $execute0_lowered;
	[smem:$0x3FD2] =	sst s25  }
0xb5: {  	s5 =	sshll.u32 s26, $0x1;
	_ =	strace $0x8000004C;
	[dreg:$0x1] =	wrdreg $0xFFFFFFFF  }
0xb6: {  	s28 =	simm.s32 $_size_execute0_lowered;
	s3 =	sadd.s32 s3, s5;
	[dreg:$0x0] =	wrdreg $0x0  }
0xb7: {  	s5 =	sshll.u32 s28, $0x1;
	[dreg:$0x2] =	wrdreg s3  }
0xb8: {  	[dreg:$0x3] =	wrdreg s5  }
0xb9: {  	[dreg:$0x4] =	wrdreg $0xC0  }
0xba: {  	_ =	task [dreg:s22], $0x5FFFF  }
0xbb: {  	[dreg:$0x1] =	wrdreg $0xFFFFFFFF  }
0xbc: {  	[dreg:$0x0] =	wrdreg $0x60  }
0xbd: {  	[dreg:$0x2] =	wrdreg s24  }
0xbe: {  	[dreg:$0x3] =	wrdreg $0xA8000  }
0xbf: {  	[dreg:$0x4] =	wrdreg $0xA  }
0xc0: {  	_ =	task.clear_ibuf [dreg:s22], $0x5FFFF;
	_ =	strace $0x9000004C  }
0xc1: {  	s29 =	simm.s32 $0xA;
	_ =	strace $0x8000004E  }
0xc2: {  	_ =	swait.ge [sflag:s29], $0x1  }
0xc3: {  	[sflag:s29] =	ssyncadd.s32 $0xFFFFFFFF  }
0xc4: {  	_ =	strace $0x9000004E  }
0xc5: {  	_ =	sfence  }
0xc6: {  	s30 =	sld [smem:$0x0];
	_ =	sdelay $0x2  }
0xc7: {  	s31 =	sshll.u32 s1, $0xD;
	s1 =	sshrl.u32 s1, $0x2  }
0xc8: {  	s4 =	sand.u32 $0x4000, s31;
	s1 =	sadd.s32 s1, s30  }
0xc9: {  	s0 =	sor.u32 s4, s0;
	s1 =	sshll.u32 s1, $0x11  }
0xca: {  	s0 =	sor.u32 s1, s0  }
0xcb: {  	s0 =	sadd.s32 $0x8F2B, s0  }
0xcc: {  	[sflag:s0] =	ssyncadd.remote.s32 $0x1  }
0xcd: {  	_ =	sfence.sel $0xFFFF  }
0xce: {  	[dreg:$0x0] =	wrdreg $0xFFFFFFFF;
	(pc) =	sbr.abs _section_cstart, $3  }
0xcf: {  	[dreg:$0x1] =	wrdreg $0xFFFFFFFF  }
0xd0: {  	_ =	task.clear_ibuf [dreg:s22], $0x2FFFF;
	_ =	strace $0x9FFFFFFF  }
0xd1: {  	(tm) =	ssettm $0x7FFFFFFF  }
tec
execute0_lowered:
.L_overlay_start_1:
0x0: {  	(tag) =	ssettag $0x1  }
0x1: {  	s8 =	rddreg [dreg:$0x0]  }
0x2: {  	s1 =	rddreg [dreg:$0x1]  }
0x3: {  	s0 =	rddreg [dreg:$0x2];
	s3 =	simm.s32 $0x0;
	s2 =	stileid.u32  }
0x4: {  	s7 =	srdreg.scid;
	s16 =	simm.s32 $0x2;
	s19 =	simm.s32 $0x50  }
0x5: {  	s20 =	simm.s32 $0x8000;
	s21 =	simm.s32 $0x1;
	s23 =	simm.s32 $0x0  }
0x6: {  	[smem:$0x7FF] =	sst s3;
	s4 =	sadd.s32 $0x16E00, s8;
	s6 =	sshll.u32 s2, $0xB  }
0x7: {  	s5 =	sadd.s32 $0x3E000, s8;
	s18 =	sand.u32 $0x1, s7;
	s10 =	smul.u32 $0x4E000, s2  }
0x8: {  	s7 =	sadd.s32 $0x67A00, s8;
	s31 =	sshll.u32 s2, $0x6;
	s13 =	smul.u32 $0x2700, s2  }
0x9: {  	s22 =	sadd.s32 $0x138000, s1;
	p0 =	sne.s32 s2, $0xF;
	p2 =	seq.s32 s2, $0xF  }
0xa: {  	_ =	strace $0x8000004D;
	s11 =	sadd.s32 s6, s8;
	s6 =	sadd.s32 $0x65200, s8  }
0xb: {  	s9 =	ssub.s32 $0x2, s18;
	s8 =	sadd.s32 $0x8EC00, s8;
	s17 =	sshrl.u32 @!p0 s22, $0x3  }
.Ltmp0:
0xc: {  	p1 =	sne.s32 s18, $0x0;
	s18 =	simm.s32 $0x4000;
	(pc) =	sbr.rel .LBB2_1-.Ltmp0, $4  }
0xd: {  	s22 =	sshrl.u32 s22, $0x3;
	s12 =	sshrl.u32 s9, $0x1;
	s30 =	sshrl.u32 s10, $0x2  }
0xe: {  	s10 =	sadd.s32 $0xEE00, s11;
	s11 =	sadd.s32 $0x6E00, s11;
	s14 =	ssub.s32 s9, s12  }
0xf: {  	s15 =	sadd.s32 s30, s1;
	s9 =	sor.u32 $0x1C02, s31;
	s12 =	sadd.s32 s8, s13  }
0x10: {  	s13 =	sadd.s32 s7, s13;
	s14 =	smax.u32 s14, $0x1;
	s15 =	sshrl.u32 s15, $0x3  }
.LBB2_8:
0x11: {  	s24 =	sadd.s32 $0x27000, s24  }
0x12: {  	[hbm:s24], [sflag:s9] =	dma.local [spmem:s22], $0x100  }
0x13: {  	_ =	swait.ge [sflag:s16], $0x100  }
0x14: {  	[sflag:s16] =	ssyncset.done $0x0  }
0x15: {  	[sflag:s16] =	ssyncadd.s32 $0xFFFFFF00  }
.LBB2_9:
0x16: {  	s23 =	sadd.s32 $0x1, s23  }
0x17: {  	p3 =	sne.s32 s23, s14  }
.Ltmp1:
0x18: {  	_ = 	snop;
	(pc) =	sbr.rel @!p3 .LBB2_10-.Ltmp1, $1  }
0x19: {  	_ =	sdelay $0x3  }
.LBB2_1:
0x1a: {  	[spmem:s15], [sflag:s9] =	dma.local [hbm:s6], $0x2700  }
0x1b: {  	_ =	swait.ge [sflag:s16], $0x2700  }
0x1c: {  	[sflag:s16] =	ssyncset.done $0x0  }
0x1d: {  	s24 =	simm.s32 @!p0 $0x2;
	[sflag:s16] =	ssyncadd.s32 $0xFFFFD900  }
0x1e: {  	[spmem:s17], [sflag:s9] =	dma.local @!p0 [hbm:s6], $0x100  }
0x1f: {  	_ =	swait.ge @!p0 [sflag:s24], $0x100  }
0x20: {  	[sflag:s24] =	ssyncset.done @!p0 $0x0  }
0x21: {  	[sflag:s24] =	ssyncadd.s32 @!p0 $0xFFFFFF00  }
0x22: {  	[tilespmem:s3], [sflag:$0x2] =	stream.linear.gather [hbm4b:s10+s3], $0x3E80, $0x38;
	[tilespmem:$0x1E080] =	vst v63  }
0x23: {  	_ =	swait.ge [sflag:s16], $0x3E80  }
0x24: {  	[sflag:s16] =	ssyncset.done $0x0  }
0x25: {  	[sflag:s16] =	ssyncadd.s32 $0xFFFFC180  }
0x26: {  	[tilespmem:s18], [sflag:$0x2] =	stream.linear.gather [hbm4b:s11+s3], $0x3E80, $0x38;
	[tilespmem:$0x1E080] =	vst v63  }
.Ltmp2:
0x27: {  	_ =	swait.ge [sflag:s16], $0x3E80;
	(pc) =	sbr.rel @p1 .LBB2_5-.Ltmp2, $4  }
0x28: {  	[sflag:s16] =	ssyncset.done $0x0  }
0x29: {  	[sflag:s16] =	ssyncadd.s32 $0xFFFFC180  }
0x2a: {  	[bflag:$0x0] =	sbarrier.arrive $0xFFFF  }
0x2b: {  	s24 =	simm.s32 $0x0  }
0x2c: {  	[tilespmem:s20], [sflag:$0x1] =	stream.indirect.gather [hbm4b:s4+s19], $0x80, s24, s19, $0xb8;
	[tilespmem:$0x1E080] =	vst v63  }
0x2d: {  	_ =	swait.ge [sflag:s21], $0x2800  }
0x2e: {  	[sflag:s21] =	ssyncset.done $0x0  }
0x2f: {  	s31 =	simm.s32 $0x4000;
	[sflag:s21] =	ssyncadd.s32 $0xFFFFD800  }
0x30: {  	[spmem:s1] =	stream.indirect.scatter.add.f32 [tilespmem:s20], [sflag:$0x2], $0x80, s31, s19, $0xb8;
	[tilespmem:$0x1E080] =	vst v63  }
0x31: {  	_ =	swait.ge [sflag:s16], $0x2800  }
0x32: {  	s24 =	simm.s32 $0x200;
	s25 =	simm.s32 $0x400;
	[sflag:s16] =	ssyncset.done $0x0  }
.LBB2_3:
0x33: {  	s26 =	sshra.s32 s24, $0x2  }
0x34: {  	[sflag:s16] =	ssyncadd.s32 $0xFFFFD800;
	s24 =	smov.u32 s25;
	s28 =	sadd.s32 $0x200, s25  }
0x35: {  	[tilespmem:s20], [sflag:$0x1] =	stream.indirect.gather [hbm4b:s4+s19], $0x80, s26, s19, $0xb8;
	[tilespmem:$0x1E080] =	vst v63  }
0x36: {  	p3 =	sne.s32 s25, $0xF800;
	_ =	swait.ge [sflag:s21], $0x2800  }
.Ltmp3:
0x37: {  	[sflag:s21] =	ssyncset.done $0x0;
	(pc) =	sbr.rel @p3 .LBB2_3-.Ltmp3, $4  }
0x38: {  	s25 =	sadd.s32 $0x4000, s26;
	[sflag:s21] =	ssyncadd.s32 $0xFFFFD800  }
0x39: {  	[spmem:s1] =	stream.indirect.scatter.add.f32 [tilespmem:s20], [sflag:$0x2], $0x80, s25, s19, $0xb8;
	[tilespmem:$0x1E080] =	vst v63  }
0x3a: {  	_ =	swait.ge [sflag:s16], $0x2800  }
0x3b: {  	s25 =	smov.u32 s28;
	[sflag:s16] =	ssyncset.done $0x0  }
0x3c: {  	s24 =	sshra.s32 s24, $0x2;
	[sflag:s16] =	ssyncadd.s32 $0xFFFFD800  }
0x3d: {  	[tilespmem:s20], [sflag:$0x1] =	stream.indirect.gather [hbm4b:s4+s19], $0x80, s24, s19, $0xb8;
	[tilespmem:$0x1E080] =	vst v63  }
0x3e: {  	_ =	swait.ge [sflag:s21], $0x2800  }
0x3f: {  	[sflag:s21] =	ssyncset.done $0x0  }
0x40: {  	s24 =	sadd.s32 $0x4000, s24;
	[sflag:s21] =	ssyncadd.s32 $0xFFFFD800  }
0x41: {  	[spmem:s1] =	stream.indirect.scatter.add.f32 [tilespmem:s20], [sflag:$0x2], $0x80, s24, s19, $0xb8;
	[tilespmem:$0x1E080] =	vst v63  }
0x42: {  	_ =	swait.ge [sflag:s16], $0x2800  }
0x43: {  	[sflag:s16] =	ssyncset.done $0x0  }
0x44: {  	[sflag:s16] =	ssyncadd.s32 $0xFFFFD800  }
0x45: {  	[bflag:$0x0] =	sbarrier.arrive $0xFFFF  }
0x46: {  	[hbm:s13], [sflag:s9] =	dma.local [spmem:s15], $0x2700  }
.Ltmp4:
0x47: {  	_ = 	snop;
	(pc) =	sbr.rel @p2 .LBB2_8-.Ltmp4, $4  }
.Ltmp5:
0x48: {  	_ = 	snop;
	(pc) =	sbr.rel @!p2 .LBB2_9-.Ltmp5, $4  }
0x49: {  	_ =	swait.ge [sflag:s16], $0x2700  }
0x4a: {  	[sflag:s16] =	ssyncset.done $0x0  }
0x4b: {  	s24 =	smov.u32 s7;
	[sflag:s16] =	ssyncadd.s32 $0xFFFFD900  }
0x4c: {  	_ = 	snop  }
.LBB2_5:
0x4d: {  	[tilespmem:s20], [sflag:$0x1] =	stream.indirect.gather [hbm4b:s5+s19], $0x80, s24, s19, $0xb8;
	[tilespmem:$0x1E080] =	vst v63  }
0x4e: {  	_ =	swait.ge [sflag:s21], $0x2800  }
0x4f: {  	[sflag:s21] =	ssyncset.done $0x0  }
0x50: {  	s31 =	simm.s32 $0x4000;
	[sflag:s21] =	ssyncadd.s32 $0xFFFFD800  }
0x51: {  	[spmem:s1] =	stream.indirect.scatter.add.f32 [tilespmem:s20], [sflag:$0x2], $0x80, s31, s19, $0xb8;
	[tilespmem:$0x1E080] =	vst v63  }
0x52: {  	_ =	swait.ge [sflag:s16], $0x2800  }
0x53: {  	s24 =	simm.s32 $0x200;
	s25 =	simm.s32 $0x400;
	[sflag:s16] =	ssyncset.done $0x0  }
.LBB2_6:
0x54: {  	s26 =	sshra.s32 s24, $0x2  }
0x55: {  	[sflag:s16] =	ssyncadd.s32 $0xFFFFD800;
	s24 =	smov.u32 s25;
	s28 =	sadd.s32 $0x200, s25  }
0x56: {  	[tilespmem:s20], [sflag:$0x1] =	stream.indirect.gather [hbm4b:s5+s19], $0x80, s26, s19, $0xb8;
	[tilespmem:$0x1E080] =	vst v63  }
0x57: {  	p3 =	sne.s32 s25, $0xF800;
	_ =	swait.ge [sflag:s21], $0x2800  }
.Ltmp6:
0x58: {  	[sflag:s21] =	ssyncset.done $0x0;
	(pc) =	sbr.rel @p3 .LBB2_6-.Ltmp6, $4  }
0x59: {  	s25 =	sadd.s32 $0x4000, s26;
	[sflag:s21] =	ssyncadd.s32 $0xFFFFD800  }
0x5a: {  	[spmem:s1] =	stream.indirect.scatter.add.f32 [tilespmem:s20], [sflag:$0x2], $0x80, s25, s19, $0xb8;
	[tilespmem:$0x1E080] =	vst v63  }
0x5b: {  	_ =	swait.ge [sflag:s16], $0x2800  }
0x5c: {  	s25 =	smov.u32 s28;
	[sflag:s16] =	ssyncset.done $0x0  }
0x5d: {  	s24 =	sshra.s32 s24, $0x2;
	[sflag:s16] =	ssyncadd.s32 $0xFFFFD800  }
0x5e: {  	[tilespmem:s20], [sflag:$0x1] =	stream.indirect.gather [hbm4b:s5+s19], $0x80, s24, s19, $0xb8;
	[tilespmem:$0x1E080] =	vst v63  }
0x5f: {  	_ =	swait.ge [sflag:s21], $0x2800  }
0x60: {  	[sflag:s21] =	ssyncset.done $0x0  }
0x61: {  	s24 =	sadd.s32 $0x4000, s24;
	[sflag:s21] =	ssyncadd.s32 $0xFFFFD800  }
0x62: {  	[spmem:s1] =	stream.indirect.scatter.add.f32 [tilespmem:s20], [sflag:$0x2], $0x80, s24, s19, $0xb8;
	[tilespmem:$0x1E080] =	vst v63  }
0x63: {  	_ =	swait.ge [sflag:s16], $0x2800  }
0x64: {  	[sflag:s16] =	ssyncset.done $0x0  }
0x65: {  	[sflag:s16] =	ssyncadd.s32 $0xFFFFD800  }
0x66: {  	[bflag:$0x0] =	sbarrier.arrive $0xFFFF  }
0x67: {  	[hbm:s12], [sflag:s9] =	dma.local [spmem:s15], $0x2700  }
.Ltmp7:
0x68: {  	_ = 	snop;
	(pc) =	sbr.rel @p0 .LBB2_9-.Ltmp7, $4  }
.Ltmp8:
0x69: {  	_ = 	snop;
	(pc) =	sbr.rel @!p0 .LBB2_8-.Ltmp8, $4  }
0x6a: {  	_ =	swait.ge [sflag:s16], $0x2700  }
0x6b: {  	[sflag:s16] =	ssyncset.done $0x0  }
0x6c: {  	s24 =	smov.u32 s8;
	[sflag:s16] =	ssyncadd.s32 $0xFFFFD900  }
0x6d: {  	_ = 	snop  }
.LBB2_10:
0x6e: {  	_ =	sfence.sel $0x180000  }
0x6f: {  	[bflag:$0x0] =	sbarrier.arrive $0xFFFF  }
0x70: {  	p0 =	sne.s32 s2, $0x0;
	_ =	strace $0x9000004D  }
0x71: {  	s0 =	sadd.s32 @!p0 $0x100000, s0;
	[bflag:$0x2] =	sbarrier.arrive $0xFFFF  }
0x72: {  	[sflag:s0] =	ssyncadd.tile.s32 @!p0 $0x1;
	_ =	shalt  }
.Lfunc_end2:
_tile_overlayer_lowered:
.L_overlay_start_2:
0x73: {  	(tag) =	ssettag $0x2  }
0x74: {  	s0 =	rddreg [dreg:$0x0];
	s2 =	stileid.u32  }
0x75: {  	s1 =	rddreg [dreg:$0x1];
	p0 =	sne.s32 s2, $0x0  }
0x76: {  	s3 =	rddreg [dreg:$0x2];
	[bflag:$0x3] =	sbarrier.arrive $0xFFFF;
	s2 =	simm.s32 @!p0 $0x1C02  }
0x77: {  	[timem:s3], [sflag:s2] =	dma.local @!p0 [hbm:s0], s1  }
0x78: {  	s0 =	simm.s32 @!p0 $0x2  }
0x79: {  	_ =	swait.ge @!p0 [sflag:s0], s1  }
0x7a: {  	s1 =	ssub.s32 @!p0 $0x0, s1;
	[sflag:s0] =	ssyncset.done @!p0 $0x0  }
0x7b: {  	[sflag:s0] =	ssyncadd.s32 @!p0 s1  }
0x7c: {  	[bflag:$0x3] =	sbarrier.arrive $0xFFFF  }
0x7d: {  	_ =	shalt  }

// kernel: kernel.19.cloned.1.call-start
scs
__scs_entry_jumppad:
0x0: {  	(pc) =	sbr.rel $0x88, $3  }
0x1: {  	(tag) =	ssettag $0x0;
	lr =	simm.s32 $0x1  }
0x2: {  	[smem:$0x3F88] =	sst lr;
	_ =	strace $0xD0000000  }
0x3: {  	_ = 	snop  }
0x4: {  	_ = 	snop  }
0x5: {  	_ = 	snop  }
0x6: {  	_ = 	snop  }
0x7: {  	_ = 	snop  }
__scs_overlays_trampoline_lowered:
0x8: {  	[smem:$0x3F97] =	sst s0  }
0x9: {  	[smem:$0x3F98] =	sst s1  }
0xa: {  	[smem:$0x3F99] =	sst s2  }
0xb: {  	[smem:$0x3F9A] =	sst s3  }
0xc: {  	[smem:$0x3F9B] =	sst s4  }
0xd: {  	[smem:$0x3F9C] =	sst s5  }
0xe: {  	[smem:$0x3F9D] =	sst s6  }
0xf: {  	[smem:$0x3F9E] =	sst s7  }
0x10: {  	[smem:$0x3F9F] =	sst s8  }
0x11: {  	[smem:$0x3FA0] =	sst s9;
	s0 =	simm.s32 @!p0 $0x0  }
0x12: {  	s1 =	sld [smem:$0x3F86];
	s0 =	simm.s32 @p0 $0x1  }
0x13: {  	[smem:$0x3FA1] =	sst s0;
	s0 =	simm.s32 @!p1 $0x0  }
0x14: {  	s2 =	sld [smem:$0x3F85];
	s0 =	simm.s32 @p1 $0x1  }
0x15: {  	[smem:$0x3FA2] =	sst s0;
	s0 =	simm.s32 @!p2 $0x0  }
0x16: {  	s3 =	sld [smem:$0x3FDB];
	s0 =	simm.s32 @p2 $0x1  }
0x17: {  	s4 =	simm.s32 $0x1BF5;
	[smem:$0x3FA4] =	sst s0  }
0x18: {  	s0 =	sld [smem:$0x3F87];
	_ =	swait.ge [sflag:s4], $0x0  }
0x19: {  	s7 =	sld [smem:$0x3F88]  }
0x1a: {  	s8 =	sadd.s32 $0xFFFFE003, lr  }
0x1b: {  	s9 =	sadd.s32 $0xFFFFFEF7, lr;
	s5 =	simm.s32 $0xFFFFFFFF;
	p2 =	slt.u32 s8, $0xFFFFF086  }
0x1c: {  	p1 =	slt.u32 s9, $0xF7A;
	s5 =	simm.s32 @!p2 $0x0  }
0x1d: {  	s5 =	simm.s32 @p1 $0x1;
	p0 =	seq.s32 s7, s2  }
0x1e: {  	s7 =	smul.u32 @!p0 $0xF7A, s2;
	p2 =	seq.s32 @!p0 s5, $0x0  }
0x1f: {  	s9 =	smul.u32 $0xF7A, s1;
	s8 =	simm.s32 @!p0 $0x1BF5;
	p2 =	por !p2, p0  }
0x20: {  	[sflag:s8] =	ssyncset.s32 @!p0 $0xFFFFF086;
	s6 =	sadd.s32 @!p0 s3, s7;
	s7 =	simm.s32 @!p0 $0x108  }
0x21: {  	s3 =	sadd.s32 s3, s9;
	s6 =	sadd.s32 @!p0 $0x88, s6;
	s7 =	simm.s32 @p2 $0x1082  }
0x22: {  	[simem:s7], [sflag:s8] =	dma.local @!p0 [hbm:s6], $0xF7A  }
0x23: {  	s9 =	sor.u32 $0xD0000000, s2;
	s6 =	simm.s32 $0x108;
	_ =	swait.ge @!p0 [sflag:s8], $0x0  }
0x24: {  	s3 =	sadd.s32 $0x88, s3;
	s6 =	simm.s32 @!p1 $0x1082;
	[sflag:s4] =	ssyncset.s32 $0xFFFFF086  }
0x25: {  	[simem:s6], [sflag:s4] =	dma.local [hbm:s3], $0xF7A  }
0x26: {  	[smem:$0x3F88] =	sst s1;
	(tag) =	ssettag s2;
	_ =	strace s9  }
0x27: {  	s1 =	sld [smem:$0x3F98]  }
0x28: {  	s2 =	sld [smem:$0x3F99]  }
0x29: {  	s4 =	sld [smem:$0x3F9B]  }
0x2a: {  	p0 =	seq.s32 s5, $0x0;
	s5 =	sld [smem:$0x3F9C]  }
0x2b: {  	s6 =	sld [smem:$0x3F9D]  }
0x2c: {  	s7 =	sld [smem:$0x3F9E]  }
0x2d: {  	s3 =	simm.s32 $0x108;
	s8 =	sld [smem:$0x3F9F]  }
0x2e: {  	s3 =	simm.s32 @!p0 $0x1082;
	s9 =	sld [smem:$0x3FA0]  }
0x2f: {  	lr =	sadd.s32 s0, s3;
	s0 =	sld [smem:$0x3F97]  }
0x30: {  	s3 =	sld [smem:$0x3F9A]  }
0x31: {  	[smem:$0x3FA3] =	sst s10  }
0x32: {  	s10 =	sld [smem:$0x3FA1];
	_ =	sdelay $0x3  }
0x33: {  	p0 =	seq.s32 s10, $0x1;
	s10 =	sld [smem:$0x3FA3];
	_ =	sdelay $0x3  }
0x34: {  	[smem:$0x3FA3] =	sst s10  }
0x35: {  	s10 =	sld [smem:$0x3FA2];
	_ =	sdelay $0x3  }
0x36: {  	p1 =	seq.s32 s10, $0x1;
	s10 =	sld [smem:$0x3FA3];
	_ =	sdelay $0x3  }
0x37: {  	[smem:$0x3FA3] =	sst s10  }
0x38: {  	s10 =	sld [smem:$0x3FA4]  }
0x39: {  	_ = 	snop;
	(pc) =	sbr.ind lr, $3  }
0x3a: {  	_ = 	snop  }
0x3b: {  	_ = 	snop  }
0x3c: {  	p2 =	seq.s32 s10, $0x1;
	s10 =	sld [smem:$0x3FA3]  }
0x3d: {  	_ =	shalt  }
0x3e: {  	_ =	shalt  }
0x3f: {  	_ =	shalt  }
0x40: {  	_ =	shalt  }
0x41: {  	_ =	shalt  }
0x42: {  	_ =	shalt  }
0x43: {  	_ =	shalt  }
0x44: {  	_ =	shalt  }
0x45: {  	_ =	shalt  }
0x46: {  	_ =	shalt  }
0x47: {  	_ =	shalt  }
0x48: {  	_ =	shalt  }
0x49: {  	_ =	shalt  }
0x4a: {  	_ =	shalt  }
0x4b: {  	_ =	shalt  }
0x4c: {  	_ =	shalt  }
0x4d: {  	_ =	shalt  }
0x4e: {  	_ =	shalt  }
0x4f: {  	_ =	shalt  }
0x50: {  	_ =	shalt  }
0x51: {  	_ =	shalt  }
0x52: {  	_ =	shalt  }
0x53: {  	_ =	shalt  }
0x54: {  	_ =	shalt  }
0x55: {  	_ =	shalt  }
0x56: {  	_ =	shalt  }
0x57: {  	_ =	shalt  }
0x58: {  	_ =	shalt  }
0x59: {  	_ =	shalt  }
0x5a: {  	_ =	shalt  }
0x5b: {  	_ =	shalt  }
0x5c: {  	_ =	shalt  }
0x5d: {  	_ =	shalt  }
0x5e: {  	_ =	shalt  }
0x5f: {  	_ =	shalt  }
0x60: {  	_ =	shalt  }
0x61: {  	_ =	shalt  }
0x62: {  	_ =	shalt  }
0x63: {  	_ =	shalt  }
0x64: {  	_ =	shalt  }
0x65: {  	_ =	shalt  }
0x66: {  	_ =	shalt  }
0x67: {  	_ =	shalt  }
0x68: {  	_ =	shalt  }
0x69: {  	_ =	shalt  }
0x6a: {  	_ =	shalt  }
0x6b: {  	_ =	shalt  }
0x6c: {  	_ =	shalt  }
0x6d: {  	_ =	shalt  }
0x6e: {  	_ =	shalt  }
0x6f: {  	_ =	shalt  }
0x70: {  	_ =	shalt  }
0x71: {  	_ =	shalt  }
0x72: {  	_ =	shalt  }
0x73: {  	_ =	shalt  }
0x74: {  	_ =	shalt  }
0x75: {  	_ =	shalt  }
0x76: {  	_ =	shalt  }
0x77: {  	_ =	shalt  }
0x78: {  	_ =	shalt  }
0x79: {  	_ =	shalt  }
0x7a: {  	_ =	shalt  }
0x7b: {  	_ =	shalt  }
0x7c: {  	_ =	shalt  }
0x7d: {  	_ =	shalt  }
0x7e: {  	_ =	shalt  }
0x7f: {  	_ =	shalt  }
0x80: {  	_ =	shalt  }
0x81: {  	_ =	shalt  }
0x82: {  	_ =	shalt  }
0x83: {  	_ =	shalt  }
0x84: {  	_ =	shalt  }
0x85: {  	_ =	shalt  }
0x86: {  	_ =	shalt  }
0x87: {  	_ =	shalt  }
.Lfunc_end0:
.L_simem_size_0:
called_computation.3_lowered:
.L_overlay_start_0:
0x88: {  	s2 =	sld [smem:$0x3FD9]  }
0x89: {  	s3 =	sld [smem:$0x3FFE];
	_ =	sdelay $0x1  }
0x8a: {  	s1 =	srdreg.scid  }
0x8b: {  	s0 =	sand.u32 $0x1, s1  }
0x8c: {  	s16 =	sshll.u32 s0, $0xA;
	s2 =	sadd.s32 s3, s2  }
0x8d: {  	s2 =	sadd.s32 s2, s16  }
0x8e: {  	[smem:$0x3FAF] =	sst s2  }
0x8f: {  	_ = 	snop  }
0x90: {  	(tm) =	ssettm $0x1  }
0x91: {  	s17 =	sld [smem:$0x3FFB];
	_ =	sdelay $0x3  }
0x92: {  	_ =	strace s17  }
0x93: {  	s2 =	sld [smem:$0x3FFC];
	_ =	sdelay $0x3  }
0x94: {  	_ =	strace s2  }
0x95: {  	s2 =	sld [smem:$0x3FFD];
	_ =	sdelay $0x3  }
0x96: {  	_ =	strace s2  }
0x97: {  	_ =	strace $0x8FFFFFFF  }
0x98: {  	s18 =	sld [smem:$0x3FDB];
	_ =	sdelay $0x1  }
0x99: {  	s19 =	simm.s32 $_scs_section_size  }
0x9a: {  	s4 =	simm.s32 $_size__tile_overlayer_lowered;
	s5 =	simm.s32 $_tile_overlayer_lowered  }
0x9b: {  	s22 =	simm.s32 $0x1BFF;
	s21 =	sshll.u32 s5, $0x1;
	s2 =	sadd.s32 s19, s18  }
0x9c: {  	s6 =	simm.s32 $0x0;
	s20 =	sshll.u32 s4, $0x1;
	s4 =	sadd.s32 s21, s2  }
0x9d: {  	[timem:s6], [sflag:s22] =	dma.local [hbm:s4], s20  }
0x9e: {  	_ =	swait.ge [sflag:s22], s20  }
0x9f: {  	s3 =	ssub.s32 $0x0, s20;
	[sflag:s22] =	ssyncset.done $0x0  }
0xa0: {  	[sflag:s22] =	ssyncadd.s32 s3;
	_ =	sdelay $0x1  }
0xa1: {  	s23 =	simm.s32 $0x1B8B  }
0xa2: {  	_ =	swait.ge [sflag:s23], $0x1  }
0xa3: {  	[sflag:s23] =	ssyncset.done $0x0  }
0xa4: {  	s25 =	simm.s32 $0x1B8E;
	s24 =	sld [smem:$0x3FFE];
	[sflag:s23] =	ssyncadd.s32 $0xFFFFFFFF  }
0xa5: {  	s26 =	simm.s32 $execute0_lowered;
	[smem:$0x3FD2] =	sst s25  }
0xa6: {  	s4 =	sshll.u32 s26, $0x1;
	_ =	strace $0x8000004F;
	[dreg:$0x1] =	wrdreg $0xFFFFFFFF  }
0xa7: {  	s28 =	simm.s32 $_size_execute0_lowered;
	s2 =	sadd.s32 s2, s4;
	[dreg:$0x0] =	wrdreg $0x0  }
0xa8: {  	s4 =	sshll.u32 s28, $0x1;
	[dreg:$0x2] =	wrdreg s2  }
0xa9: {  	[dreg:$0x3] =	wrdreg s4  }
0xaa: {  	[dreg:$0x4] =	wrdreg $0xC0  }
0xab: {  	_ =	task [dreg:s6], $0x5FFFF  }
0xac: {  	[dreg:$0x1] =	wrdreg $0xFFFFFFFF  }
0xad: {  	[dreg:$0x0] =	wrdreg $0x60  }
0xae: {  	[dreg:$0x2] =	wrdreg s24  }
0xaf: {  	[dreg:$0x3] =	wrdreg $0xA8000  }
0xb0: {  	[dreg:$0x4] =	wrdreg $0x9  }
0xb1: {  	_ =	task.clear_ibuf [dreg:s6], $0x5FFFF;
	_ =	strace $0x9000004F  }
0xb2: {  	s29 =	simm.s32 $0x9;
	_ =	strace $0x80000051  }
0xb3: {  	_ =	swait.ge [sflag:s29], $0x1  }
0xb4: {  	[sflag:s29] =	ssyncadd.s32 $0xFFFFFFFF  }
0xb5: {  	_ =	strace $0x90000051  }
0xb6: {  	_ =	sfence  }
0xb7: {  	s30 =	sld [smem:$0x0];
	_ =	sdelay $0x2  }
0xb8: {  	s31 =	sshll.u32 s1, $0xD;
	s1 =	sshrl.u32 s1, $0x2  }
0xb9: {  	s3 =	sand.u32 $0x4000, s31;
	s1 =	sadd.s32 s1, s30  }
0xba: {  	s0 =	sor.u32 s3, s0;
	s1 =	sshll.u32 s1, $0x11  }
0xbb: {  	s0 =	sor.u32 s1, s0  }
0xbc: {  	s0 =	sadd.s32 $0x8F2B, s0  }
0xbd: {  	[sflag:s0] =	ssyncadd.remote.s32 $0x1  }
0xbe: {  	_ =	sfence.sel $0xFFFF  }
0xbf: {  	[dreg:$0x0] =	wrdreg $0xFFFFFFFF;
	(pc) =	sbr.abs _section_cstart, $3  }
0xc0: {  	[dreg:$0x1] =	wrdreg $0xFFFFFFFF  }
0xc1: {  	_ =	task.clear_ibuf [dreg:s6], $0x2FFFF;
	_ =	strace $0x9FFFFFFF  }
0xc2: {  	(tm) =	ssettm $0x7FFFFFFF  }
0xc3: {  	_ =	shalt  }
tec
execute0_lowered:
.L_overlay_start_1:
0x0: {  	(tag) =	ssettag $0x1  }
0x1: {  	s8 =	rddreg [dreg:$0x0]  }
0x2: {  	s1 =	rddreg [dreg:$0x1]  }
0x3: {  	s0 =	rddreg [dreg:$0x2];
	s3 =	simm.s32 $0x0;
	s2 =	stileid.u32  }
0x4: {  	s7 =	srdreg.scid;
	s16 =	simm.s32 $0x2;
	s19 =	simm.s32 $0x50  }
0x5: {  	s20 =	simm.s32 $0x8000;
	s21 =	simm.s32 $0x1;
	s23 =	simm.s32 $0x0  }
0x6: {  	[smem:$0x7FF] =	sst s3;
	s4 =	sadd.s32 $0x16E00, s8;
	s6 =	sshll.u32 s2, $0xB  }
0x7: {  	s5 =	sadd.s32 $0x3E000, s8;
	s18 =	sand.u32 $0x1, s7;
	s10 =	smul.u32 $0x4E000, s2  }
0x8: {  	s7 =	sadd.s32 $0x67A00, s8;
	s31 =	sshll.u32 s2, $0x6;
	s13 =	smul.u32 $0x2700, s2  }
0x9: {  	s22 =	sadd.s32 $0x138000, s1;
	p0 =	sne.s32 s2, $0xF;
	p2 =	seq.s32 s2, $0xF  }
0xa: {  	_ =	strace $0x80000050;
	s11 =	sadd.s32 s6, s8;
	s6 =	sadd.s32 $0x65200, s8  }
0xb: {  	s9 =	ssub.s32 $0x2, s18;
	s8 =	sadd.s32 $0x8EC00, s8;
	s17 =	sshrl.u32 @!p0 s22, $0x3  }
.Ltmp0:
0xc: {  	p1 =	sne.s32 s18, $0x0;
	s18 =	simm.s32 $0x4000;
	(pc) =	sbr.rel .LBB2_1-.Ltmp0, $4  }
0xd: {  	s22 =	sshrl.u32 s22, $0x3;
	s12 =	sshrl.u32 s9, $0x1;
	s30 =	sshrl.u32 s10, $0x2  }
0xe: {  	s10 =	sadd.s32 $0xEE00, s11;
	s11 =	sadd.s32 $0x6E00, s11;
	s14 =	ssub.s32 s9, s12  }
0xf: {  	s15 =	sadd.s32 s30, s1;
	s9 =	sor.u32 $0x1C02, s31;
	s12 =	sadd.s32 s8, s13  }
0x10: {  	s13 =	sadd.s32 s7, s13;
	s14 =	smax.u32 s14, $0x1;
	s15 =	sshrl.u32 s15, $0x3  }
.LBB2_8:
0x11: {  	s24 =	sadd.s32 $0x27000, s24  }
0x12: {  	[hbm:s24], [sflag:s9] =	dma.local [spmem:s22], $0x100  }
0x13: {  	_ =	swait.ge [sflag:s16], $0x100  }
0x14: {  	[sflag:s16] =	ssyncset.done $0x0  }
0x15: {  	[sflag:s16] =	ssyncadd.s32 $0xFFFFFF00  }
.LBB2_9:
0x16: {  	s23 =	sadd.s32 $0x1, s23  }
0x17: {  	p3 =	sne.s32 s23, s14  }
.Ltmp1:
0x18: {  	_ = 	snop;
	(pc) =	sbr.rel @!p3 .LBB2_10-.Ltmp1, $1  }
0x19: {  	_ =	sdelay $0x3  }
.LBB2_1:
0x1a: {  	[spmem:s15], [sflag:s9] =	dma.local [hbm:s6], $0x2700  }
0x1b: {  	_ =	swait.ge [sflag:s16], $0x2700  }
0x1c: {  	[sflag:s16] =	ssyncset.done $0x0  }
0x1d: {  	s24 =	simm.s32 @!p0 $0x2;
	[sflag:s16] =	ssyncadd.s32 $0xFFFFD900  }
0x1e: {  	[spmem:s17], [sflag:s9] =	dma.local @!p0 [hbm:s6], $0x100  }
0x1f: {  	_ =	swait.ge @!p0 [sflag:s24], $0x100  }
0x20: {  	[sflag:s24] =	ssyncset.done @!p0 $0x0  }
0x21: {  	[sflag:s24] =	ssyncadd.s32 @!p0 $0xFFFFFF00  }
0x22: {  	[tilespmem:s3], [sflag:$0x2] =	stream.linear.gather [hbm4b:s10+s3], $0x3E80, $0x38;
	[tilespmem:$0x1E080] =	vst v63  }
0x23: {  	_ =	swait.ge [sflag:s16], $0x3E80  }
0x24: {  	[sflag:s16] =	ssyncset.done $0x0  }
0x25: {  	[sflag:s16] =	ssyncadd.s32 $0xFFFFC180  }
0x26: {  	[tilespmem:s18], [sflag:$0x2] =	stream.linear.gather [hbm4b:s11+s3], $0x3E80, $0x38;
	[tilespmem:$0x1E080] =	vst v63  }
.Ltmp2:
0x27: {  	_ =	swait.ge [sflag:s16], $0x3E80;
	(pc) =	sbr.rel @p1 .LBB2_5-.Ltmp2, $4  }
0x28: {  	[sflag:s16] =	ssyncset.done $0x0  }
0x29: {  	[sflag:s16] =	ssyncadd.s32 $0xFFFFC180  }
0x2a: {  	[bflag:$0x0] =	sbarrier.arrive $0xFFFF  }
0x2b: {  	s24 =	simm.s32 $0x0  }
0x2c: {  	[tilespmem:s20], [sflag:$0x1] =	stream.indirect.gather [hbm4b:s4+s19], $0x80, s24, s19, $0xb8;
	[tilespmem:$0x1E080] =	vst v63  }
0x2d: {  	_ =	swait.ge [sflag:s21], $0x2800  }
0x2e: {  	[sflag:s21] =	ssyncset.done $0x0  }
0x2f: {  	s31 =	simm.s32 $0x4000;
	[sflag:s21] =	ssyncadd.s32 $0xFFFFD800  }
0x30: {  	[spmem:s1] =	stream.indirect.scatter.add.f32 [tilespmem:s20], [sflag:$0x2], $0x80, s31, s19, $0xb8;
	[tilespmem:$0x1E080] =	vst v63  }
0x31: {  	_ =	swait.ge [sflag:s16], $0x2800  }
0x32: {  	s24 =	simm.s32 $0x200;
	s25 =	simm.s32 $0x400;
	[sflag:s16] =	ssyncset.done $0x0  }
.LBB2_3:
0x33: {  	s26 =	sshra.s32 s24, $0x2  }
0x34: {  	[sflag:s16] =	ssyncadd.s32 $0xFFFFD800;
	s24 =	smov.u32 s25;
	s28 =	sadd.s32 $0x200, s25  }
0x35: {  	[tilespmem:s20], [sflag:$0x1] =	stream.indirect.gather [hbm4b:s4+s19], $0x80, s26, s19, $0xb8;
	[tilespmem:$0x1E080] =	vst v63  }
0x36: {  	p3 =	sne.s32 s25, $0xF800;
	_ =	swait.ge [sflag:s21], $0x2800  }
.Ltmp3:
0x37: {  	[sflag:s21] =	ssyncset.done $0x0;
	(pc) =	sbr.rel @p3 .LBB2_3-.Ltmp3, $4  }
0x38: {  	s25 =	sadd.s32 $0x4000, s26;
	[sflag:s21] =	ssyncadd.s32 $0xFFFFD800  }
0x39: {  	[spmem:s1] =	stream.indirect.scatter.add.f32 [tilespmem:s20], [sflag:$0x2], $0x80, s25, s19, $0xb8;
	[tilespmem:$0x1E080] =	vst v63  }
0x3a: {  	_ =	swait.ge [sflag:s16], $0x2800  }
0x3b: {  	s25 =	smov.u32 s28;
	[sflag:s16] =	ssyncset.done $0x0  }
0x3c: {  	s24 =	sshra.s32 s24, $0x2;
	[sflag:s16] =	ssyncadd.s32 $0xFFFFD800  }
0x3d: {  	[tilespmem:s20], [sflag:$0x1] =	stream.indirect.gather [hbm4b:s4+s19], $0x80, s24, s19, $0xb8;
	[tilespmem:$0x1E080] =	vst v63  }
0x3e: {  	_ =	swait.ge [sflag:s21], $0x2800  }
0x3f: {  	[sflag:s21] =	ssyncset.done $0x0  }
0x40: {  	s24 =	sadd.s32 $0x4000, s24;
	[sflag:s21] =	ssyncadd.s32 $0xFFFFD800  }
0x41: {  	[spmem:s1] =	stream.indirect.scatter.add.f32 [tilespmem:s20], [sflag:$0x2], $0x80, s24, s19, $0xb8;
	[tilespmem:$0x1E080] =	vst v63  }
0x42: {  	_ =	swait.ge [sflag:s16], $0x2800  }
0x43: {  	[sflag:s16] =	ssyncset.done $0x0  }
0x44: {  	[sflag:s16] =	ssyncadd.s32 $0xFFFFD800  }
0x45: {  	[bflag:$0x0] =	sbarrier.arrive $0xFFFF  }
0x46: {  	[hbm:s13], [sflag:s9] =	dma.local [spmem:s15], $0x2700  }
.Ltmp4:
0x47: {  	_ = 	snop;
	(pc) =	sbr.rel @p2 .LBB2_8-.Ltmp4, $4  }
.Ltmp5:
0x48: {  	_ = 	snop;
	(pc) =	sbr.rel @!p2 .LBB2_9-.Ltmp5, $4  }
0x49: {  	_ =	swait.ge [sflag:s16], $0x2700  }
0x4a: {  	[sflag:s16] =	ssyncset.done $0x0  }
0x4b: {  	s24 =	smov.u32 s7;
	[sflag:s16] =	ssyncadd.s32 $0xFFFFD900  }
0x4c: {  	_ = 	snop  }
.LBB2_5:
0x4d: {  	[tilespmem:s20], [sflag:$0x1] =	stream.indirect.gather [hbm4b:s5+s19], $0x80, s24, s19, $0xb8;
	[tilespmem:$0x1E080] =	vst v63  }
0x4e: {  	_ =	swait.ge [sflag:s21], $0x2800  }
0x4f: {  	[sflag:s21] =	ssyncset.done $0x0  }
0x50: {  	s31 =	simm.s32 $0x4000;
	[sflag:s21] =	ssyncadd.s32 $0xFFFFD800  }
0x51: {  	[spmem:s1] =	stream.indirect.scatter.add.f32 [tilespmem:s20], [sflag:$0x2], $0x80, s31, s19, $0xb8;
	[tilespmem:$0x1E080] =	vst v63  }
0x52: {  	_ =	swait.ge [sflag:s16], $0x2800  }
0x53: {  	s24 =	simm.s32 $0x200;
	s25 =	simm.s32 $0x400;
	[sflag:s16] =	ssyncset.done $0x0  }
.LBB2_6:
0x54: {  	s26 =	sshra.s32 s24, $0x2  }
0x55: {  	[sflag:s16] =	ssyncadd.s32 $0xFFFFD800;
	s24 =	smov.u32 s25;
	s28 =	sadd.s32 $0x200, s25  }
0x56: {  	[tilespmem:s20], [sflag:$0x1] =	stream.indirect.gather [hbm4b:s5+s19], $0x80, s26, s19, $0xb8;
	[tilespmem:$0x1E080] =	vst v63  }
0x57: {  	p3 =	sne.s32 s25, $0xF800;
	_ =	swait.ge [sflag:s21], $0x2800  }
.Ltmp6:
0x58: {  	[sflag:s21] =	ssyncset.done $0x0;
	(pc) =	sbr.rel @p3 .LBB2_6-.Ltmp6, $4  }
0x59: {  	s25 =	sadd.s32 $0x4000, s26;
	[sflag:s21] =	ssyncadd.s32 $0xFFFFD800  }
0x5a: {  	[spmem:s1] =	stream.indirect.scatter.add.f32 [tilespmem:s20], [sflag:$0x2], $0x80, s25, s19, $0xb8;
	[tilespmem:$0x1E080] =	vst v63  }
0x5b: {  	_ =	swait.ge [sflag:s16], $0x2800  }
0x5c: {  	s25 =	smov.u32 s28;
	[sflag:s16] =	ssyncset.done $0x0  }
0x5d: {  	s24 =	sshra.s32 s24, $0x2;
	[sflag:s16] =	ssyncadd.s32 $0xFFFFD800  }
0x5e: {  	[tilespmem:s20], [sflag:$0x1] =	stream.indirect.gather [hbm4b:s5+s19], $0x80, s24, s19, $0xb8;
	[tilespmem:$0x1E080] =	vst v63  }
0x5f: {  	_ =	swait.ge [sflag:s21], $0x2800  }
0x60: {  	[sflag:s21] =	ssyncset.done $0x0  }
0x61: {  	s24 =	sadd.s32 $0x4000, s24;
	[sflag:s21] =	ssyncadd.s32 $0xFFFFD800  }
0x62: {  	[spmem:s1] =	stream.indirect.scatter.add.f32 [tilespmem:s20], [sflag:$0x2], $0x80, s24, s19, $0xb8;
	[tilespmem:$0x1E080] =	vst v63  }
0x63: {  	_ =	swait.ge [sflag:s16], $0x2800  }
0x64: {  	[sflag:s16] =	ssyncset.done $0x0  }
0x65: {  	[sflag:s16] =	ssyncadd.s32 $0xFFFFD800  }
0x66: {  	[bflag:$0x0] =	sbarrier.arrive $0xFFFF  }
0x67: {  	[hbm:s12], [sflag:s9] =	dma.local [spmem:s15], $0x2700  }
.Ltmp7:
0x68: {  	_ = 	snop;
	(pc) =	sbr.rel @p0 .LBB2_9-.Ltmp7, $4  }
.Ltmp8:
0x69: {  	_ = 	snop;
	(pc) =	sbr.rel @!p0 .LBB2_8-.Ltmp8, $4  }
0x6a: {  	_ =	swait.ge [sflag:s16], $0x2700  }
0x6b: {  	[sflag:s16] =	ssyncset.done $0x0  }
0x6c: {  	s24 =	smov.u32 s8;
	[sflag:s16] =	ssyncadd.s32 $0xFFFFD900  }
0x6d: {  	_ = 	snop  }
.LBB2_10:
0x6e: {  	_ =	sfence.sel $0x180000  }
0x6f: {  	[bflag:$0x0] =	sbarrier.arrive $0xFFFF  }
0x70: {  	p0 =	sne.s32 s2, $0x0;
	_ =	strace $0x90000050  }
0x71: {  	s0 =	sadd.s32 @!p0 $0x100000, s0;
	[bflag:$0x2] =	sbarrier.arrive $0xFFFF  }
0x72: {  	[sflag:s0] =	ssyncadd.tile.s32 @!p0 $0x1;
	_ =	shalt  }
.Lfunc_end2:
_tile_overlayer_lowered:
.L_overlay_start_2:
0x73: {  	(tag) =	ssettag $0x2  }
0x74: {  	s0 =	rddreg [dreg:$0x0];
	s2 =	stileid.u32  }
0x75: {  	s1 =	rddreg [dreg:$0x1];
	p0 =	sne.s32 s2, $0x0  }
0x76: {  	s3 =	rddreg [dreg:$0x2];
	[bflag:$0x3] =	sbarrier.arrive $0xFFFF;
	s2 =	simm.s32 @!p0 $0x1C02  }
0x77: {  	[timem:s3], [sflag:s2] =	dma.local @!p0 [hbm:s0], s1  }
0x78: {  	s0 =	simm.s32 @!p0 $0x2  }
0x79: {  	_ =	swait.ge @!p0 [sflag:s0], s1  }
0x7a: {  	s1 =	ssub.s32 @!p0 $0x0, s1;
	[sflag:s0] =	ssyncset.done @!p0 $0x0  }
0x7b: {  	[sflag:s0] =	ssyncadd.s32 @!p0 s1  }
0x7c: {  	[bflag:$0x3] =	sbarrier.arrive $0xFFFF  }
0x7d: {  	_ =	shalt  }

</sc_bundles>
